<compile_context>
chip_gen: v7x
topology: tpu7x:2x2x1
jax: 0.10.2.dev20260603
libtpu: 0.0.44.dev20260713+nightly
codegen_flags: <defaults>
</compile_context>

<pallas_src>
import functools

import jax
import jax.numpy as jnp
from jax import lax
from jax.experimental import pallas as pl
from jax.experimental.pallas import tpu as pltpu
from jax.experimental.pallas import tpu_sc as plsc

N = 50000
E = 800000
BLK = 3584
NP = 50176
G = NP // BLK

NC = 2
NS = 16
L = 16
E_PAD = 802816
EPT = E_PAD // (NC * NS)
VECS = EPT // L
UNR = 8
NCHUNK = 4
CH = NP // NCHUNK
SLICE = CH // NS



def _sc_hist_body(row_hbm, out_hbm, idx_v, hist_v, acc_v, tmp_v, shared, sem):
    c = lax.axis_index("c")
    s = lax.axis_index("s")
    wid = c * NS + s
    zeros = jnp.zeros((L,), jnp.float32)
    ones = jnp.ones((L,), jnp.float32)

    cp = pltpu.async_copy(row_hbm.at[pl.ds(wid * EPT, EPT)], idx_v, sem)

    def zbody(j, carry):
        for u in range(UNR):
            hist_v[pl.ds(j * (L * UNR) + u * L, L)] = zeros
        return carry
    lax.fori_loop(0, NP // (L * UNR), zbody, 0)

    cp.wait()

    def sbody(j, carry):
        for u in range(UNR):
            idx = idx_v[pl.ds(j * (L * UNR) + u * L, L)]
            plsc.addupdate_scatter(hist_v, [idx], ones)
        return carry
    lax.fori_loop(0, VECS // UNR, sbody, 0)

    for ph in range(NCHUNK):
        pltpu.sync_copy(hist_v.at[pl.ds(ph * CH, CH)],
                        shared.at[pl.ds(s * CH, CH)])
        plsc.subcore_barrier()

        pltpu.sync_copy(shared.at[pl.ds(s * SLICE, SLICE)], acc_v)

        def rbody(r, carry):
            pltpu.sync_copy(shared.at[pl.ds(r * CH + s * SLICE, SLICE)], tmp_v)

            def abody(j, carry2):
                for u in range(7):
                    o = j * (L * 7) + u * L
                    acc_v[pl.ds(o, L)] = acc_v[pl.ds(o, L)] + tmp_v[pl.ds(o, L)]
                return carry2
            lax.fori_loop(0, SLICE // (L * 7), abody, 0)
            return carry
        lax.fori_loop(1, NS, rbody, 0)

        pltpu.sync_copy(
            acc_v, out_hbm.at[pl.ds(c * NP + ph * CH + s * SLICE, SLICE)])
        plsc.subcore_barrier()


@functools.cache
def _sc_hist_build():
    return functools.partial(
        pl.kernel,
        out_type=jax.ShapeDtypeStruct((NC * NP,), jnp.float32),
        mesh=plsc.VectorSubcoreMesh(
            core_axis_name="c", subcore_axis_name="s",
            num_cores=NC, num_subcores=NS),
        scratch_types=[
            pltpu.VMEM((EPT,), jnp.int32),
            pltpu.VMEM((NP,), jnp.float32),
            pltpu.VMEM((SLICE,), jnp.float32),
            pltpu.VMEM((SLICE,), jnp.float32),
            pltpu.VMEM_SHARED((NS * CH,), jnp.float32),
            pltpu.SemaphoreType.DMA,
        ],
        compiler_params=pltpu.CompilerParams(needs_layout_passes=False),
    )(_sc_hist_body)



R = BLK // 2
GP = NP // 2


def _tc_body(x1_ref, x2_ref, c0_ref, c1_ref, e2_ref, msk_ref,
             ew_ref, eb_ref, *rest):
    lw = rest[:36]
    (pw_ref, pb_ref, qy_ref, wq_ref, bq_ref,
     wk_ref, bk_ref, wv_ref, bv_ref, hp_ref, hbd_ref,
     wo_ref, bo_ref, p1w_ref, p1b_ref, lng_ref, lnb_ref,
     p2w_ref, p2b_ref, out_ref, m_sc, l_sc, a_sc,
     wsd_sc, bsd_sc, wvd_sc, bvd_sc,
     ew1_s, ew2_s, ebp_s,
     w1d_sc, b1d_sc, w2d_sc, b2d_sc, w3d_sc, b3d_sc) = rest[36:]
    i = pl.program_id(0)
    f32 = jnp.float32
    HI = jax.lax.Precision.HIGHEST

    @pl.when(i == 0)
    def _init():
        m_sc[...] = jnp.full((1, 4), -1e30, jnp.float32)
        l_sc[...] = jnp.zeros((1, 256), jnp.float32)
        a_sc[...] = jnp.zeros((1, 256), jnp.float32)
        ew_r = ew_ref[...]
        zew = jnp.zeros((128, 64), f32)
        ew1_s[...] = jnp.concatenate([ew_r, zew], 1)
        ew2_s[...] = jnp.concatenate([zew, ew_r], 1)
        ebp_s[...] = jnp.concatenate([eb_ref[...], eb_ref[...]], 1)
        z1 = jnp.zeros((64, 64), f32)
        z2 = jnp.zeros((64, 128), f32)
        z3 = jnp.zeros((128, 64), f32)
        for lyr in range(6):
            w1 = lw[lyr * 6 + 0][...]
            b1 = lw[lyr * 6 + 1][...]
            w2 = lw[lyr * 6 + 2][...]
            b2 = lw[lyr * 6 + 3][...]
            w3 = lw[lyr * 6 + 4][...]
            b3 = lw[lyr * 6 + 5][...]
            w1d_sc[lyr] = jnp.concatenate(
                [jnp.concatenate([w1, z1], 1), jnp.concatenate([z1, w1], 1)], 0)
            b1d_sc[lyr] = jnp.concatenate([b1, b1], 1)
            w2d_sc[lyr] = jnp.concatenate(
                [jnp.concatenate([w2, z2], 1), jnp.concatenate([z2, w2], 1)], 0)
            b2d_sc[lyr] = jnp.concatenate([b2, b2], 1)
            w3d_sc[lyr] = jnp.concatenate(
                [jnp.concatenate([w3, z3], 1), jnp.concatenate([z3, w3], 1)], 0)
            b3d_sc[lyr] = jnp.concatenate([b3, b3], 1)
        q = jnp.dot(qy_ref[...], wq_ref[...], preferred_element_type=f32,
                    precision=HI) + bq_ref[...]
        rr = lax.broadcasted_iota(jnp.int32, (256, 256), 0)
        cc = lax.broadcasted_iota(jnp.int32, (256, 256), 1)
        diag_q = jnp.where(rr == cc, jnp.ones((256, 1), f32) * q, 0.0)
        qhp = jnp.dot(diag_q, hp_ref[...], preferred_element_type=f32,
                      precision=HI)
        pwk = jnp.dot(pw_ref[...], wk_ref[...], preferred_element_type=f32,
                      precision=HI)
        ws = jnp.dot(pwk, qhp, preferred_element_type=f32, precision=HI) * 0.125
        kb = jnp.dot(pb_ref[...], wk_ref[...], preferred_element_type=f32,
                     precision=HI) + bk_ref[...]
        bs = jnp.dot(kb, qhp, preferred_element_type=f32, precision=HI) * 0.125
        wv = jnp.dot(pw_ref[...], wv_ref[...], preferred_element_type=f32,
                     precision=HI)
        bv = jnp.dot(pb_ref[...], wv_ref[...], preferred_element_type=f32,
                     precision=HI) + bv_ref[...]
        zs = jnp.zeros((64, 4), f32)
        wsd_sc[...] = jnp.concatenate(
            [jnp.concatenate([ws, zs], 1), jnp.concatenate([zs, ws], 1)], 0)
        bsd_sc[...] = jnp.concatenate([bs, bs], 1)
        zv = jnp.zeros((64, 256), f32)
        wvd_sc[...] = jnp.concatenate(
            [jnp.concatenate([wv, zv], 1), jnp.concatenate([zv, wv], 1)], 0)
        bvd_sc[...] = jnp.concatenate([bv, bv], 1)

    h = (jnp.dot(x1_ref[...], ew1_s[...], preferred_element_type=f32)
         + jnp.dot(x2_ref[...], ew2_s[...], preferred_element_type=f32)
         + ebp_s[...])
    cntw = jnp.dot(c0_ref[...] + c1_ref[...], e2_ref[...],
                   preferred_element_type=f32)
    for lyr in range(6):
        t = jnp.maximum(
            jnp.dot(h, w1d_sc[lyr], preferred_element_type=f32) + b1d_sc[lyr], 0.0)
        t = jnp.maximum(
            jnp.dot(t, w2d_sc[lyr], preferred_element_type=f32) + b2d_sc[lyr], 0.0)
        t = jnp.dot(t, w3d_sc[lyr], preferred_element_type=f32) + b3d_sc[lyr]
        h = h + cntw * t

    h = jnp.where(msk_ref[:, 0:1] > -1e29, h, 0.0)
    s8 = (jnp.dot(h, wsd_sc[...], preferred_element_type=f32, precision=HI)
          + bsd_sc[...] + msk_ref[...])

    m_old = m_sc[...]
    m8 = jnp.max(s8, axis=0, keepdims=True)
    m_new = jnp.maximum(m_old, jnp.maximum(m8[:, 0:4], m8[:, 4:8]))
    hbd = hbd_ref[...]
    corr256 = jnp.dot(jnp.exp(m_old - m_new), hbd[0:4, 0:256],
                      preferred_element_type=f32)
    p8 = jnp.exp(s8 - jnp.concatenate([m_new, m_new], 1))
    hp8 = lax.dot_general(p8, h, (((0,), (0,)), ((), ())),
                          preferred_element_type=f32)
    pvt = jnp.dot(hp8, wvd_sc[...], preferred_element_type=f32)
    sl8 = jnp.sum(p8, axis=0, keepdims=True)
    lc = jnp.dot(sl8, hbd, preferred_element_type=f32)
    sa = (jnp.dot(jnp.ones((1, 8), f32), pvt * hbd, preferred_element_type=f32)
          + bvd_sc[...] * lc)
    l_new = l_sc[...] * corr256 + lc[:, 0:256] + lc[:, 256:512]
    a_new = a_sc[...] * corr256 + sa[:, 0:256] + sa[:, 256:512]
    m_sc[...] = m_new
    l_sc[...] = l_new
    a_sc[...] = a_new

    @pl.when(i == G - 1)
    def _fin():
        ctx = a_new / l_new
        pooled = jnp.maximum(
            jnp.dot(ctx, wo_ref[...], preferred_element_type=f32) + bo_ref[...], 0.0)
        p1 = jnp.maximum(
            jnp.dot(pooled, p1w_ref[...], preferred_element_type=f32) + p1b_ref[...], 0.0)
        mu = jnp.mean(p1, axis=-1, keepdims=True)
        var = jnp.mean((p1 - mu) ** 2, axis=-1, keepdims=True)
        p2 = (p1 - mu) * lax.rsqrt(var + 1e-5) * lng_ref[...] + lnb_ref[...]
        out_ref[...] = jnp.dot(p2, p2w_ref[...], preferred_element_type=f32) + p2b_ref[...]


def _full(shape):
    return pl.BlockSpec(shape, lambda i: (0,) * len(shape))


def _tc_build(interpret=False):
    in_specs = [
        pl.BlockSpec((R, 128), lambda i: (2 * i, 0)),
        pl.BlockSpec((R, 128), lambda i: (2 * i + 1, 0)),
        pl.BlockSpec((R, 2), lambda i: (i, 0)),
        pl.BlockSpec((R, 2), lambda i: (i, 0)),
        _full((2, 128)),
        pl.BlockSpec((R, 8), lambda i: (i, 0)),
        _full((128, 64)), _full((1, 64)),
    ] + [
        spec
        for _ in range(6)
        for spec in (_full((64, 64)), _full((1, 64)),
                     _full((64, 128)), _full((1, 128)),
                     _full((128, 64)), _full((1, 64)))
    ] + [
        _full((64, 256)), _full((1, 256)),
        _full((1, 256)),
        _full((256, 256)), _full((1, 256)),
        _full((256, 256)), _full((1, 256)),
        _full((256, 256)), _full((1, 256)),
        _full((256, 4)), _full((8, 512)),
        _full((256, 256)), _full((1, 256)),
        _full((256, 64)), _full((1, 64)),
        _full((1, 64)), _full((1, 64)),
        _full((64, 1024)), _full((1, 1024)),
    ]
    return pl.pallas_call(
        _tc_body,
        grid=(G,),
        in_specs=in_specs,
        out_specs=pl.BlockSpec((1, 1024), lambda i: (0, 0)),
        out_shape=jax.ShapeDtypeStruct((1, 1024), jnp.float32),
        scratch_shapes=[
            pltpu.VMEM((1, 4), jnp.float32),
            pltpu.VMEM((1, 256), jnp.float32),
            pltpu.VMEM((1, 256), jnp.float32),
            pltpu.VMEM((128, 8), jnp.float32),
            pltpu.VMEM((1, 8), jnp.float32),
            pltpu.VMEM((128, 512), jnp.float32),
            pltpu.VMEM((1, 512), jnp.float32),
            pltpu.VMEM((128, 128), jnp.float32),
            pltpu.VMEM((128, 128), jnp.float32),
            pltpu.VMEM((1, 128), jnp.float32),
            pltpu.VMEM((6, 128, 128), jnp.float32),
            pltpu.VMEM((6, 1, 128), jnp.float32),
            pltpu.VMEM((6, 128, 256), jnp.float32),
            pltpu.VMEM((6, 1, 256), jnp.float32),
            pltpu.VMEM((6, 256, 128), jnp.float32),
            pltpu.VMEM((6, 1, 128), jnp.float32),
        ],
        compiler_params=pltpu.CompilerParams(
            dimension_semantics=("arbitrary",)),
        interpret=interpret,
    )


def _bdiag(w):
    z = jnp.zeros_like(w)
    return jnp.concatenate(
        [jnp.concatenate([w, z], 1), jnp.concatenate([z, w], 1)], 0)


def _pack_col(col):
    return col.reshape(G, 2, R).transpose(0, 2, 1).reshape(GP, 2)


def kernel(x, params, edge_index):
    row = edge_index[0]
    pad_idx = N + (jnp.arange(E_PAD - E, dtype=jnp.int32) % (NP - N))
    row_pad = jnp.concatenate([row, pad_idx])
    hist = _sc_hist_build()(row_pad)
    cnt0 = _pack_col(hist[:NP])
    cnt1 = _pack_col(hist[NP:])

    p = params
    lys = p['layers']
    layer_args = []
    for l in lys:
        layer_args += [l['w1'], l['b1'].reshape(1, -1),
                       l['w2'], l['b2'].reshape(1, -1),
                       l['w3'], l['b3'].reshape(1, -1)]

    heads = jnp.arange(256, dtype=jnp.int32) // 64
    head_pool = (heads[:, None] == jnp.arange(4)[None, :]).astype(jnp.float32)
    head_bcast_d = _bdiag(head_pool.T)

    e2 = jnp.concatenate(
        [jnp.concatenate([jnp.ones((1, 64)), jnp.zeros((1, 64))], 1),
         jnp.concatenate([jnp.zeros((1, 64)), jnp.ones((1, 64))], 1)], 0
    ).astype(jnp.float32)

    mskc = jnp.where(jnp.arange(NP) < N, 0.0, -1e30).astype(jnp.float32)
    msk2 = _pack_col(mskc)
    msk8 = jnp.concatenate([jnp.tile(msk2[:, 0:1], (1, 4)),
                            jnp.tile(msk2[:, 1:2], (1, 4))], 1)

    return _tc_build()(
        x, x, cnt0, cnt1, e2, msk8,
        p['embed_w'], p['embed_b'].reshape(1, -1),
        *layer_args,
        p['pool_w'], p['pool_b'].reshape(1, -1),
        p['query'],
        p['wq'], p['bq'].reshape(1, -1),
        p['wk'], p['bk'].reshape(1, -1),
        p['wv'], p['bv'].reshape(1, -1),
        head_pool, head_bcast_d,
        p['wo'], p['bo'].reshape(1, -1),
        p['pw1'], p['pb1'].reshape(1, -1),
        p['ln_g'].reshape(1, -1), p['ln_b'].reshape(1, -1),
        p['pw2'], p['pb2'].reshape(1, -1),
    )

# --- scband reference (transcript-rebuilt; emitter-appended) ---
"""Pipeline reference for scband-gnnfingerprint2-d-1984274891280 (READ-ONLY COPY).

The authoritative reference and input builder live on the scoring server;
editing this copy changes nothing except your own understanding.
"""

import jax, jax.numpy as jnp
import numpy as np

N = 50000
E = 800000
D_IN = 128
HID = 64
NL = 6
EMB = 256
HEADS = 4
HD = EMB // HEADS
OUT = 1024


def _init(key, shape, fan_in):
    return jax.random.normal(key, shape, jnp.float32) / np.sqrt(fan_in)


def setup_inputs(seed: int = 0):
    key = jax.random.key(seed)
    ks = iter(jax.random.split(key, 64))
    x = jax.random.normal(next(ks), (N, D_IN), jnp.float32)
    edge_index = jax.random.randint(next(ks), (2, E), 0, N, dtype=jnp.int32)
    params = {}
    params['embed_w'] = _init(next(ks), (D_IN, 64), D_IN)
    params['embed_b'] = jnp.zeros((64,), jnp.float32)
    layers = []
    for _ in range(NL):
        layers.append({
            'w1': _init(next(ks), (64, HID), 64), 'b1': jnp.zeros((HID,), jnp.float32),
            'w2': _init(next(ks), (HID, HID * 2), HID), 'b2': jnp.zeros((HID * 2,), jnp.float32),
            'w3': _init(next(ks), (HID * 2, 64), HID * 2), 'b3': jnp.zeros((64,), jnp.float32),
        })
    params['layers'] = tuple(layers)
    params['pool_w'] = _init(next(ks), (64, EMB), 64)
    params['pool_b'] = jnp.zeros((EMB,), jnp.float32)
    params['query'] = jax.random.normal(next(ks), (1, EMB), jnp.float32)
    params['wq'] = _init(next(ks), (EMB, EMB), EMB)
    params['wk'] = _init(next(ks), (EMB, EMB), EMB)
    params['wv'] = _init(next(ks), (EMB, EMB), EMB)
    params['bq'] = jnp.zeros((EMB,), jnp.float32)
    params['bk'] = jnp.zeros((EMB,), jnp.float32)
    params['bv'] = jnp.zeros((EMB,), jnp.float32)
    params['wo'] = _init(next(ks), (EMB, EMB), EMB)
    params['bo'] = jnp.zeros((EMB,), jnp.float32)
    params['pw1'] = _init(next(ks), (EMB, HID), EMB)
    params['pb1'] = jnp.zeros((HID,), jnp.float32)
    params['ln_g'] = jnp.ones((HID,), jnp.float32)
    params['ln_b'] = jnp.zeros((HID,), jnp.float32)
    params['pw2'] = _init(next(ks), (HID, OUT), HID)
    params['pb2'] = jnp.zeros((OUT,), jnp.float32)
    return {'x': x, 'params': params, 'edge_index': edge_index}


def _forward(x, params, edge_index):
    h = x @ params['embed_w'] + params['embed_b']
    row = edge_index[0]
    for lp in params['layers']:
        nf = jnp.take(h, row, axis=0)
        d = jax.nn.relu(nf @ lp['w1'] + lp['b1'])
        d = jax.nn.relu(d @ lp['w2'] + lp['b2'])
        d = d @ lp['w3'] + lp['b3']
        h = h + jax.ops.segment_sum(d, row, num_segments=h.shape[0])
    h_proj = h @ params['pool_w'] + params['pool_b']
    q = params['query'] @ params['wq'] + params['bq']
    k = h_proj @ params['wk'] + params['bk']
    v = h_proj @ params['wv'] + params['bv']
    qh = q.reshape(1, HEADS, HD).transpose(1, 0, 2)
    kh = k.reshape(-1, HEADS, HD).transpose(1, 0, 2)
    vh = v.reshape(-1, HEADS, HD).transpose(1, 0, 2)
    scores = (qh @ kh.transpose(0, 2, 1)) / np.sqrt(HD)
    attn = jax.nn.softmax(scores, axis=-1)
    ctx = attn @ vh
    ctx = ctx.transpose(1, 0, 2).reshape(1, EMB)
    pooled = ctx @ params['wo'] + params['bo']
    p = jax.nn.relu(pooled)
    p = p @ params['pw1'] + params['pb1']
    p = jax.nn.relu(p)
    mu = jnp.mean(p, axis=-1, keepdims=True)
    var = jnp.var(p, axis=-1, keepdims=True)
    p = (p - mu) / jnp.sqrt(var + 1e-5) * params['ln_g'] + params['ln_b']
    return p @ params['pw2'] + params['pb2']


def reference(x, params, edge_index):
    return _forward(x, params, edge_index)

if __name__ == "__main__":
    import jax
    _d = setup_inputs()
    print(jax.jit(kernel)(*tuple(_d.values())))

</pallas_src>

<mosaic_0001>
#map = affine_map<(d0, d1) -> (0)>
module attributes {stable_mosaic.version = 14 : i64} {
  func.func @_sc_hist_body(%arg0: i32, %arg1: i32, %arg2: memref<802816xi32, #tpu.memory_space<hbm>>, %arg3: memref<100352xf32, #tpu.memory_space<hbm>>, %arg4: memref<25088xi32, #tpu.memory_space<vmem>>, %arg5: memref<50176xf32, #tpu.memory_space<vmem>>, %arg6: memref<784xf32, #tpu.memory_space<vmem>>, %arg7: memref<784xf32, #tpu.memory_space<vmem>>, %arg8: memref<200704xf32, #tpu.memory_space<vmem_shared>>, %arg9: memref<!tpu.dma_semaphore, #tpu.memory_space<semaphore_mem>>) attributes {dimension_semantics = [#tpu.dimension_semantics<core_parallel>, #tpu.dimension_semantics<subcore_parallel>], iteration_bounds = array<i64: 2, 16>, scalar_prefetch = 0 : i64, scratch_operands = 6 : i64, tpu.core_type = #tpu.core_type<sc_vector_subcore>, window_params = [{transform_indices = #map}, {transform_indices = #map}]} {
    %mul3A = arith.constant 16 : i32
    %mul3A_0 = arith.muli %arg0, %mul3A : i32
    %add3A = arith.addi %mul3A_0, %arg1 : i32
    %broadcast_in_dim3A = arith.constant 0.000000e+00 : f32
    %broadcast_in_dim3A_1 = vector.broadcast %broadcast_in_dim3A : f32 to vector<16xf32>
    %broadcast_in_dim3A_2 = arith.constant 1.000000e+00 : f32
    %broadcast_in_dim3A_3 = vector.broadcast %broadcast_in_dim3A_2 : f32 to vector<16xf32>
    %mul3A_4 = arith.constant 25088 : i32
    %mul3A_5 = arith.muli %add3A, %mul3A_4 : i32
    %dma_start3A = tpu.memref_slice %arg2[%mul3A_5] : memref<802816xi32, #tpu.memory_space<hbm>> -> memref<25088xi32, #tpu.memory_space<hbm>>
    %dma_start3A_6 = tpu.memref_slice %arg2[%mul3A_5] : memref<802816xi32, #tpu.memory_space<hbm>> -> memref<25088xi32, #tpu.memory_space<hbm>>
    tpu.enqueue_dma source(%dma_start3A_6 : memref<25088xi32, #tpu.memory_space<hbm>>) target(%arg4 : memref<25088xi32, #tpu.memory_space<vmem>>) target_semaphore(%arg9 : memref<!tpu.dma_semaphore, #tpu.memory_space<semaphore_mem>>)
    %scan3A = arith.constant 0 : i32
    %scan3A_7 = arith.constant 0 : i32
    %scan3A_8 = arith.constant 392 : i32
    %scan3A_9 = arith.addi %scan3A_7, %scan3A_8 : i32
    %scan3A_10 = arith.constant 1 : i32
    scf.for %scan3A_94 = %scan3A_7 to %scan3A_9 step %scan3A_10  : i32 {
      %mul3A_95 = arith.constant 128 : i32
      %mul3A_96 = arith.muli %scan3A_94, %mul3A_95 : i32
      %add3A_97 = arith.constant 0 : i32
      %add3A_98 = arith.addi %mul3A_96, %add3A_97 : i32
      %swap3A = arith.index_cast %add3A_98 : i32 to index
      %swap3A_99 = tpu.vector_load %arg5[%swap3A] {strides = array<i32>} : memref<50176xf32, #tpu.memory_space<vmem>>, vector<16xf32>,
      tpu.vector_store %arg5[%swap3A], %broadcast_in_dim3A_1 {strides = array<i32>} : memref<50176xf32, #tpu.memory_space<vmem>>, vector<16xf32>,
      %mul3A_100 = arith.constant 128 : i32
      %mul3A_101 = arith.muli %scan3A_94, %mul3A_100 : i32
      %add3A_102 = arith.constant 16 : i32
      %add3A_103 = arith.addi %mul3A_101, %add3A_102 : i32
      %swap3A_104 = arith.index_cast %add3A_103 : i32 to index
      %swap3A_105 = tpu.vector_load %arg5[%swap3A_104] {strides = array<i32>} : memref<50176xf32, #tpu.memory_space<vmem>>, vector<16xf32>,
      tpu.vector_store %arg5[%swap3A_104], %broadcast_in_dim3A_1 {strides = array<i32>} : memref<50176xf32, #tpu.memory_space<vmem>>, vector<16xf32>,
      %mul3A_106 = arith.constant 128 : i32
      %mul3A_107 = arith.muli %scan3A_94, %mul3A_106 : i32
      %add3A_108 = arith.constant 32 : i32
      %add3A_109 = arith.addi %mul3A_107, %add3A_108 : i32
      %swap3A_110 = arith.index_cast %add3A_109 : i32 to index
      %swap3A_111 = tpu.vector_load %arg5[%swap3A_110] {strides = array<i32>} : memref<50176xf32, #tpu.memory_space<vmem>>, vector<16xf32>,
      tpu.vector_store %arg5[%swap3A_110], %broadcast_in_dim3A_1 {strides = array<i32>} : memref<50176xf32, #tpu.memory_space<vmem>>, vector<16xf32>,
      %mul3A_112 = arith.constant 128 : i32
      %mul3A_113 = arith.muli %scan3A_94, %mul3A_112 : i32
      %add3A_114 = arith.constant 48 : i32
      %add3A_115 = arith.addi %mul3A_113, %add3A_114 : i32
      %swap3A_116 = arith.index_cast %add3A_115 : i32 to index
      %swap3A_117 = tpu.vector_load %arg5[%swap3A_116] {strides = array<i32>} : memref<50176xf32, #tpu.memory_space<vmem>>, vector<16xf32>,
      tpu.vector_store %arg5[%swap3A_116], %broadcast_in_dim3A_1 {strides = array<i32>} : memref<50176xf32, #tpu.memory_space<vmem>>, vector<16xf32>,
      %mul3A_118 = arith.constant 128 : i32
      %mul3A_119 = arith.muli %scan3A_94, %mul3A_118 : i32
      %add3A_120 = arith.constant 64 : i32
      %add3A_121 = arith.addi %mul3A_119, %add3A_120 : i32
      %swap3A_122 = arith.index_cast %add3A_121 : i32 to index
      %swap3A_123 = tpu.vector_load %arg5[%swap3A_122] {strides = array<i32>} : memref<50176xf32, #tpu.memory_space<vmem>>, vector<16xf32>,
      tpu.vector_store %arg5[%swap3A_122], %broadcast_in_dim3A_1 {strides = array<i32>} : memref<50176xf32, #tpu.memory_space<vmem>>, vector<16xf32>,
      %mul3A_124 = arith.constant 128 : i32
      %mul3A_125 = arith.muli %scan3A_94, %mul3A_124 : i32
      %add3A_126 = arith.constant 80 : i32
      %add3A_127 = arith.addi %mul3A_125, %add3A_126 : i32
      %swap3A_128 = arith.index_cast %add3A_127 : i32 to index
      %swap3A_129 = tpu.vector_load %arg5[%swap3A_128] {strides = array<i32>} : memref<50176xf32, #tpu.memory_space<vmem>>, vector<16xf32>,
      tpu.vector_store %arg5[%swap3A_128], %broadcast_in_dim3A_1 {strides = array<i32>} : memref<50176xf32, #tpu.memory_space<vmem>>, vector<16xf32>,
      %mul3A_130 = arith.constant 128 : i32
      %mul3A_131 = arith.muli %scan3A_94, %mul3A_130 : i32
      %add3A_132 = arith.constant 96 : i32
      %add3A_133 = arith.addi %mul3A_131, %add3A_132 : i32
      %swap3A_134 = arith.index_cast %add3A_133 : i32 to index
      %swap3A_135 = tpu.vector_load %arg5[%swap3A_134] {strides = array<i32>} : memref<50176xf32, #tpu.memory_space<vmem>>, vector<16xf32>,
      tpu.vector_store %arg5[%swap3A_134], %broadcast_in_dim3A_1 {strides = array<i32>} : memref<50176xf32, #tpu.memory_space<vmem>>, vector<16xf32>,
      %mul3A_136 = arith.constant 128 : i32
      %mul3A_137 = arith.muli %scan3A_94, %mul3A_136 : i32
      %add3A_138 = arith.constant 112 : i32
      %add3A_139 = arith.addi %mul3A_137, %add3A_138 : i32
      %swap3A_140 = arith.index_cast %add3A_139 : i32 to index
      %swap3A_141 = tpu.vector_load %arg5[%swap3A_140] {strides = array<i32>} : memref<50176xf32, #tpu.memory_space<vmem>>, vector<16xf32>,
      tpu.vector_store %arg5[%swap3A_140], %broadcast_in_dim3A_1 {strides = array<i32>} : memref<50176xf32, #tpu.memory_space<vmem>>, vector<16xf32>,
    }
    %scan3A_11 = arith.constant 392 : i32
    %dma_wait3A = tpu.memref_slice %arg2[%mul3A_5] : memref<802816xi32, #tpu.memory_space<hbm>> -> memref<25088xi32, #tpu.memory_space<hbm>>
    %dma_wait3A_12 = tpu.memref_slice %arg2[%mul3A_5] : memref<802816xi32, #tpu.memory_space<hbm>> -> memref<25088xi32, #tpu.memory_space<hbm>>
    tpu.wait_dma2 semaphore(%arg9 : memref<!tpu.dma_semaphore, #tpu.memory_space<semaphore_mem>>) src(%dma_wait3A_12 : memref<25088xi32, #tpu.memory_space<hbm>>) dst(%arg4 : memref<25088xi32, #tpu.memory_space<vmem>>)
    %scan3A_13 = arith.constant 0 : i32
    %scan3A_14 = arith.constant 0 : i32
    %scan3A_15 = arith.constant 196 : i32
    %scan3A_16 = arith.addi %scan3A_14, %scan3A_15 : i32
    %scan3A_17 = arith.constant 1 : i32
    scf.for %scan3A_94 = %scan3A_14 to %scan3A_16 step %scan3A_17  : i32 {
      %mul3A_95 = arith.constant 128 : i32
      %mul3A_96 = arith.muli %scan3A_94, %mul3A_95 : i32
      %add3A_97 = arith.constant 0 : i32
      %add3A_98 = arith.addi %mul3A_96, %add3A_97 : i32
      %get3A = arith.index_cast %add3A_98 : i32 to index
      %get3A_99 = tpu.vector_load %arg4[%get3A] {strides = array<i32>} : memref<25088xi32, #tpu.memory_space<vmem>>, vector<16xi32>,
      tpu.vector_store_idx %arg5[%get3A_99], %broadcast_in_dim3A_3 {add = true} : memref<50176xf32, #tpu.memory_space<vmem>>[vector<16xi32>], vector<16xf32>,
      %mul3A_100 = arith.constant 128 : i32
      %mul3A_101 = arith.muli %scan3A_94, %mul3A_100 : i32
      %add3A_102 = arith.constant 16 : i32
      %add3A_103 = arith.addi %mul3A_101, %add3A_102 : i32
      %get3A_104 = arith.index_cast %add3A_103 : i32 to index
      %get3A_105 = tpu.vector_load %arg4[%get3A_104] {strides = array<i32>} : memref<25088xi32, #tpu.memory_space<vmem>>, vector<16xi32>,
      tpu.vector_store_idx %arg5[%get3A_105], %broadcast_in_dim3A_3 {add = true} : memref<50176xf32, #tpu.memory_space<vmem>>[vector<16xi32>], vector<16xf32>,
      %mul3A_106 = arith.constant 128 : i32
      %mul3A_107 = arith.muli %scan3A_94, %mul3A_106 : i32
      %add3A_108 = arith.constant 32 : i32
      %add3A_109 = arith.addi %mul3A_107, %add3A_108 : i32
      %get3A_110 = arith.index_cast %add3A_109 : i32 to index
      %get3A_111 = tpu.vector_load %arg4[%get3A_110] {strides = array<i32>} : memref<25088xi32, #tpu.memory_space<vmem>>, vector<16xi32>,
      tpu.vector_store_idx %arg5[%get3A_111], %broadcast_in_dim3A_3 {add = true} : memref<50176xf32, #tpu.memory_space<vmem>>[vector<16xi32>], vector<16xf32>,
      %mul3A_112 = arith.constant 128 : i32
      %mul3A_113 = arith.muli %scan3A_94, %mul3A_112 : i32
      %add3A_114 = arith.constant 48 : i32
      %add3A_115 = arith.addi %mul3A_113, %add3A_114 : i32
      %get3A_116 = arith.index_cast %add3A_115 : i32 to index
      %get3A_117 = tpu.vector_load %arg4[%get3A_116] {strides = array<i32>} : memref<25088xi32, #tpu.memory_space<vmem>>, vector<16xi32>,
      tpu.vector_store_idx %arg5[%get3A_117], %broadcast_in_dim3A_3 {add = true} : memref<50176xf32, #tpu.memory_space<vmem>>[vector<16xi32>], vector<16xf32>,
      %mul3A_118 = arith.constant 128 : i32
      %mul3A_119 = arith.muli %scan3A_94, %mul3A_118 : i32
      %add3A_120 = arith.constant 64 : i32
      %add3A_121 = arith.addi %mul3A_119, %add3A_120 : i32
      %get3A_122 = arith.index_cast %add3A_121 : i32 to index
      %get3A_123 = tpu.vector_load %arg4[%get3A_122] {strides = array<i32>} : memref<25088xi32, #tpu.memory_space<vmem>>, vector<16xi32>,
      tpu.vector_store_idx %arg5[%get3A_123], %broadcast_in_dim3A_3 {add = true} : memref<50176xf32, #tpu.memory_space<vmem>>[vector<16xi32>], vector<16xf32>,
      %mul3A_124 = arith.constant 128 : i32
      %mul3A_125 = arith.muli %scan3A_94, %mul3A_124 : i32
      %add3A_126 = arith.constant 80 : i32
      %add3A_127 = arith.addi %mul3A_125, %add3A_126 : i32
      %get3A_128 = arith.index_cast %add3A_127 : i32 to index
      %get3A_129 = tpu.vector_load %arg4[%get3A_128] {strides = array<i32>} : memref<25088xi32, #tpu.memory_space<vmem>>, vector<16xi32>,
      tpu.vector_store_idx %arg5[%get3A_129], %broadcast_in_dim3A_3 {add = true} : memref<50176xf32, #tpu.memory_space<vmem>>[vector<16xi32>], vector<16xf32>,
      %mul3A_130 = arith.constant 128 : i32
      %mul3A_131 = arith.muli %scan3A_94, %mul3A_130 : i32
      %add3A_132 = arith.constant 96 : i32
      %add3A_133 = arith.addi %mul3A_131, %add3A_132 : i32
      %get3A_134 = arith.index_cast %add3A_133 : i32 to index
      %get3A_135 = tpu.vector_load %arg4[%get3A_134] {strides = array<i32>} : memref<25088xi32, #tpu.memory_space<vmem>>, vector<16xi32>,
      tpu.vector_store_idx %arg5[%get3A_135], %broadcast_in_dim3A_3 {add = true} : memref<50176xf32, #tpu.memory_space<vmem>>[vector<16xi32>], vector<16xf32>,
      %mul3A_136 = arith.constant 128 : i32
      %mul3A_137 = arith.muli %scan3A_94, %mul3A_136 : i32
      %add3A_138 = arith.constant 112 : i32
      %add3A_139 = arith.addi %mul3A_137, %add3A_138 : i32
      %get3A_140 = arith.index_cast %add3A_139 : i32 to index
      %get3A_141 = tpu.vector_load %arg4[%get3A_140] {strides = array<i32>} : memref<25088xi32, #tpu.memory_space<vmem>>, vector<16xi32>,
      tpu.vector_store_idx %arg5[%get3A_141], %broadcast_in_dim3A_3 {add = true} : memref<50176xf32, #tpu.memory_space<vmem>>[vector<16xi32>], vector<16xf32>,
    }
    %scan3A_18 = arith.constant 196 : i32
    %mul3A_19 = arith.constant 12544 : i32
    %mul3A_20 = arith.muli %arg1, %mul3A_19 : i32
    "tpu.region"() ({
      %run_scoped3A = tpu.sem_alloc : memref<!tpu.dma_semaphore, #tpu.memory_space<semaphore_mem>>
      %dma_start3A_94 = arith.constant 0 : i32
      %dma_start3A_95 = tpu.memref_slice %arg5[%dma_start3A_94] : memref<50176xf32, #tpu.memory_space<vmem>> -> memref<12544xf32, #tpu.memory_space<vmem>>
      %dma_start3A_96 = tpu.memref_slice %arg8[%mul3A_20] : memref<200704xf32, #tpu.memory_space<vmem_shared>> -> memref<12544xf32, #tpu.memory_space<vmem_shared>>
      %dma_start3A_97 = tpu.memref_slice %arg8[%mul3A_20] : memref<200704xf32, #tpu.memory_space<vmem_shared>> -> memref<12544xf32, #tpu.memory_space<vmem_shared>>
      %dma_start3A_98 = arith.constant 0 : i32
      %dma_start3A_99 = tpu.memref_slice %arg5[%dma_start3A_98] : memref<50176xf32, #tpu.memory_space<vmem>> -> memref<12544xf32, #tpu.memory_space<vmem>>
      tpu.enqueue_dma source(%dma_start3A_99 : memref<12544xf32, #tpu.memory_space<vmem>>) target(%dma_start3A_97 : memref<12544xf32, #tpu.memory_space<vmem_shared>>) target_semaphore(%run_scoped3A : memref<!tpu.dma_semaphore, #tpu.memory_space<semaphore_mem>>)
      %dma_wait3A_100 = arith.constant 0 : i32
      %dma_wait3A_101 = tpu.memref_slice %arg5[%dma_wait3A_100] : memref<50176xf32, #tpu.memory_space<vmem>> -> memref<12544xf32, #tpu.memory_space<vmem>>
      %dma_wait3A_102 = tpu.memref_slice %arg8[%mul3A_20] : memref<200704xf32, #tpu.memory_space<vmem_shared>> -> memref<12544xf32, #tpu.memory_space<vmem_shared>>
      %dma_wait3A_103 = tpu.memref_slice %arg8[%mul3A_20] : memref<200704xf32, #tpu.memory_space<vmem_shared>> -> memref<12544xf32, #tpu.memory_space<vmem_shared>>
      %dma_wait3A_104 = arith.constant 0 : i32
      %dma_wait3A_105 = tpu.memref_slice %arg5[%dma_wait3A_104] : memref<50176xf32, #tpu.memory_space<vmem>> -> memref<12544xf32, #tpu.memory_space<vmem>>
      tpu.wait_dma2 semaphore(%run_scoped3A : memref<!tpu.dma_semaphore, #tpu.memory_space<semaphore_mem>>) src(%dma_wait3A_105 : memref<12544xf32, #tpu.memory_space<vmem>>) dst(%dma_wait3A_103 : memref<12544xf32, #tpu.memory_space<vmem_shared>>)
      tpu.yield
    }) : () -> ()
    %barrier3A = arith.constant 0 : index
    tpu.barrier barrier_id(%barrier3A)
    %mul3A_21 = arith.constant 784 : i32
    %mul3A_22 = arith.muli %arg1, %mul3A_21 : i32
    "tpu.region"() ({
      %run_scoped3A = tpu.sem_alloc : memref<!tpu.dma_semaphore, #tpu.memory_space<semaphore_mem>>
      %dma_start3A_94 = tpu.memref_slice %arg8[%mul3A_22] : memref<200704xf32, #tpu.memory_space<vmem_shared>> -> memref<784xf32, #tpu.memory_space<vmem_shared>>
      %dma_start3A_95 = tpu.memref_slice %arg8[%mul3A_22] : memref<200704xf32, #tpu.memory_space<vmem_shared>> -> memref<784xf32, #tpu.memory_space<vmem_shared>>
      tpu.enqueue_dma source(%dma_start3A_95 : memref<784xf32, #tpu.memory_space<vmem_shared>>) target(%arg6 : memref<784xf32, #tpu.memory_space<vmem>>) target_semaphore(%run_scoped3A : memref<!tpu.dma_semaphore, #tpu.memory_space<semaphore_mem>>)
      %dma_wait3A_96 = tpu.memref_slice %arg8[%mul3A_22] : memref<200704xf32, #tpu.memory_space<vmem_shared>> -> memref<784xf32, #tpu.memory_space<vmem_shared>>
      %dma_wait3A_97 = tpu.memref_slice %arg8[%mul3A_22] : memref<200704xf32, #tpu.memory_space<vmem_shared>> -> memref<784xf32, #tpu.memory_space<vmem_shared>>
      tpu.wait_dma2 semaphore(%run_scoped3A : memref<!tpu.dma_semaphore, #tpu.memory_space<semaphore_mem>>) src(%dma_wait3A_97 : memref<784xf32, #tpu.memory_space<vmem_shared>>) dst(%arg6 : memref<784xf32, #tpu.memory_space<vmem>>)
      tpu.yield
    }) : () -> ()
    %scan3A_23 = arith.constant 0 : i32
    %scan3A_24 = arith.constant 1 : i32
    %scan3A_25 = arith.constant 15 : i32
    %scan3A_26 = arith.addi %scan3A_24, %scan3A_25 : i32
    %scan3A_27 = arith.constant 1 : i32
    scf.for %scan3A_94 = %scan3A_24 to %scan3A_26 step %scan3A_27  : i32 {
      %mul3A_95 = arith.constant 12544 : i32
      %mul3A_96 = arith.muli %scan3A_94, %mul3A_95 : i32
      %mul3A_97 = arith.constant 784 : i32
      %mul3A_98 = arith.muli %arg1, %mul3A_97 : i32
      %add3A_99 = arith.addi %mul3A_96, %mul3A_98 : i32
      "tpu.region"() ({
        %run_scoped3A = tpu.sem_alloc : memref<!tpu.dma_semaphore, #tpu.memory_space<semaphore_mem>>
        %dma_start3A_106 = tpu.memref_slice %arg8[%add3A_99] : memref<200704xf32, #tpu.memory_space<vmem_shared>> -> memref<784xf32, #tpu.memory_space<vmem_shared>>
        %dma_start3A_107 = tpu.memref_slice %arg8[%add3A_99] : memref<200704xf32, #tpu.memory_space<vmem_shared>> -> memref<784xf32, #tpu.memory_space<vmem_shared>>
        tpu.enqueue_dma source(%dma_start3A_107 : memref<784xf32, #tpu.memory_space<vmem_shared>>) target(%arg7 : memref<784xf32, #tpu.memory_space<vmem>>) target_semaphore(%run_scoped3A : memref<!tpu.dma_semaphore, #tpu.memory_space<semaphore_mem>>)
        %dma_wait3A_108 = tpu.memref_slice %arg8[%add3A_99] : memref<200704xf32, #tpu.memory_space<vmem_shared>> -> memref<784xf32, #tpu.memory_space<vmem_shared>>
        %dma_wait3A_109 = tpu.memref_slice %arg8[%add3A_99] : memref<200704xf32, #tpu.memory_space<vmem_shared>> -> memref<784xf32, #tpu.memory_space<vmem_shared>>
        tpu.wait_dma2 semaphore(%run_scoped3A : memref<!tpu.dma_semaphore, #tpu.memory_space<semaphore_mem>>) src(%dma_wait3A_109 : memref<784xf32, #tpu.memory_space<vmem_shared>>) dst(%arg7 : memref<784xf32, #tpu.memory_space<vmem>>)
        tpu.yield
      }) : () -> ()
      %scan3A_100 = arith.constant 0 : i32
      %scan3A_101 = arith.constant 0 : i32
      %scan3A_102 = arith.constant 7 : i32
      %scan3A_103 = arith.addi %scan3A_101, %scan3A_102 : i32
      %scan3A_104 = arith.constant 1 : i32
      scf.for %scan3A_106 = %scan3A_101 to %scan3A_103 step %scan3A_104  : i32 {
        %mul3A_107 = arith.constant 112 : i32
        %mul3A_108 = arith.muli %scan3A_106, %mul3A_107 : i32
        %add3A_109 = arith.constant 0 : i32
        %add3A_110 = arith.addi %mul3A_108, %add3A_109 : i32
        %get3A = arith.index_cast %add3A_110 : i32 to index
        %get3A_111 = tpu.vector_load %arg6[%get3A] {strides = array<i32>} : memref<784xf32, #tpu.memory_space<vmem>>, vector<16xf32>,
        %get3A_112 = arith.index_cast %add3A_110 : i32 to index
        %get3A_113 = tpu.vector_load %arg7[%get3A_112] {strides = array<i32>} : memref<784xf32, #tpu.memory_space<vmem>>, vector<16xf32>,
        %add3A_114 = arith.addf %get3A_111, %get3A_113 : vector<16xf32>
        %swap3A = arith.index_cast %add3A_110 : i32 to index
        %swap3A_115 = tpu.vector_load %arg6[%swap3A] {strides = array<i32>} : memref<784xf32, #tpu.memory_space<vmem>>, vector<16xf32>,
        tpu.vector_store %arg6[%swap3A], %add3A_114 {strides = array<i32>} : memref<784xf32, #tpu.memory_space<vmem>>, vector<16xf32>,
        %mul3A_116 = arith.constant 112 : i32
        %mul3A_117 = arith.muli %scan3A_106, %mul3A_116 : i32
        %add3A_118 = arith.constant 16 : i32
        %add3A_119 = arith.addi %mul3A_117, %add3A_118 : i32
        %get3A_120 = arith.index_cast %add3A_119 : i32 to index
        %get3A_121 = tpu.vector_load %arg6[%get3A_120] {strides = array<i32>} : memref<784xf32, #tpu.memory_space<vmem>>, vector<16xf32>,
        %get3A_122 = arith.index_cast %add3A_119 : i32 to index
        %get3A_123 = tpu.vector_load %arg7[%get3A_122] {strides = array<i32>} : memref<784xf32, #tpu.memory_space<vmem>>, vector<16xf32>,
        %add3A_124 = arith.addf %get3A_121, %get3A_123 : vector<16xf32>
        %swap3A_125 = arith.index_cast %add3A_119 : i32 to index
        %swap3A_126 = tpu.vector_load %arg6[%swap3A_125] {strides = array<i32>} : memref<784xf32, #tpu.memory_space<vmem>>, vector<16xf32>,
        tpu.vector_store %arg6[%swap3A_125], %add3A_124 {strides = array<i32>} : memref<784xf32, #tpu.memory_space<vmem>>, vector<16xf32>,
        %mul3A_127 = arith.constant 112 : i32
        %mul3A_128 = arith.muli %scan3A_106, %mul3A_127 : i32
        %add3A_129 = arith.constant 32 : i32
        %add3A_130 = arith.addi %mul3A_128, %add3A_129 : i32
        %get3A_131 = arith.index_cast %add3A_130 : i32 to index
        %get3A_132 = tpu.vector_load %arg6[%get3A_131] {strides = array<i32>} : memref<784xf32, #tpu.memory_space<vmem>>, vector<16xf32>,
        %get3A_133 = arith.index_cast %add3A_130 : i32 to index
        %get3A_134 = tpu.vector_load %arg7[%get3A_133] {strides = array<i32>} : memref<784xf32, #tpu.memory_space<vmem>>, vector<16xf32>,
        %add3A_135 = arith.addf %get3A_132, %get3A_134 : vector<16xf32>
        %swap3A_136 = arith.index_cast %add3A_130 : i32 to index
        %swap3A_137 = tpu.vector_load %arg6[%swap3A_136] {strides = array<i32>} : memref<784xf32, #tpu.memory_space<vmem>>, vector<16xf32>,
        tpu.vector_store %arg6[%swap3A_136], %add3A_135 {strides = array<i32>} : memref<784xf32, #tpu.memory_space<vmem>>, vector<16xf32>,
        %mul3A_138 = arith.constant 112 : i32
        %mul3A_139 = arith.muli %scan3A_106, %mul3A_138 : i32
        %add3A_140 = arith.constant 48 : i32
        %add3A_141 = arith.addi %mul3A_139, %add3A_140 : i32
        %get3A_142 = arith.index_cast %add3A_141 : i32 to index
        %get3A_143 = tpu.vector_load %arg6[%get3A_142] {strides = array<i32>} : memref<784xf32, #tpu.memory_space<vmem>>, vector<16xf32>,
        %get3A_144 = arith.index_cast %add3A_141 : i32 to index
        %get3A_145 = tpu.vector_load %arg7[%get3A_144] {strides = array<i32>} : memref<784xf32, #tpu.memory_space<vmem>>, vector<16xf32>,
        %add3A_146 = arith.addf %get3A_143, %get3A_145 : vector<16xf32>
        %swap3A_147 = arith.index_cast %add3A_141 : i32 to index
        %swap3A_148 = tpu.vector_load %arg6[%swap3A_147] {strides = array<i32>} : memref<784xf32, #tpu.memory_space<vmem>>, vector<16xf32>,
        tpu.vector_store %arg6[%swap3A_147], %add3A_146 {strides = array<i32>} : memref<784xf32, #tpu.memory_space<vmem>>, vector<16xf32>,
        %mul3A_149 = arith.constant 112 : i32
        %mul3A_150 = arith.muli %scan3A_106, %mul3A_149 : i32
        %add3A_151 = arith.constant 64 : i32
        %add3A_152 = arith.addi %mul3A_150, %add3A_151 : i32
        %get3A_153 = arith.index_cast %add3A_152 : i32 to index
        %get3A_154 = tpu.vector_load %arg6[%get3A_153] {strides = array<i32>} : memref<784xf32, #tpu.memory_space<vmem>>, vector<16xf32>,
        %get3A_155 = arith.index_cast %add3A_152 : i32 to index
        %get3A_156 = tpu.vector_load %arg7[%get3A_155] {strides = array<i32>} : memref<784xf32, #tpu.memory_space<vmem>>, vector<16xf32>,
        %add3A_157 = arith.addf %get3A_154, %get3A_156 : vector<16xf32>
        %swap3A_158 = arith.index_cast %add3A_152 : i32 to index
        %swap3A_159 = tpu.vector_load %arg6[%swap3A_158] {strides = array<i32>} : memref<784xf32, #tpu.memory_space<vmem>>, vector<16xf32>,
        tpu.vector_store %arg6[%swap3A_158], %add3A_157 {strides = array<i32>} : memref<784xf32, #tpu.memory_space<vmem>>, vector<16xf32>,
        %mul3A_160 = arith.constant 112 : i32
        %mul3A_161 = arith.muli %scan3A_106, %mul3A_160 : i32
        %add3A_162 = arith.constant 80 : i32
        %add3A_163 = arith.addi %mul3A_161, %add3A_162 : i32
        %get3A_164 = arith.index_cast %add3A_163 : i32 to index
        %get3A_165 = tpu.vector_load %arg6[%get3A_164] {strides = array<i32>} : memref<784xf32, #tpu.memory_space<vmem>>, vector<16xf32>,
        %get3A_166 = arith.index_cast %add3A_163 : i32 to index
        %get3A_167 = tpu.vector_load %arg7[%get3A_166] {strides = array<i32>} : memref<784xf32, #tpu.memory_space<vmem>>, vector<16xf32>,
        %add3A_168 = arith.addf %get3A_165, %get3A_167 : vector<16xf32>
        %swap3A_169 = arith.index_cast %add3A_163 : i32 to index
        %swap3A_170 = tpu.vector_load %arg6[%swap3A_169] {strides = array<i32>} : memref<784xf32, #tpu.memory_space<vmem>>, vector<16xf32>,
        tpu.vector_store %arg6[%swap3A_169], %add3A_168 {strides = array<i32>} : memref<784xf32, #tpu.memory_space<vmem>>, vector<16xf32>,
        %mul3A_171 = arith.constant 112 : i32
        %mul3A_172 = arith.muli %scan3A_106, %mul3A_171 : i32
        %add3A_173 = arith.constant 96 : i32
        %add3A_174 = arith.addi %mul3A_172, %add3A_173 : i32
        %get3A_175 = arith.index_cast %add3A_174 : i32 to index
        %get3A_176 = tpu.vector_load %arg6[%get3A_175] {strides = array<i32>} : memref<784xf32, #tpu.memory_space<vmem>>, vector<16xf32>,
        %get3A_177 = arith.index_cast %add3A_174 : i32 to index
        %get3A_178 = tpu.vector_load %arg7[%get3A_177] {strides = array<i32>} : memref<784xf32, #tpu.memory_space<vmem>>, vector<16xf32>,
        %add3A_179 = arith.addf %get3A_176, %get3A_178 : vector<16xf32>
        %swap3A_180 = arith.index_cast %add3A_174 : i32 to index
        %swap3A_181 = tpu.vector_load %arg6[%swap3A_180] {strides = array<i32>} : memref<784xf32, #tpu.memory_space<vmem>>, vector<16xf32>,
        tpu.vector_store %arg6[%swap3A_180], %add3A_179 {strides = array<i32>} : memref<784xf32, #tpu.memory_space<vmem>>, vector<16xf32>,
      }
      %scan3A_105 = arith.constant 7 : i32
    }
    %scan3A_28 = arith.constant 15 : i32
    %mul3A_29 = arith.constant 50176 : i32
    %mul3A_30 = arith.muli %arg0, %mul3A_29 : i32
    %add3A_31 = arith.constant 0 : i32
    %add3A_32 = arith.addi %mul3A_30, %add3A_31 : i32
    %mul3A_33 = arith.constant 784 : i32
    %mul3A_34 = arith.muli %arg1, %mul3A_33 : i32
    %add3A_35 = arith.addi %add3A_32, %mul3A_34 : i32
    "tpu.region"() ({
      %run_scoped3A = tpu.sem_alloc : memref<!tpu.dma_semaphore, #tpu.memory_space<semaphore_mem>>
      %dma_start3A_94 = tpu.memref_slice %arg3[%add3A_35] : memref<100352xf32, #tpu.memory_space<hbm>> -> memref<784xf32, #tpu.memory_space<hbm>>
      %dma_start3A_95 = tpu.memref_slice %arg3[%add3A_35] : memref<100352xf32, #tpu.memory_space<hbm>> -> memref<784xf32, #tpu.memory_space<hbm>>
      tpu.enqueue_dma source(%arg6 : memref<784xf32, #tpu.memory_space<vmem>>) target(%dma_start3A_95 : memref<784xf32, #tpu.memory_space<hbm>>) target_semaphore(%run_scoped3A : memref<!tpu.dma_semaphore, #tpu.memory_space<semaphore_mem>>)
      %dma_wait3A_96 = tpu.memref_slice %arg3[%add3A_35] : memref<100352xf32, #tpu.memory_space<hbm>> -> memref<784xf32, #tpu.memory_space<hbm>>
      %dma_wait3A_97 = tpu.memref_slice %arg3[%add3A_35] : memref<100352xf32, #tpu.memory_space<hbm>> -> memref<784xf32, #tpu.memory_space<hbm>>
      tpu.wait_dma2 semaphore(%run_scoped3A : memref<!tpu.dma_semaphore, #tpu.memory_space<semaphore_mem>>) src(%arg6 : memref<784xf32, #tpu.memory_space<vmem>>) dst(%dma_wait3A_97 : memref<784xf32, #tpu.memory_space<hbm>>)
      tpu.yield
    }) : () -> ()
    %barrier3A_36 = arith.constant 0 : index
    tpu.barrier barrier_id(%barrier3A_36)
    %mul3A_37 = arith.constant 12544 : i32
    %mul3A_38 = arith.muli %arg1, %mul3A_37 : i32
    "tpu.region"() ({
      %run_scoped3A = tpu.sem_alloc : memref<!tpu.dma_semaphore, #tpu.memory_space<semaphore_mem>>
      %dma_start3A_94 = arith.constant 12544 : i32
      %dma_start3A_95 = tpu.memref_slice %arg5[%dma_start3A_94] : memref<50176xf32, #tpu.memory_space<vmem>> -> memref<12544xf32, #tpu.memory_space<vmem>>
      %dma_start3A_96 = tpu.memref_slice %arg8[%mul3A_38] : memref<200704xf32, #tpu.memory_space<vmem_shared>> -> memref<12544xf32, #tpu.memory_space<vmem_shared>>
      %dma_start3A_97 = tpu.memref_slice %arg8[%mul3A_38] : memref<200704xf32, #tpu.memory_space<vmem_shared>> -> memref<12544xf32, #tpu.memory_space<vmem_shared>>
      %dma_start3A_98 = arith.constant 12544 : i32
      %dma_start3A_99 = tpu.memref_slice %arg5[%dma_start3A_98] : memref<50176xf32, #tpu.memory_space<vmem>> -> memref<12544xf32, #tpu.memory_space<vmem>>
      tpu.enqueue_dma source(%dma_start3A_99 : memref<12544xf32, #tpu.memory_space<vmem>>) target(%dma_start3A_97 : memref<12544xf32, #tpu.memory_space<vmem_shared>>) target_semaphore(%run_scoped3A : memref<!tpu.dma_semaphore, #tpu.memory_space<semaphore_mem>>)
      %dma_wait3A_100 = arith.constant 12544 : i32
      %dma_wait3A_101 = tpu.memref_slice %arg5[%dma_wait3A_100] : memref<50176xf32, #tpu.memory_space<vmem>> -> memref<12544xf32, #tpu.memory_space<vmem>>
      %dma_wait3A_102 = tpu.memref_slice %arg8[%mul3A_38] : memref<200704xf32, #tpu.memory_space<vmem_shared>> -> memref<12544xf32, #tpu.memory_space<vmem_shared>>
      %dma_wait3A_103 = tpu.memref_slice %arg8[%mul3A_38] : memref<200704xf32, #tpu.memory_space<vmem_shared>> -> memref<12544xf32, #tpu.memory_space<vmem_shared>>
      %dma_wait3A_104 = arith.constant 12544 : i32
      %dma_wait3A_105 = tpu.memref_slice %arg5[%dma_wait3A_104] : memref<50176xf32, #tpu.memory_space<vmem>> -> memref<12544xf32, #tpu.memory_space<vmem>>
      tpu.wait_dma2 semaphore(%run_scoped3A : memref<!tpu.dma_semaphore, #tpu.memory_space<semaphore_mem>>) src(%dma_wait3A_105 : memref<12544xf32, #tpu.memory_space<vmem>>) dst(%dma_wait3A_103 : memref<12544xf32, #tpu.memory_space<vmem_shared>>)
      tpu.yield
    }) : () -> ()
    %barrier3A_39 = arith.constant 0 : index
    tpu.barrier barrier_id(%barrier3A_39)
    %mul3A_40 = arith.constant 784 : i32
    %mul3A_41 = arith.muli %arg1, %mul3A_40 : i32
    "tpu.region"() ({
      %run_scoped3A = tpu.sem_alloc : memref<!tpu.dma_semaphore, #tpu.memory_space<semaphore_mem>>
      %dma_start3A_94 = tpu.memref_slice %arg8[%mul3A_41] : memref<200704xf32, #tpu.memory_space<vmem_shared>> -> memref<784xf32, #tpu.memory_space<vmem_shared>>
      %dma_start3A_95 = tpu.memref_slice %arg8[%mul3A_41] : memref<200704xf32, #tpu.memory_space<vmem_shared>> -> memref<784xf32, #tpu.memory_space<vmem_shared>>
      tpu.enqueue_dma source(%dma_start3A_95 : memref<784xf32, #tpu.memory_space<vmem_shared>>) target(%arg6 : memref<784xf32, #tpu.memory_space<vmem>>) target_semaphore(%run_scoped3A : memref<!tpu.dma_semaphore, #tpu.memory_space<semaphore_mem>>)
      %dma_wait3A_96 = tpu.memref_slice %arg8[%mul3A_41] : memref<200704xf32, #tpu.memory_space<vmem_shared>> -> memref<784xf32, #tpu.memory_space<vmem_shared>>
      %dma_wait3A_97 = tpu.memref_slice %arg8[%mul3A_41] : memref<200704xf32, #tpu.memory_space<vmem_shared>> -> memref<784xf32, #tpu.memory_space<vmem_shared>>
      tpu.wait_dma2 semaphore(%run_scoped3A : memref<!tpu.dma_semaphore, #tpu.memory_space<semaphore_mem>>) src(%dma_wait3A_97 : memref<784xf32, #tpu.memory_space<vmem_shared>>) dst(%arg6 : memref<784xf32, #tpu.memory_space<vmem>>)
      tpu.yield
    }) : () -> ()
    %scan3A_42 = arith.constant 0 : i32
    %scan3A_43 = arith.constant 1 : i32
    %scan3A_44 = arith.constant 15 : i32
    %scan3A_45 = arith.addi %scan3A_43, %scan3A_44 : i32
    %scan3A_46 = arith.constant 1 : i32
    scf.for %scan3A_94 = %scan3A_43 to %scan3A_45 step %scan3A_46  : i32 {
      %mul3A_95 = arith.constant 12544 : i32
      %mul3A_96 = arith.muli %scan3A_94, %mul3A_95 : i32
      %mul3A_97 = arith.constant 784 : i32
      %mul3A_98 = arith.muli %arg1, %mul3A_97 : i32
      %add3A_99 = arith.addi %mul3A_96, %mul3A_98 : i32
      "tpu.region"() ({
        %run_scoped3A = tpu.sem_alloc : memref<!tpu.dma_semaphore, #tpu.memory_space<semaphore_mem>>
        %dma_start3A_106 = tpu.memref_slice %arg8[%add3A_99] : memref<200704xf32, #tpu.memory_space<vmem_shared>> -> memref<784xf32, #tpu.memory_space<vmem_shared>>
        %dma_start3A_107 = tpu.memref_slice %arg8[%add3A_99] : memref<200704xf32, #tpu.memory_space<vmem_shared>> -> memref<784xf32, #tpu.memory_space<vmem_shared>>
        tpu.enqueue_dma source(%dma_start3A_107 : memref<784xf32, #tpu.memory_space<vmem_shared>>) target(%arg7 : memref<784xf32, #tpu.memory_space<vmem>>) target_semaphore(%run_scoped3A : memref<!tpu.dma_semaphore, #tpu.memory_space<semaphore_mem>>)
        %dma_wait3A_108 = tpu.memref_slice %arg8[%add3A_99] : memref<200704xf32, #tpu.memory_space<vmem_shared>> -> memref<784xf32, #tpu.memory_space<vmem_shared>>
        %dma_wait3A_109 = tpu.memref_slice %arg8[%add3A_99] : memref<200704xf32, #tpu.memory_space<vmem_shared>> -> memref<784xf32, #tpu.memory_space<vmem_shared>>
        tpu.wait_dma2 semaphore(%run_scoped3A : memref<!tpu.dma_semaphore, #tpu.memory_space<semaphore_mem>>) src(%dma_wait3A_109 : memref<784xf32, #tpu.memory_space<vmem_shared>>) dst(%arg7 : memref<784xf32, #tpu.memory_space<vmem>>)
        tpu.yield
      }) : () -> ()
      %scan3A_100 = arith.constant 0 : i32
      %scan3A_101 = arith.constant 0 : i32
      %scan3A_102 = arith.constant 7 : i32
      %scan3A_103 = arith.addi %scan3A_101, %scan3A_102 : i32
      %scan3A_104 = arith.constant 1 : i32
      scf.for %scan3A_106 = %scan3A_101 to %scan3A_103 step %scan3A_104  : i32 {
        %mul3A_107 = arith.constant 112 : i32
        %mul3A_108 = arith.muli %scan3A_106, %mul3A_107 : i32
        %add3A_109 = arith.constant 0 : i32
        %add3A_110 = arith.addi %mul3A_108, %add3A_109 : i32
        %get3A = arith.index_cast %add3A_110 : i32 to index
        %get3A_111 = tpu.vector_load %arg6[%get3A] {strides = array<i32>} : memref<784xf32, #tpu.memory_space<vmem>>, vector<16xf32>,
        %get3A_112 = arith.index_cast %add3A_110 : i32 to index
        %get3A_113 = tpu.vector_load %arg7[%get3A_112] {strides = array<i32>} : memref<784xf32, #tpu.memory_space<vmem>>, vector<16xf32>,
        %add3A_114 = arith.addf %get3A_111, %get3A_113 : vector<16xf32>
        %swap3A = arith.index_cast %add3A_110 : i32 to index
        %swap3A_115 = tpu.vector_load %arg6[%swap3A] {strides = array<i32>} : memref<784xf32, #tpu.memory_space<vmem>>, vector<16xf32>,
        tpu.vector_store %arg6[%swap3A], %add3A_114 {strides = array<i32>} : memref<784xf32, #tpu.memory_space<vmem>>, vector<16xf32>,
        %mul3A_116 = arith.constant 112 : i32
        %mul3A_117 = arith.muli %scan3A_106, %mul3A_116 : i32
        %add3A_118 = arith.constant 16 : i32
        %add3A_119 = arith.addi %mul3A_117, %add3A_118 : i32
        %get3A_120 = arith.index_cast %add3A_119 : i32 to index
        %get3A_121 = tpu.vector_load %arg6[%get3A_120] {strides = array<i32>} : memref<784xf32, #tpu.memory_space<vmem>>, vector<16xf32>,
        %get3A_122 = arith.index_cast %add3A_119 : i32 to index
        %get3A_123 = tpu.vector_load %arg7[%get3A_122] {strides = array<i32>} : memref<784xf32, #tpu.memory_space<vmem>>, vector<16xf32>,
        %add3A_124 = arith.addf %get3A_121, %get3A_123 : vector<16xf32>
        %swap3A_125 = arith.index_cast %add3A_119 : i32 to index
        %swap3A_126 = tpu.vector_load %arg6[%swap3A_125] {strides = array<i32>} : memref<784xf32, #tpu.memory_space<vmem>>, vector<16xf32>,
        tpu.vector_store %arg6[%swap3A_125], %add3A_124 {strides = array<i32>} : memref<784xf32, #tpu.memory_space<vmem>>, vector<16xf32>,
        %mul3A_127 = arith.constant 112 : i32
        %mul3A_128 = arith.muli %scan3A_106, %mul3A_127 : i32
        %add3A_129 = arith.constant 32 : i32
        %add3A_130 = arith.addi %mul3A_128, %add3A_129 : i32
        %get3A_131 = arith.index_cast %add3A_130 : i32 to index
        %get3A_132 = tpu.vector_load %arg6[%get3A_131] {strides = array<i32>} : memref<784xf32, #tpu.memory_space<vmem>>, vector<16xf32>,
        %get3A_133 = arith.index_cast %add3A_130 : i32 to index
        %get3A_134 = tpu.vector_load %arg7[%get3A_133] {strides = array<i32>} : memref<784xf32, #tpu.memory_space<vmem>>, vector<16xf32>,
        %add3A_135 = arith.addf %get3A_132, %get3A_134 : vector<16xf32>
        %swap3A_136 = arith.index_cast %add3A_130 : i32 to index
        %swap3A_137 = tpu.vector_load %arg6[%swap3A_136] {strides = array<i32>} : memref<784xf32, #tpu.memory_space<vmem>>, vector<16xf32>,
        tpu.vector_store %arg6[%swap3A_136], %add3A_135 {strides = array<i32>} : memref<784xf32, #tpu.memory_space<vmem>>, vector<16xf32>,
        %mul3A_138 = arith.constant 112 : i32
        %mul3A_139 = arith.muli %scan3A_106, %mul3A_138 : i32
        %add3A_140 = arith.constant 48 : i32
        %add3A_141 = arith.addi %mul3A_139, %add3A_140 : i32
        %get3A_142 = arith.index_cast %add3A_141 : i32 to index
        %get3A_143 = tpu.vector_load %arg6[%get3A_142] {strides = array<i32>} : memref<784xf32, #tpu.memory_space<vmem>>, vector<16xf32>,
        %get3A_144 = arith.index_cast %add3A_141 : i32 to index
        %get3A_145 = tpu.vector_load %arg7[%get3A_144] {strides = array<i32>} : memref<784xf32, #tpu.memory_space<vmem>>, vector<16xf32>,
        %add3A_146 = arith.addf %get3A_143, %get3A_145 : vector<16xf32>
        %swap3A_147 = arith.index_cast %add3A_141 : i32 to index
        %swap3A_148 = tpu.vector_load %arg6[%swap3A_147] {strides = array<i32>} : memref<784xf32, #tpu.memory_space<vmem>>, vector<16xf32>,
        tpu.vector_store %arg6[%swap3A_147], %add3A_146 {strides = array<i32>} : memref<784xf32, #tpu.memory_space<vmem>>, vector<16xf32>,
        %mul3A_149 = arith.constant 112 : i32
        %mul3A_150 = arith.muli %scan3A_106, %mul3A_149 : i32
        %add3A_151 = arith.constant 64 : i32
        %add3A_152 = arith.addi %mul3A_150, %add3A_151 : i32
        %get3A_153 = arith.index_cast %add3A_152 : i32 to index
        %get3A_154 = tpu.vector_load %arg6[%get3A_153] {strides = array<i32>} : memref<784xf32, #tpu.memory_space<vmem>>, vector<16xf32>,
        %get3A_155 = arith.index_cast %add3A_152 : i32 to index
        %get3A_156 = tpu.vector_load %arg7[%get3A_155] {strides = array<i32>} : memref<784xf32, #tpu.memory_space<vmem>>, vector<16xf32>,
        %add3A_157 = arith.addf %get3A_154, %get3A_156 : vector<16xf32>
        %swap3A_158 = arith.index_cast %add3A_152 : i32 to index
        %swap3A_159 = tpu.vector_load %arg6[%swap3A_158] {strides = array<i32>} : memref<784xf32, #tpu.memory_space<vmem>>, vector<16xf32>,
        tpu.vector_store %arg6[%swap3A_158], %add3A_157 {strides = array<i32>} : memref<784xf32, #tpu.memory_space<vmem>>, vector<16xf32>,
        %mul3A_160 = arith.constant 112 : i32
        %mul3A_161 = arith.muli %scan3A_106, %mul3A_160 : i32
        %add3A_162 = arith.constant 80 : i32
        %add3A_163 = arith.addi %mul3A_161, %add3A_162 : i32
        %get3A_164 = arith.index_cast %add3A_163 : i32 to index
        %get3A_165 = tpu.vector_load %arg6[%get3A_164] {strides = array<i32>} : memref<784xf32, #tpu.memory_space<vmem>>, vector<16xf32>,
        %get3A_166 = arith.index_cast %add3A_163 : i32 to index
        %get3A_167 = tpu.vector_load %arg7[%get3A_166] {strides = array<i32>} : memref<784xf32, #tpu.memory_space<vmem>>, vector<16xf32>,
        %add3A_168 = arith.addf %get3A_165, %get3A_167 : vector<16xf32>
        %swap3A_169 = arith.index_cast %add3A_163 : i32 to index
        %swap3A_170 = tpu.vector_load %arg6[%swap3A_169] {strides = array<i32>} : memref<784xf32, #tpu.memory_space<vmem>>, vector<16xf32>,
        tpu.vector_store %arg6[%swap3A_169], %add3A_168 {strides = array<i32>} : memref<784xf32, #tpu.memory_space<vmem>>, vector<16xf32>,
        %mul3A_171 = arith.constant 112 : i32
        %mul3A_172 = arith.muli %scan3A_106, %mul3A_171 : i32
        %add3A_173 = arith.constant 96 : i32
        %add3A_174 = arith.addi %mul3A_172, %add3A_173 : i32
        %get3A_175 = arith.index_cast %add3A_174 : i32 to index
        %get3A_176 = tpu.vector_load %arg6[%get3A_175] {strides = array<i32>} : memref<784xf32, #tpu.memory_space<vmem>>, vector<16xf32>,
        %get3A_177 = arith.index_cast %add3A_174 : i32 to index
        %get3A_178 = tpu.vector_load %arg7[%get3A_177] {strides = array<i32>} : memref<784xf32, #tpu.memory_space<vmem>>, vector<16xf32>,
        %add3A_179 = arith.addf %get3A_176, %get3A_178 : vector<16xf32>
        %swap3A_180 = arith.index_cast %add3A_174 : i32 to index
        %swap3A_181 = tpu.vector_load %arg6[%swap3A_180] {strides = array<i32>} : memref<784xf32, #tpu.memory_space<vmem>>, vector<16xf32>,
        tpu.vector_store %arg6[%swap3A_180], %add3A_179 {strides = array<i32>} : memref<784xf32, #tpu.memory_space<vmem>>, vector<16xf32>,
      }
      %scan3A_105 = arith.constant 7 : i32
    }
    %scan3A_47 = arith.constant 15 : i32
    %mul3A_48 = arith.constant 50176 : i32
    %mul3A_49 = arith.muli %arg0, %mul3A_48 : i32
    %add3A_50 = arith.constant 12544 : i32
    %add3A_51 = arith.addi %mul3A_49, %add3A_50 : i32
    %mul3A_52 = arith.constant 784 : i32
    %mul3A_53 = arith.muli %arg1, %mul3A_52 : i32
    %add3A_54 = arith.addi %add3A_51, %mul3A_53 : i32
    "tpu.region"() ({
      %run_scoped3A = tpu.sem_alloc : memref<!tpu.dma_semaphore, #tpu.memory_space<semaphore_mem>>
      %dma_start3A_94 = tpu.memref_slice %arg3[%add3A_54] : memref<100352xf32, #tpu.memory_space<hbm>> -> memref<784xf32, #tpu.memory_space<hbm>>
      %dma_start3A_95 = tpu.memref_slice %arg3[%add3A_54] : memref<100352xf32, #tpu.memory_space<hbm>> -> memref<784xf32, #tpu.memory_space<hbm>>
      tpu.enqueue_dma source(%arg6 : memref<784xf32, #tpu.memory_space<vmem>>) target(%dma_start3A_95 : memref<784xf32, #tpu.memory_space<hbm>>) target_semaphore(%run_scoped3A : memref<!tpu.dma_semaphore, #tpu.memory_space<semaphore_mem>>)
      %dma_wait3A_96 = tpu.memref_slice %arg3[%add3A_54] : memref<100352xf32, #tpu.memory_space<hbm>> -> memref<784xf32, #tpu.memory_space<hbm>>
      %dma_wait3A_97 = tpu.memref_slice %arg3[%add3A_54] : memref<100352xf32, #tpu.memory_space<hbm>> -> memref<784xf32, #tpu.memory_space<hbm>>
      tpu.wait_dma2 semaphore(%run_scoped3A : memref<!tpu.dma_semaphore, #tpu.memory_space<semaphore_mem>>) src(%arg6 : memref<784xf32, #tpu.memory_space<vmem>>) dst(%dma_wait3A_97 : memref<784xf32, #tpu.memory_space<hbm>>)
      tpu.yield
    }) : () -> ()
    %barrier3A_55 = arith.constant 0 : index
    tpu.barrier barrier_id(%barrier3A_55)
    %mul3A_56 = arith.constant 12544 : i32
    %mul3A_57 = arith.muli %arg1, %mul3A_56 : i32
    "tpu.region"() ({
      %run_scoped3A = tpu.sem_alloc : memref<!tpu.dma_semaphore, #tpu.memory_space<semaphore_mem>>
      %dma_start3A_94 = arith.constant 25088 : i32
      %dma_start3A_95 = tpu.memref_slice %arg5[%dma_start3A_94] : memref<50176xf32, #tpu.memory_space<vmem>> -> memref<12544xf32, #tpu.memory_space<vmem>>
      %dma_start3A_96 = tpu.memref_slice %arg8[%mul3A_57] : memref<200704xf32, #tpu.memory_space<vmem_shared>> -> memref<12544xf32, #tpu.memory_space<vmem_shared>>
      %dma_start3A_97 = tpu.memref_slice %arg8[%mul3A_57] : memref<200704xf32, #tpu.memory_space<vmem_shared>> -> memref<12544xf32, #tpu.memory_space<vmem_shared>>
      %dma_start3A_98 = arith.constant 25088 : i32
      %dma_start3A_99 = tpu.memref_slice %arg5[%dma_start3A_98] : memref<50176xf32, #tpu.memory_space<vmem>> -> memref<12544xf32, #tpu.memory_space<vmem>>
      tpu.enqueue_dma source(%dma_start3A_99 : memref<12544xf32, #tpu.memory_space<vmem>>) target(%dma_start3A_97 : memref<12544xf32, #tpu.memory_space<vmem_shared>>) target_semaphore(%run_scoped3A : memref<!tpu.dma_semaphore, #tpu.memory_space<semaphore_mem>>)
      %dma_wait3A_100 = arith.constant 25088 : i32
      %dma_wait3A_101 = tpu.memref_slice %arg5[%dma_wait3A_100] : memref<50176xf32, #tpu.memory_space<vmem>> -> memref<12544xf32, #tpu.memory_space<vmem>>
      %dma_wait3A_102 = tpu.memref_slice %arg8[%mul3A_57] : memref<200704xf32, #tpu.memory_space<vmem_shared>> -> memref<12544xf32, #tpu.memory_space<vmem_shared>>
      %dma_wait3A_103 = tpu.memref_slice %arg8[%mul3A_57] : memref<200704xf32, #tpu.memory_space<vmem_shared>> -> memref<12544xf32, #tpu.memory_space<vmem_shared>>
      %dma_wait3A_104 = arith.constant 25088 : i32
      %dma_wait3A_105 = tpu.memref_slice %arg5[%dma_wait3A_104] : memref<50176xf32, #tpu.memory_space<vmem>> -> memref<12544xf32, #tpu.memory_space<vmem>>
      tpu.wait_dma2 semaphore(%run_scoped3A : memref<!tpu.dma_semaphore, #tpu.memory_space<semaphore_mem>>) src(%dma_wait3A_105 : memref<12544xf32, #tpu.memory_space<vmem>>) dst(%dma_wait3A_103 : memref<12544xf32, #tpu.memory_space<vmem_shared>>)
      tpu.yield
    }) : () -> ()
    %barrier3A_58 = arith.constant 0 : index
    tpu.barrier barrier_id(%barrier3A_58)
    %mul3A_59 = arith.constant 784 : i32
    %mul3A_60 = arith.muli %arg1, %mul3A_59 : i32
    "tpu.region"() ({
      %run_scoped3A = tpu.sem_alloc : memref<!tpu.dma_semaphore, #tpu.memory_space<semaphore_mem>>
      %dma_start3A_94 = tpu.memref_slice %arg8[%mul3A_60] : memref<200704xf32, #tpu.memory_space<vmem_shared>> -> memref<784xf32, #tpu.memory_space<vmem_shared>>
      %dma_start3A_95 = tpu.memref_slice %arg8[%mul3A_60] : memref<200704xf32, #tpu.memory_space<vmem_shared>> -> memref<784xf32, #tpu.memory_space<vmem_shared>>
      tpu.enqueue_dma source(%dma_start3A_95 : memref<784xf32, #tpu.memory_space<vmem_shared>>) target(%arg6 : memref<784xf32, #tpu.memory_space<vmem>>) target_semaphore(%run_scoped3A : memref<!tpu.dma_semaphore, #tpu.memory_space<semaphore_mem>>)
      %dma_wait3A_96 = tpu.memref_slice %arg8[%mul3A_60] : memref<200704xf32, #tpu.memory_space<vmem_shared>> -> memref<784xf32, #tpu.memory_space<vmem_shared>>
      %dma_wait3A_97 = tpu.memref_slice %arg8[%mul3A_60] : memref<200704xf32, #tpu.memory_space<vmem_shared>> -> memref<784xf32, #tpu.memory_space<vmem_shared>>
      tpu.wait_dma2 semaphore(%run_scoped3A : memref<!tpu.dma_semaphore, #tpu.memory_space<semaphore_mem>>) src(%dma_wait3A_97 : memref<784xf32, #tpu.memory_space<vmem_shared>>) dst(%arg6 : memref<784xf32, #tpu.memory_space<vmem>>)
      tpu.yield
    }) : () -> ()
    %scan3A_61 = arith.constant 0 : i32
    %scan3A_62 = arith.constant 1 : i32
    %scan3A_63 = arith.constant 15 : i32
    %scan3A_64 = arith.addi %scan3A_62, %scan3A_63 : i32
    %scan3A_65 = arith.constant 1 : i32
    scf.for %scan3A_94 = %scan3A_62 to %scan3A_64 step %scan3A_65  : i32 {
      %mul3A_95 = arith.constant 12544 : i32
      %mul3A_96 = arith.muli %scan3A_94, %mul3A_95 : i32
      %mul3A_97 = arith.constant 784 : i32
      %mul3A_98 = arith.muli %arg1, %mul3A_97 : i32
      %add3A_99 = arith.addi %mul3A_96, %mul3A_98 : i32
      "tpu.region"() ({
        %run_scoped3A = tpu.sem_alloc : memref<!tpu.dma_semaphore, #tpu.memory_space<semaphore_mem>>
        %dma_start3A_106 = tpu.memref_slice %arg8[%add3A_99] : memref<200704xf32, #tpu.memory_space<vmem_shared>> -> memref<784xf32, #tpu.memory_space<vmem_shared>>
        %dma_start3A_107 = tpu.memref_slice %arg8[%add3A_99] : memref<200704xf32, #tpu.memory_space<vmem_shared>> -> memref<784xf32, #tpu.memory_space<vmem_shared>>
        tpu.enqueue_dma source(%dma_start3A_107 : memref<784xf32, #tpu.memory_space<vmem_shared>>) target(%arg7 : memref<784xf32, #tpu.memory_space<vmem>>) target_semaphore(%run_scoped3A : memref<!tpu.dma_semaphore, #tpu.memory_space<semaphore_mem>>)
        %dma_wait3A_108 = tpu.memref_slice %arg8[%add3A_99] : memref<200704xf32, #tpu.memory_space<vmem_shared>> -> memref<784xf32, #tpu.memory_space<vmem_shared>>
        %dma_wait3A_109 = tpu.memref_slice %arg8[%add3A_99] : memref<200704xf32, #tpu.memory_space<vmem_shared>> -> memref<784xf32, #tpu.memory_space<vmem_shared>>
        tpu.wait_dma2 semaphore(%run_scoped3A : memref<!tpu.dma_semaphore, #tpu.memory_space<semaphore_mem>>) src(%dma_wait3A_109 : memref<784xf32, #tpu.memory_space<vmem_shared>>) dst(%arg7 : memref<784xf32, #tpu.memory_space<vmem>>)
        tpu.yield
      }) : () -> ()
      %scan3A_100 = arith.constant 0 : i32
      %scan3A_101 = arith.constant 0 : i32
      %scan3A_102 = arith.constant 7 : i32
      %scan3A_103 = arith.addi %scan3A_101, %scan3A_102 : i32
      %scan3A_104 = arith.constant 1 : i32
      scf.for %scan3A_106 = %scan3A_101 to %scan3A_103 step %scan3A_104  : i32 {
        %mul3A_107 = arith.constant 112 : i32
        %mul3A_108 = arith.muli %scan3A_106, %mul3A_107 : i32
        %add3A_109 = arith.constant 0 : i32
        %add3A_110 = arith.addi %mul3A_108, %add3A_109 : i32
        %get3A = arith.index_cast %add3A_110 : i32 to index
        %get3A_111 = tpu.vector_load %arg6[%get3A] {strides = array<i32>} : memref<784xf32, #tpu.memory_space<vmem>>, vector<16xf32>,
        %get3A_112 = arith.index_cast %add3A_110 : i32 to index
        %get3A_113 = tpu.vector_load %arg7[%get3A_112] {strides = array<i32>} : memref<784xf32, #tpu.memory_space<vmem>>, vector<16xf32>,
        %add3A_114 = arith.addf %get3A_111, %get3A_113 : vector<16xf32>
        %swap3A = arith.index_cast %add3A_110 : i32 to index
        %swap3A_115 = tpu.vector_load %arg6[%swap3A] {strides = array<i32>} : memref<784xf32, #tpu.memory_space<vmem>>, vector<16xf32>,
        tpu.vector_store %arg6[%swap3A], %add3A_114 {strides = array<i32>} : memref<784xf32, #tpu.memory_space<vmem>>, vector<16xf32>,
        %mul3A_116 = arith.constant 112 : i32
        %mul3A_117 = arith.muli %scan3A_106, %mul3A_116 : i32
        %add3A_118 = arith.constant 16 : i32
        %add3A_119 = arith.addi %mul3A_117, %add3A_118 : i32
        %get3A_120 = arith.index_cast %add3A_119 : i32 to index
        %get3A_121 = tpu.vector_load %arg6[%get3A_120] {strides = array<i32>} : memref<784xf32, #tpu.memory_space<vmem>>, vector<16xf32>,
        %get3A_122 = arith.index_cast %add3A_119 : i32 to index
        %get3A_123 = tpu.vector_load %arg7[%get3A_122] {strides = array<i32>} : memref<784xf32, #tpu.memory_space<vmem>>, vector<16xf32>,
        %add3A_124 = arith.addf %get3A_121, %get3A_123 : vector<16xf32>
        %swap3A_125 = arith.index_cast %add3A_119 : i32 to index
        %swap3A_126 = tpu.vector_load %arg6[%swap3A_125] {strides = array<i32>} : memref<784xf32, #tpu.memory_space<vmem>>, vector<16xf32>,
        tpu.vector_store %arg6[%swap3A_125], %add3A_124 {strides = array<i32>} : memref<784xf32, #tpu.memory_space<vmem>>, vector<16xf32>,
        %mul3A_127 = arith.constant 112 : i32
        %mul3A_128 = arith.muli %scan3A_106, %mul3A_127 : i32
        %add3A_129 = arith.constant 32 : i32
        %add3A_130 = arith.addi %mul3A_128, %add3A_129 : i32
        %get3A_131 = arith.index_cast %add3A_130 : i32 to index
        %get3A_132 = tpu.vector_load %arg6[%get3A_131] {strides = array<i32>} : memref<784xf32, #tpu.memory_space<vmem>>, vector<16xf32>,
        %get3A_133 = arith.index_cast %add3A_130 : i32 to index
        %get3A_134 = tpu.vector_load %arg7[%get3A_133] {strides = array<i32>} : memref<784xf32, #tpu.memory_space<vmem>>, vector<16xf32>,
        %add3A_135 = arith.addf %get3A_132, %get3A_134 : vector<16xf32>
        %swap3A_136 = arith.index_cast %add3A_130 : i32 to index
        %swap3A_137 = tpu.vector_load %arg6[%swap3A_136] {strides = array<i32>} : memref<784xf32, #tpu.memory_space<vmem>>, vector<16xf32>,
        tpu.vector_store %arg6[%swap3A_136], %add3A_135 {strides = array<i32>} : memref<784xf32, #tpu.memory_space<vmem>>, vector<16xf32>,
        %mul3A_138 = arith.constant 112 : i32
        %mul3A_139 = arith.muli %scan3A_106, %mul3A_138 : i32
        %add3A_140 = arith.constant 48 : i32
        %add3A_141 = arith.addi %mul3A_139, %add3A_140 : i32
        %get3A_142 = arith.index_cast %add3A_141 : i32 to index
        %get3A_143 = tpu.vector_load %arg6[%get3A_142] {strides = array<i32>} : memref<784xf32, #tpu.memory_space<vmem>>, vector<16xf32>,
        %get3A_144 = arith.index_cast %add3A_141 : i32 to index
        %get3A_145 = tpu.vector_load %arg7[%get3A_144] {strides = array<i32>} : memref<784xf32, #tpu.memory_space<vmem>>, vector<16xf32>,
        %add3A_146 = arith.addf %get3A_143, %get3A_145 : vector<16xf32>
        %swap3A_147 = arith.index_cast %add3A_141 : i32 to index
        %swap3A_148 = tpu.vector_load %arg6[%swap3A_147] {strides = array<i32>} : memref<784xf32, #tpu.memory_space<vmem>>, vector<16xf32>,
        tpu.vector_store %arg6[%swap3A_147], %add3A_146 {strides = array<i32>} : memref<784xf32, #tpu.memory_space<vmem>>, vector<16xf32>,
        %mul3A_149 = arith.constant 112 : i32
        %mul3A_150 = arith.muli %scan3A_106, %mul3A_149 : i32
        %add3A_151 = arith.constant 64 : i32
        %add3A_152 = arith.addi %mul3A_150, %add3A_151 : i32
        %get3A_153 = arith.index_cast %add3A_152 : i32 to index
        %get3A_154 = tpu.vector_load %arg6[%get3A_153] {strides = array<i32>} : memref<784xf32, #tpu.memory_space<vmem>>, vector<16xf32>,
        %get3A_155 = arith.index_cast %add3A_152 : i32 to index
        %get3A_156 = tpu.vector_load %arg7[%get3A_155] {strides = array<i32>} : memref<784xf32, #tpu.memory_space<vmem>>, vector<16xf32>,
        %add3A_157 = arith.addf %get3A_154, %get3A_156 : vector<16xf32>
        %swap3A_158 = arith.index_cast %add3A_152 : i32 to index
        %swap3A_159 = tpu.vector_load %arg6[%swap3A_158] {strides = array<i32>} : memref<784xf32, #tpu.memory_space<vmem>>, vector<16xf32>,
        tpu.vector_store %arg6[%swap3A_158], %add3A_157 {strides = array<i32>} : memref<784xf32, #tpu.memory_space<vmem>>, vector<16xf32>,
        %mul3A_160 = arith.constant 112 : i32
        %mul3A_161 = arith.muli %scan3A_106, %mul3A_160 : i32
        %add3A_162 = arith.constant 80 : i32
        %add3A_163 = arith.addi %mul3A_161, %add3A_162 : i32
        %get3A_164 = arith.index_cast %add3A_163 : i32 to index
        %get3A_165 = tpu.vector_load %arg6[%get3A_164] {strides = array<i32>} : memref<784xf32, #tpu.memory_space<vmem>>, vector<16xf32>,
        %get3A_166 = arith.index_cast %add3A_163 : i32 to index
        %get3A_167 = tpu.vector_load %arg7[%get3A_166] {strides = array<i32>} : memref<784xf32, #tpu.memory_space<vmem>>, vector<16xf32>,
        %add3A_168 = arith.addf %get3A_165, %get3A_167 : vector<16xf32>
        %swap3A_169 = arith.index_cast %add3A_163 : i32 to index
        %swap3A_170 = tpu.vector_load %arg6[%swap3A_169] {strides = array<i32>} : memref<784xf32, #tpu.memory_space<vmem>>, vector<16xf32>,
        tpu.vector_store %arg6[%swap3A_169], %add3A_168 {strides = array<i32>} : memref<784xf32, #tpu.memory_space<vmem>>, vector<16xf32>,
        %mul3A_171 = arith.constant 112 : i32
        %mul3A_172 = arith.muli %scan3A_106, %mul3A_171 : i32
        %add3A_173 = arith.constant 96 : i32
        %add3A_174 = arith.addi %mul3A_172, %add3A_173 : i32
        %get3A_175 = arith.index_cast %add3A_174 : i32 to index
        %get3A_176 = tpu.vector_load %arg6[%get3A_175] {strides = array<i32>} : memref<784xf32, #tpu.memory_space<vmem>>, vector<16xf32>,
        %get3A_177 = arith.index_cast %add3A_174 : i32 to index
        %get3A_178 = tpu.vector_load %arg7[%get3A_177] {strides = array<i32>} : memref<784xf32, #tpu.memory_space<vmem>>, vector<16xf32>,
        %add3A_179 = arith.addf %get3A_176, %get3A_178 : vector<16xf32>
        %swap3A_180 = arith.index_cast %add3A_174 : i32 to index
        %swap3A_181 = tpu.vector_load %arg6[%swap3A_180] {strides = array<i32>} : memref<784xf32, #tpu.memory_space<vmem>>, vector<16xf32>,
        tpu.vector_store %arg6[%swap3A_180], %add3A_179 {strides = array<i32>} : memref<784xf32, #tpu.memory_space<vmem>>, vector<16xf32>,
      }
      %scan3A_105 = arith.constant 7 : i32
    }
    %scan3A_66 = arith.constant 15 : i32
    %mul3A_67 = arith.constant 50176 : i32
    %mul3A_68 = arith.muli %arg0, %mul3A_67 : i32
    %add3A_69 = arith.constant 25088 : i32
    %add3A_70 = arith.addi %mul3A_68, %add3A_69 : i32
    %mul3A_71 = arith.constant 784 : i32
    %mul3A_72 = arith.muli %arg1, %mul3A_71 : i32
    %add3A_73 = arith.addi %add3A_70, %mul3A_72 : i32
    "tpu.region"() ({
      %run_scoped3A = tpu.sem_alloc : memref<!tpu.dma_semaphore, #tpu.memory_space<semaphore_mem>>
      %dma_start3A_94 = tpu.memref_slice %arg3[%add3A_73] : memref<100352xf32, #tpu.memory_space<hbm>> -> memref<784xf32, #tpu.memory_space<hbm>>
      %dma_start3A_95 = tpu.memref_slice %arg3[%add3A_73] : memref<100352xf32, #tpu.memory_space<hbm>> -> memref<784xf32, #tpu.memory_space<hbm>>
      tpu.enqueue_dma source(%arg6 : memref<784xf32, #tpu.memory_space<vmem>>) target(%dma_start3A_95 : memref<784xf32, #tpu.memory_space<hbm>>) target_semaphore(%run_scoped3A : memref<!tpu.dma_semaphore, #tpu.memory_space<semaphore_mem>>)
      %dma_wait3A_96 = tpu.memref_slice %arg3[%add3A_73] : memref<100352xf32, #tpu.memory_space<hbm>> -> memref<784xf32, #tpu.memory_space<hbm>>
      %dma_wait3A_97 = tpu.memref_slice %arg3[%add3A_73] : memref<100352xf32, #tpu.memory_space<hbm>> -> memref<784xf32, #tpu.memory_space<hbm>>
      tpu.wait_dma2 semaphore(%run_scoped3A : memref<!tpu.dma_semaphore, #tpu.memory_space<semaphore_mem>>) src(%arg6 : memref<784xf32, #tpu.memory_space<vmem>>) dst(%dma_wait3A_97 : memref<784xf32, #tpu.memory_space<hbm>>)
      tpu.yield
    }) : () -> ()
    %barrier3A_74 = arith.constant 0 : index
    tpu.barrier barrier_id(%barrier3A_74)
    %mul3A_75 = arith.constant 12544 : i32
    %mul3A_76 = arith.muli %arg1, %mul3A_75 : i32
    "tpu.region"() ({
      %run_scoped3A = tpu.sem_alloc : memref<!tpu.dma_semaphore, #tpu.memory_space<semaphore_mem>>
      %dma_start3A_94 = arith.constant 37632 : i32
      %dma_start3A_95 = tpu.memref_slice %arg5[%dma_start3A_94] : memref<50176xf32, #tpu.memory_space<vmem>> -> memref<12544xf32, #tpu.memory_space<vmem>>
      %dma_start3A_96 = tpu.memref_slice %arg8[%mul3A_76] : memref<200704xf32, #tpu.memory_space<vmem_shared>> -> memref<12544xf32, #tpu.memory_space<vmem_shared>>
      %dma_start3A_97 = tpu.memref_slice %arg8[%mul3A_76] : memref<200704xf32, #tpu.memory_space<vmem_shared>> -> memref<12544xf32, #tpu.memory_space<vmem_shared>>
      %dma_start3A_98 = arith.constant 37632 : i32
      %dma_start3A_99 = tpu.memref_slice %arg5[%dma_start3A_98] : memref<50176xf32, #tpu.memory_space<vmem>> -> memref<12544xf32, #tpu.memory_space<vmem>>
      tpu.enqueue_dma source(%dma_start3A_99 : memref<12544xf32, #tpu.memory_space<vmem>>) target(%dma_start3A_97 : memref<12544xf32, #tpu.memory_space<vmem_shared>>) target_semaphore(%run_scoped3A : memref<!tpu.dma_semaphore, #tpu.memory_space<semaphore_mem>>)
      %dma_wait3A_100 = arith.constant 37632 : i32
      %dma_wait3A_101 = tpu.memref_slice %arg5[%dma_wait3A_100] : memref<50176xf32, #tpu.memory_space<vmem>> -> memref<12544xf32, #tpu.memory_space<vmem>>
      %dma_wait3A_102 = tpu.memref_slice %arg8[%mul3A_76] : memref<200704xf32, #tpu.memory_space<vmem_shared>> -> memref<12544xf32, #tpu.memory_space<vmem_shared>>
      %dma_wait3A_103 = tpu.memref_slice %arg8[%mul3A_76] : memref<200704xf32, #tpu.memory_space<vmem_shared>> -> memref<12544xf32, #tpu.memory_space<vmem_shared>>
      %dma_wait3A_104 = arith.constant 37632 : i32
      %dma_wait3A_105 = tpu.memref_slice %arg5[%dma_wait3A_104] : memref<50176xf32, #tpu.memory_space<vmem>> -> memref<12544xf32, #tpu.memory_space<vmem>>
      tpu.wait_dma2 semaphore(%run_scoped3A : memref<!tpu.dma_semaphore, #tpu.memory_space<semaphore_mem>>) src(%dma_wait3A_105 : memref<12544xf32, #tpu.memory_space<vmem>>) dst(%dma_wait3A_103 : memref<12544xf32, #tpu.memory_space<vmem_shared>>)
      tpu.yield
    }) : () -> ()
    %barrier3A_77 = arith.constant 0 : index
    tpu.barrier barrier_id(%barrier3A_77)
    %mul3A_78 = arith.constant 784 : i32
    %mul3A_79 = arith.muli %arg1, %mul3A_78 : i32
    "tpu.region"() ({
      %run_scoped3A = tpu.sem_alloc : memref<!tpu.dma_semaphore, #tpu.memory_space<semaphore_mem>>
      %dma_start3A_94 = tpu.memref_slice %arg8[%mul3A_79] : memref<200704xf32, #tpu.memory_space<vmem_shared>> -> memref<784xf32, #tpu.memory_space<vmem_shared>>
      %dma_start3A_95 = tpu.memref_slice %arg8[%mul3A_79] : memref<200704xf32, #tpu.memory_space<vmem_shared>> -> memref<784xf32, #tpu.memory_space<vmem_shared>>
      tpu.enqueue_dma source(%dma_start3A_95 : memref<784xf32, #tpu.memory_space<vmem_shared>>) target(%arg6 : memref<784xf32, #tpu.memory_space<vmem>>) target_semaphore(%run_scoped3A : memref<!tpu.dma_semaphore, #tpu.memory_space<semaphore_mem>>)
      %dma_wait3A_96 = tpu.memref_slice %arg8[%mul3A_79] : memref<200704xf32, #tpu.memory_space<vmem_shared>> -> memref<784xf32, #tpu.memory_space<vmem_shared>>
      %dma_wait3A_97 = tpu.memref_slice %arg8[%mul3A_79] : memref<200704xf32, #tpu.memory_space<vmem_shared>> -> memref<784xf32, #tpu.memory_space<vmem_shared>>
      tpu.wait_dma2 semaphore(%run_scoped3A : memref<!tpu.dma_semaphore, #tpu.memory_space<semaphore_mem>>) src(%dma_wait3A_97 : memref<784xf32, #tpu.memory_space<vmem_shared>>) dst(%arg6 : memref<784xf32, #tpu.memory_space<vmem>>)
      tpu.yield
    }) : () -> ()
    %scan3A_80 = arith.constant 0 : i32
    %scan3A_81 = arith.constant 1 : i32
    %scan3A_82 = arith.constant 15 : i32
    %scan3A_83 = arith.addi %scan3A_81, %scan3A_82 : i32
    %scan3A_84 = arith.constant 1 : i32
    scf.for %scan3A_94 = %scan3A_81 to %scan3A_83 step %scan3A_84  : i32 {
      %mul3A_95 = arith.constant 12544 : i32
      %mul3A_96 = arith.muli %scan3A_94, %mul3A_95 : i32
      %mul3A_97 = arith.constant 784 : i32
      %mul3A_98 = arith.muli %arg1, %mul3A_97 : i32
      %add3A_99 = arith.addi %mul3A_96, %mul3A_98 : i32
      "tpu.region"() ({
        %run_scoped3A = tpu.sem_alloc : memref<!tpu.dma_semaphore, #tpu.memory_space<semaphore_mem>>
        %dma_start3A_106 = tpu.memref_slice %arg8[%add3A_99] : memref<200704xf32, #tpu.memory_space<vmem_shared>> -> memref<784xf32, #tpu.memory_space<vmem_shared>>
        %dma_start3A_107 = tpu.memref_slice %arg8[%add3A_99] : memref<200704xf32, #tpu.memory_space<vmem_shared>> -> memref<784xf32, #tpu.memory_space<vmem_shared>>
        tpu.enqueue_dma source(%dma_start3A_107 : memref<784xf32, #tpu.memory_space<vmem_shared>>) target(%arg7 : memref<784xf32, #tpu.memory_space<vmem>>) target_semaphore(%run_scoped3A : memref<!tpu.dma_semaphore, #tpu.memory_space<semaphore_mem>>)
        %dma_wait3A_108 = tpu.memref_slice %arg8[%add3A_99] : memref<200704xf32, #tpu.memory_space<vmem_shared>> -> memref<784xf32, #tpu.memory_space<vmem_shared>>
        %dma_wait3A_109 = tpu.memref_slice %arg8[%add3A_99] : memref<200704xf32, #tpu.memory_space<vmem_shared>> -> memref<784xf32, #tpu.memory_space<vmem_shared>>
        tpu.wait_dma2 semaphore(%run_scoped3A : memref<!tpu.dma_semaphore, #tpu.memory_space<semaphore_mem>>) src(%dma_wait3A_109 : memref<784xf32, #tpu.memory_space<vmem_shared>>) dst(%arg7 : memref<784xf32, #tpu.memory_space<vmem>>)
        tpu.yield
      }) : () -> ()
      %scan3A_100 = arith.constant 0 : i32
      %scan3A_101 = arith.constant 0 : i32
      %scan3A_102 = arith.constant 7 : i32
      %scan3A_103 = arith.addi %scan3A_101, %scan3A_102 : i32
      %scan3A_104 = arith.constant 1 : i32
      scf.for %scan3A_106 = %scan3A_101 to %scan3A_103 step %scan3A_104  : i32 {
        %mul3A_107 = arith.constant 112 : i32
        %mul3A_108 = arith.muli %scan3A_106, %mul3A_107 : i32
        %add3A_109 = arith.constant 0 : i32
        %add3A_110 = arith.addi %mul3A_108, %add3A_109 : i32
        %get3A = arith.index_cast %add3A_110 : i32 to index
        %get3A_111 = tpu.vector_load %arg6[%get3A] {strides = array<i32>} : memref<784xf32, #tpu.memory_space<vmem>>, vector<16xf32>,
        %get3A_112 = arith.index_cast %add3A_110 : i32 to index
        %get3A_113 = tpu.vector_load %arg7[%get3A_112] {strides = array<i32>} : memref<784xf32, #tpu.memory_space<vmem>>, vector<16xf32>,
        %add3A_114 = arith.addf %get3A_111, %get3A_113 : vector<16xf32>
        %swap3A = arith.index_cast %add3A_110 : i32 to index
        %swap3A_115 = tpu.vector_load %arg6[%swap3A] {strides = array<i32>} : memref<784xf32, #tpu.memory_space<vmem>>, vector<16xf32>,
        tpu.vector_store %arg6[%swap3A], %add3A_114 {strides = array<i32>} : memref<784xf32, #tpu.memory_space<vmem>>, vector<16xf32>,
        %mul3A_116 = arith.constant 112 : i32
        %mul3A_117 = arith.muli %scan3A_106, %mul3A_116 : i32
        %add3A_118 = arith.constant 16 : i32
        %add3A_119 = arith.addi %mul3A_117, %add3A_118 : i32
        %get3A_120 = arith.index_cast %add3A_119 : i32 to index
        %get3A_121 = tpu.vector_load %arg6[%get3A_120] {strides = array<i32>} : memref<784xf32, #tpu.memory_space<vmem>>, vector<16xf32>,
        %get3A_122 = arith.index_cast %add3A_119 : i32 to index
        %get3A_123 = tpu.vector_load %arg7[%get3A_122] {strides = array<i32>} : memref<784xf32, #tpu.memory_space<vmem>>, vector<16xf32>,
        %add3A_124 = arith.addf %get3A_121, %get3A_123 : vector<16xf32>
        %swap3A_125 = arith.index_cast %add3A_119 : i32 to index
        %swap3A_126 = tpu.vector_load %arg6[%swap3A_125] {strides = array<i32>} : memref<784xf32, #tpu.memory_space<vmem>>, vector<16xf32>,
        tpu.vector_store %arg6[%swap3A_125], %add3A_124 {strides = array<i32>} : memref<784xf32, #tpu.memory_space<vmem>>, vector<16xf32>,
        %mul3A_127 = arith.constant 112 : i32
        %mul3A_128 = arith.muli %scan3A_106, %mul3A_127 : i32
        %add3A_129 = arith.constant 32 : i32
        %add3A_130 = arith.addi %mul3A_128, %add3A_129 : i32
        %get3A_131 = arith.index_cast %add3A_130 : i32 to index
        %get3A_132 = tpu.vector_load %arg6[%get3A_131] {strides = array<i32>} : memref<784xf32, #tpu.memory_space<vmem>>, vector<16xf32>,
        %get3A_133 = arith.index_cast %add3A_130 : i32 to index
        %get3A_134 = tpu.vector_load %arg7[%get3A_133] {strides = array<i32>} : memref<784xf32, #tpu.memory_space<vmem>>, vector<16xf32>,
        %add3A_135 = arith.addf %get3A_132, %get3A_134 : vector<16xf32>
        %swap3A_136 = arith.index_cast %add3A_130 : i32 to index
        %swap3A_137 = tpu.vector_load %arg6[%swap3A_136] {strides = array<i32>} : memref<784xf32, #tpu.memory_space<vmem>>, vector<16xf32>,
        tpu.vector_store %arg6[%swap3A_136], %add3A_135 {strides = array<i32>} : memref<784xf32, #tpu.memory_space<vmem>>, vector<16xf32>,
        %mul3A_138 = arith.constant 112 : i32
        %mul3A_139 = arith.muli %scan3A_106, %mul3A_138 : i32
        %add3A_140 = arith.constant 48 : i32
        %add3A_141 = arith.addi %mul3A_139, %add3A_140 : i32
        %get3A_142 = arith.index_cast %add3A_141 : i32 to index
        %get3A_143 = tpu.vector_load %arg6[%get3A_142] {strides = array<i32>} : memref<784xf32, #tpu.memory_space<vmem>>, vector<16xf32>,
        %get3A_144 = arith.index_cast %add3A_141 : i32 to index
        %get3A_145 = tpu.vector_load %arg7[%get3A_144] {strides = array<i32>} : memref<784xf32, #tpu.memory_space<vmem>>, vector<16xf32>,
        %add3A_146 = arith.addf %get3A_143, %get3A_145 : vector<16xf32>
        %swap3A_147 = arith.index_cast %add3A_141 : i32 to index
        %swap3A_148 = tpu.vector_load %arg6[%swap3A_147] {strides = array<i32>} : memref<784xf32, #tpu.memory_space<vmem>>, vector<16xf32>,
        tpu.vector_store %arg6[%swap3A_147], %add3A_146 {strides = array<i32>} : memref<784xf32, #tpu.memory_space<vmem>>, vector<16xf32>,
        %mul3A_149 = arith.constant 112 : i32
        %mul3A_150 = arith.muli %scan3A_106, %mul3A_149 : i32
        %add3A_151 = arith.constant 64 : i32
        %add3A_152 = arith.addi %mul3A_150, %add3A_151 : i32
        %get3A_153 = arith.index_cast %add3A_152 : i32 to index
        %get3A_154 = tpu.vector_load %arg6[%get3A_153] {strides = array<i32>} : memref<784xf32, #tpu.memory_space<vmem>>, vector<16xf32>,
        %get3A_155 = arith.index_cast %add3A_152 : i32 to index
        %get3A_156 = tpu.vector_load %arg7[%get3A_155] {strides = array<i32>} : memref<784xf32, #tpu.memory_space<vmem>>, vector<16xf32>,
        %add3A_157 = arith.addf %get3A_154, %get3A_156 : vector<16xf32>
        %swap3A_158 = arith.index_cast %add3A_152 : i32 to index
        %swap3A_159 = tpu.vector_load %arg6[%swap3A_158] {strides = array<i32>} : memref<784xf32, #tpu.memory_space<vmem>>, vector<16xf32>,
        tpu.vector_store %arg6[%swap3A_158], %add3A_157 {strides = array<i32>} : memref<784xf32, #tpu.memory_space<vmem>>, vector<16xf32>,
        %mul3A_160 = arith.constant 112 : i32
        %mul3A_161 = arith.muli %scan3A_106, %mul3A_160 : i32
        %add3A_162 = arith.constant 80 : i32
        %add3A_163 = arith.addi %mul3A_161, %add3A_162 : i32
        %get3A_164 = arith.index_cast %add3A_163 : i32 to index
        %get3A_165 = tpu.vector_load %arg6[%get3A_164] {strides = array<i32>} : memref<784xf32, #tpu.memory_space<vmem>>, vector<16xf32>,
        %get3A_166 = arith.index_cast %add3A_163 : i32 to index
        %get3A_167 = tpu.vector_load %arg7[%get3A_166] {strides = array<i32>} : memref<784xf32, #tpu.memory_space<vmem>>, vector<16xf32>,
        %add3A_168 = arith.addf %get3A_165, %get3A_167 : vector<16xf32>
        %swap3A_169 = arith.index_cast %add3A_163 : i32 to index
        %swap3A_170 = tpu.vector_load %arg6[%swap3A_169] {strides = array<i32>} : memref<784xf32, #tpu.memory_space<vmem>>, vector<16xf32>,
        tpu.vector_store %arg6[%swap3A_169], %add3A_168 {strides = array<i32>} : memref<784xf32, #tpu.memory_space<vmem>>, vector<16xf32>,
        %mul3A_171 = arith.constant 112 : i32
        %mul3A_172 = arith.muli %scan3A_106, %mul3A_171 : i32
        %add3A_173 = arith.constant 96 : i32
        %add3A_174 = arith.addi %mul3A_172, %add3A_173 : i32
        %get3A_175 = arith.index_cast %add3A_174 : i32 to index
        %get3A_176 = tpu.vector_load %arg6[%get3A_175] {strides = array<i32>} : memref<784xf32, #tpu.memory_space<vmem>>, vector<16xf32>,
        %get3A_177 = arith.index_cast %add3A_174 : i32 to index
        %get3A_178 = tpu.vector_load %arg7[%get3A_177] {strides = array<i32>} : memref<784xf32, #tpu.memory_space<vmem>>, vector<16xf32>,
        %add3A_179 = arith.addf %get3A_176, %get3A_178 : vector<16xf32>
        %swap3A_180 = arith.index_cast %add3A_174 : i32 to index
        %swap3A_181 = tpu.vector_load %arg6[%swap3A_180] {strides = array<i32>} : memref<784xf32, #tpu.memory_space<vmem>>, vector<16xf32>,
        tpu.vector_store %arg6[%swap3A_180], %add3A_179 {strides = array<i32>} : memref<784xf32, #tpu.memory_space<vmem>>, vector<16xf32>,
      }
      %scan3A_105 = arith.constant 7 : i32
    }
    %scan3A_85 = arith.constant 15 : i32
    %mul3A_86 = arith.constant 50176 : i32
    %mul3A_87 = arith.muli %arg0, %mul3A_86 : i32
    %add3A_88 = arith.constant 37632 : i32
    %add3A_89 = arith.addi %mul3A_87, %add3A_88 : i32
    %mul3A_90 = arith.constant 784 : i32
    %mul3A_91 = arith.muli %arg1, %mul3A_90 : i32
    %add3A_92 = arith.addi %add3A_89, %mul3A_91 : i32
    "tpu.region"() ({
      %run_scoped3A = tpu.sem_alloc : memref<!tpu.dma_semaphore, #tpu.memory_space<semaphore_mem>>
      %dma_start3A_94 = tpu.memref_slice %arg3[%add3A_92] : memref<100352xf32, #tpu.memory_space<hbm>> -> memref<784xf32, #tpu.memory_space<hbm>>
      %dma_start3A_95 = tpu.memref_slice %arg3[%add3A_92] : memref<100352xf32, #tpu.memory_space<hbm>> -> memref<784xf32, #tpu.memory_space<hbm>>
      tpu.enqueue_dma source(%arg6 : memref<784xf32, #tpu.memory_space<vmem>>) target(%dma_start3A_95 : memref<784xf32, #tpu.memory_space<hbm>>) target_semaphore(%run_scoped3A : memref<!tpu.dma_semaphore, #tpu.memory_space<semaphore_mem>>)
      %dma_wait3A_96 = tpu.memref_slice %arg3[%add3A_92] : memref<100352xf32, #tpu.memory_space<hbm>> -> memref<784xf32, #tpu.memory_space<hbm>>
      %dma_wait3A_97 = tpu.memref_slice %arg3[%add3A_92] : memref<100352xf32, #tpu.memory_space<hbm>> -> memref<784xf32, #tpu.memory_space<hbm>>
      tpu.wait_dma2 semaphore(%run_scoped3A : memref<!tpu.dma_semaphore, #tpu.memory_space<semaphore_mem>>) src(%arg6 : memref<784xf32, #tpu.memory_space<vmem>>) dst(%dma_wait3A_97 : memref<784xf32, #tpu.memory_space<hbm>>)
      tpu.yield
    }) : () -> ()
    %barrier3A_93 = arith.constant 0 : index
    tpu.barrier barrier_id(%barrier3A_93)
    return
  }
}

module attributes {stable_mosaic.version = 14 : i64} {
  func.func @_tc_body(%arg0: i32, %arg1: memref<1792x128xf32, #tpu.memory_space<vmem>>, %arg2: memref<1792x128xf32, #tpu.memory_space<vmem>>, %arg3: memref<1792x2xf32, #tpu.memory_space<vmem>>, %arg4: memref<1792x2xf32, #tpu.memory_space<vmem>>, %arg5: memref<2x128xf32, #tpu.memory_space<vmem>>, %arg6: memref<1792x8xf32, #tpu.memory_space<vmem>>, %arg7: memref<128x64xf32, #tpu.memory_space<vmem>>, %arg8: memref<1x64xf32, #tpu.memory_space<vmem>>, %arg9: memref<64x64xf32, #tpu.memory_space<vmem>>, %arg10: memref<1x64xf32, #tpu.memory_space<vmem>>, %arg11: memref<64x128xf32, #tpu.memory_space<vmem>>, %arg12: memref<1x128xf32, #tpu.memory_space<vmem>>, %arg13: memref<128x64xf32, #tpu.memory_space<vmem>>, %arg14: memref<1x64xf32, #tpu.memory_space<vmem>>, %arg15: memref<64x64xf32, #tpu.memory_space<vmem>>, %arg16: memref<1x64xf32, #tpu.memory_space<vmem>>, %arg17: memref<64x128xf32, #tpu.memory_space<vmem>>, %arg18: memref<1x128xf32, #tpu.memory_space<vmem>>, %arg19: memref<128x64xf32, #tpu.memory_space<vmem>>, %arg20: memref<1x64xf32, #tpu.memory_space<vmem>>, %arg21: memref<64x64xf32, #tpu.memory_space<vmem>>, %arg22: memref<1x64xf32, #tpu.memory_space<vmem>>, %arg23: memref<64x128xf32, #tpu.memory_space<vmem>>, %arg24: memref<1x128xf32, #tpu.memory_space<vmem>>, %arg25: memref<128x64xf32, #tpu.memory_space<vmem>>, %arg26: memref<1x64xf32, #tpu.memory_space<vmem>>, %arg27: memref<64x64xf32, #tpu.memory_space<vmem>>, %arg28: memref<1x64xf32, #tpu.memory_space<vmem>>, %arg29: memref<64x128xf32, #tpu.memory_space<vmem>>, %arg30: memref<1x128xf32, #tpu.memory_space<vmem>>, %arg31: memref<128x64xf32, #tpu.memory_space<vmem>>, %arg32: memref<1x64xf32, #tpu.memory_space<vmem>>, %arg33: memref<64x64xf32, #tpu.memory_space<vmem>>, %arg34: memref<1x64xf32, #tpu.memory_space<vmem>>, %arg35: memref<64x128xf32, #tpu.memory_space<vmem>>, %arg36: memref<1x128xf32, #tpu.memory_space<vmem>>, %arg37: memref<128x64xf32, #tpu.memory_space<vmem>>, %arg38: memref<1x64xf32, #tpu.memory_space<vmem>>, %arg39: memref<64x64xf32, #tpu.memory_space<vmem>>, %arg40: memref<1x64xf32, #tpu.memory_space<vmem>>, %arg41: memref<64x128xf32, #tpu.memory_space<vmem>>, %arg42: memref<1x128xf32, #tpu.memory_space<vmem>>, %arg43: memref<128x64xf32, #tpu.memory_space<vmem>>, %arg44: memref<1x64xf32, #tpu.memory_space<vmem>>, %arg45: memref<64x256xf32, #tpu.memory_space<vmem>>, %arg46: memref<1x256xf32, #tpu.memory_space<vmem>>, %arg47: memref<1x256xf32, #tpu.memory_space<vmem>>, %arg48: memref<256x256xf32, #tpu.memory_space<vmem>>, %arg49: memref<1x256xf32, #tpu.memory_space<vmem>>, %arg50: memref<256x256xf32, #tpu.memory_space<vmem>>, %arg51: memref<1x256xf32, #tpu.memory_space<vmem>>, %arg52: memref<256x256xf32, #tpu.memory_space<vmem>>, %arg53: memref<1x256xf32, #tpu.memory_space<vmem>>, %arg54: memref<256x4xf32, #tpu.memory_space<vmem>>, %arg55: memref<8x512xf32, #tpu.memory_space<vmem>>, %arg56: memref<256x256xf32, #tpu.memory_space<vmem>>, %arg57: memref<1x256xf32, #tpu.memory_space<vmem>>, %arg58: memref<256x64xf32, #tpu.memory_space<vmem>>, %arg59: memref<1x64xf32, #tpu.memory_space<vmem>>, %arg60: memref<1x64xf32, #tpu.memory_space<vmem>>, %arg61: memref<1x64xf32, #tpu.memory_space<vmem>>, %arg62: memref<64x1024xf32, #tpu.memory_space<vmem>>, %arg63: memref<1x1024xf32, #tpu.memory_space<vmem>>, %arg64: memref<1x1024xf32, #tpu.memory_space<vmem>>, %arg65: memref<1x4xf32, #tpu.memory_space<vmem>>, %arg66: memref<1x256xf32, #tpu.memory_space<vmem>>, %arg67: memref<1x256xf32, #tpu.memory_space<vmem>>, %arg68: memref<128x8xf32, #tpu.memory_space<vmem>>, %arg69: memref<1x8xf32, #tpu.memory_space<vmem>>, %arg70: memref<128x512xf32, #tpu.memory_space<vmem>>, %arg71: memref<1x512xf32, #tpu.memory_space<vmem>>, %arg72: memref<128x128xf32, #tpu.memory_space<vmem>>, %arg73: memref<128x128xf32, #tpu.memory_space<vmem>>, %arg74: memref<1x128xf32, #tpu.memory_space<vmem>>, %arg75: memref<6x128x128xf32, #tpu.memory_space<vmem>>, %arg76: memref<6x1x128xf32, #tpu.memory_space<vmem>>, %arg77: memref<6x128x256xf32, #tpu.memory_space<vmem>>, %arg78: memref<6x1x256xf32, #tpu.memory_space<vmem>>, %arg79: memref<6x256x128xf32, #tpu.memory_space<vmem>>, %arg80: memref<6x1x128xf32, #tpu.memory_space<vmem>>) attributes {dimension_semantics = [#tpu.dimension_semantics<arbitrary>], iteration_bounds = array<i64: 14>, scalar_prefetch = 0 : i64, scratch_operands = 16 : i64, tpu.core_type = #tpu.core_type<tc>, window_params = [{transform_indices = @transform_0, window_bounds = array<i64: 1792, 128>}, {transform_indices = @transform_1, window_bounds = array<i64: 1792, 128>}, {transform_indices = @transform_2, window_bounds = array<i64: 1792, 2>}, {transform_indices = @transform_3, window_bounds = array<i64: 1792, 2>}, {pipeline_mode = #tpu.pipeline_mode<synchronous>, transform_indices = @transform_4, window_bounds = array<i64: 2, 128>}, {transform_indices = @transform_5, window_bounds = array<i64: 1792, 8>}, {pipeline_mode = #tpu.pipeline_mode<synchronous>, transform_indices = @transform_6, window_bounds = array<i64: 128, 64>}, {pipeline_mode = #tpu.pipeline_mode<synchronous>, transform_indices = @transform_7, window_bounds = array<i64: 1, 64>}, {pipeline_mode = #tpu.pipeline_mode<synchronous>, transform_indices = @transform_8, window_bounds = array<i64: 64, 64>}, {pipeline_mode = #tpu.pipeline_mode<synchronous>, transform_indices = @transform_9, window_bounds = array<i64: 1, 64>}, {pipeline_mode = #tpu.pipeline_mode<synchronous>, transform_indices = @transform_10, window_bounds = array<i64: 64, 128>}, {pipeline_mode = #tpu.pipeline_mode<synchronous>, transform_indices = @transform_11, window_bounds = array<i64: 1, 128>}, {pipeline_mode = #tpu.pipeline_mode<synchronous>, transform_indices = @transform_12, window_bounds = array<i64: 128, 64>}, {pipeline_mode = #tpu.pipeline_mode<synchronous>, transform_indices = @transform_13, window_bounds = array<i64: 1, 64>}, {pipeline_mode = #tpu.pipeline_mode<synchronous>, transform_indices = @transform_14, window_bounds = array<i64: 64, 64>}, {pipeline_mode = #tpu.pipeline_mode<synchronous>, transform_indices = @transform_15, window_bounds = array<i64: 1, 64>}, {pipeline_mode = #tpu.pipeline_mode<synchronous>, transform_indices = @transform_16, window_bounds = array<i64: 64, 128>}, {pipeline_mode = #tpu.pipeline_mode<synchronous>, transform_indices = @transform_17, window_bounds = array<i64: 1, 128>}, {pipeline_mode = #tpu.pipeline_mode<synchronous>, transform_indices = @transform_18, window_bounds = array<i64: 128, 64>}, {pipeline_mode = #tpu.pipeline_mode<synchronous>, transform_indices = @transform_19, window_bounds = array<i64: 1, 64>}, {pipeline_mode = #tpu.pipeline_mode<synchronous>, transform_indices = @transform_20, window_bounds = array<i64: 64, 64>}, {pipeline_mode = #tpu.pipeline_mode<synchronous>, transform_indices = @transform_21, window_bounds = array<i64: 1, 64>}, {pipeline_mode = #tpu.pipeline_mode<synchronous>, transform_indices = @transform_22, window_bounds = array<i64: 64, 128>}, {pipeline_mode = #tpu.pipeline_mode<synchronous>, transform_indices = @transform_23, window_bounds = array<i64: 1, 128>}, {pipeline_mode = #tpu.pipeline_mode<synchronous>, transform_indices = @transform_24, window_bounds = array<i64: 128, 64>}, {pipeline_mode = #tpu.pipeline_mode<synchronous>, transform_indices = @transform_25, window_bounds = array<i64: 1, 64>}, {pipeline_mode = #tpu.pipeline_mode<synchronous>, transform_indices = @transform_26, window_bounds = array<i64: 64, 64>}, {pipeline_mode = #tpu.pipeline_mode<synchronous>, transform_indices = @transform_27, window_bounds = array<i64: 1, 64>}, {pipeline_mode = #tpu.pipeline_mode<synchronous>, transform_indices = @transform_28, window_bounds = array<i64: 64, 128>}, {pipeline_mode = #tpu.pipeline_mode<synchronous>, transform_indices = @transform_29, window_bounds = array<i64: 1, 128>}, {pipeline_mode = #tpu.pipeline_mode<synchronous>, transform_indices = @transform_30, window_bounds = array<i64: 128, 64>}, {pipeline_mode = #tpu.pipeline_mode<synchronous>, transform_indices = @transform_31, window_bounds = array<i64: 1, 64>}, {pipeline_mode = #tpu.pipeline_mode<synchronous>, transform_indices = @transform_32, window_bounds = array<i64: 64, 64>}, {pipeline_mode = #tpu.pipeline_mode<synchronous>, transform_indices = @transform_33, window_bounds = array<i64: 1, 64>}, {pipeline_mode = #tpu.pipeline_mode<synchronous>, transform_indices = @transform_34, window_bounds = array<i64: 64, 128>}, {pipeline_mode = #tpu.pipeline_mode<synchronous>, transform_indices = @transform_35, window_bounds = array<i64: 1, 128>}, {pipeline_mode = #tpu.pipeline_mode<synchronous>, transform_indices = @transform_36, window_bounds = array<i64: 128, 64>}, {pipeline_mode = #tpu.pipeline_mode<synchronous>, transform_indices = @transform_37, window_bounds = array<i64: 1, 64>}, {pipeline_mode = #tpu.pipeline_mode<synchronous>, transform_indices = @transform_38, window_bounds = array<i64: 64, 64>}, {pipeline_mode = #tpu.pipeline_mode<synchronous>, transform_indices = @transform_39, window_bounds = array<i64: 1, 64>}, {pipeline_mode = #tpu.pipeline_mode<synchronous>, transform_indices = @transform_40, window_bounds = array<i64: 64, 128>}, {pipeline_mode = #tpu.pipeline_mode<synchronous>, transform_indices = @transform_41, window_bounds = array<i64: 1, 128>}, {pipeline_mode = #tpu.pipeline_mode<synchronous>, transform_indices = @transform_42, window_bounds = array<i64: 128, 64>}, {pipeline_mode = #tpu.pipeline_mode<synchronous>, transform_indices = @transform_43, window_bounds = array<i64: 1, 64>}, {pipeline_mode = #tpu.pipeline_mode<synchronous>, transform_indices = @transform_44, window_bounds = array<i64: 64, 256>}, {pipeline_mode = #tpu.pipeline_mode<synchronous>, transform_indices = @transform_45, window_bounds = array<i64: 1, 256>}, {pipeline_mode = #tpu.pipeline_mode<synchronous>, transform_indices = @transform_46, window_bounds = array<i64: 1, 256>}, {pipeline_mode = #tpu.pipeline_mode<synchronous>, transform_indices = @transform_47, window_bounds = array<i64: 256, 256>}, {pipeline_mode = #tpu.pipeline_mode<synchronous>, transform_indices = @transform_48, window_bounds = array<i64: 1, 256>}, {pipeline_mode = #tpu.pipeline_mode<synchronous>, transform_indices = @transform_49, window_bounds = array<i64: 256, 256>}, {pipeline_mode = #tpu.pipeline_mode<synchronous>, transform_indices = @transform_50, window_bounds = array<i64: 1, 256>}, {pipeline_mode = #tpu.pipeline_mode<synchronous>, transform_indices = @transform_51, window_bounds = array<i64: 256, 256>}, {pipeline_mode = #tpu.pipeline_mode<synchronous>, transform_indices = @transform_52, window_bounds = array<i64: 1, 256>}, {pipeline_mode = #tpu.pipeline_mode<synchronous>, transform_indices = @transform_53, window_bounds = array<i64: 256, 4>}, {pipeline_mode = #tpu.pipeline_mode<synchronous>, transform_indices = @transform_54, window_bounds = array<i64: 8, 512>}, {pipeline_mode = #tpu.pipeline_mode<synchronous>, transform_indices = @transform_55, window_bounds = array<i64: 256, 256>}, {pipeline_mode = #tpu.pipeline_mode<synchronous>, transform_indices = @transform_56, window_bounds = array<i64: 1, 256>}, {pipeline_mode = #tpu.pipeline_mode<synchronous>, transform_indices = @transform_57, window_bounds = array<i64: 256, 64>}, {pipeline_mode = #tpu.pipeline_mode<synchronous>, transform_indices = @transform_58, window_bounds = array<i64: 1, 64>}, {pipeline_mode = #tpu.pipeline_mode<synchronous>, transform_indices = @transform_59, window_bounds = array<i64: 1, 64>}, {pipeline_mode = #tpu.pipeline_mode<synchronous>, transform_indices = @transform_60, window_bounds = array<i64: 1, 64>}, {pipeline_mode = #tpu.pipeline_mode<synchronous>, transform_indices = @transform_61, window_bounds = array<i64: 64, 1024>}, {pipeline_mode = #tpu.pipeline_mode<synchronous>, transform_indices = @transform_62, window_bounds = array<i64: 1, 1024>}, {pipeline_mode = #tpu.pipeline_mode<synchronous>, transform_indices = @transform_63, window_bounds = array<i64: 1, 1024>}]} {
    %eq3A = arith.constant 0 : i32
    %eq3A_0 = arith.cmpi eq, %arg0, %eq3A : i32
    %convert_element_type3A = arith.extui %eq3A_0 : i1 to i32
    %cond3A = arith.constant 0 : i32
    %cond3A_1 = arith.cmpi ne, %convert_element_type3A, %cond3A : i32
    scf.if %cond3A_1 {
      %broadcast_in_dim3A_419 = arith.constant -1.000000e+30 : f32
      %broadcast_in_dim3A_420 = vector.broadcast %broadcast_in_dim3A_419 : f32 to vector<1x4xf32>
      %swap3A_421 = arith.constant 0 : index
      %swap3A_422 = arith.constant 0 : index
      %swap3A_423 = vector.load %arg65[%swap3A_421, %swap3A_422] : memref<1x4xf32, #tpu.memory_space<vmem>>, vector<1x4xf32>
      tpu.vector_store %arg65[%swap3A_421, %swap3A_422], %broadcast_in_dim3A_420 {strides = array<i32>} : memref<1x4xf32, #tpu.memory_space<vmem>>, vector<1x4xf32>,
      %broadcast_in_dim3A_424 = arith.constant 0.000000e+00 : f32
      %broadcast_in_dim3A_425 = vector.broadcast %broadcast_in_dim3A_424 : f32 to vector<1x256xf32>
      %swap3A_426 = arith.constant 0 : index
      %swap3A_427 = arith.constant 0 : index
      %swap3A_428 = vector.load %arg66[%swap3A_426, %swap3A_427] : memref<1x256xf32, #tpu.memory_space<vmem>>, vector<1x256xf32>
      tpu.vector_store %arg66[%swap3A_426, %swap3A_427], %broadcast_in_dim3A_425 {strides = array<i32>} : memref<1x256xf32, #tpu.memory_space<vmem>>, vector<1x256xf32>,
      %broadcast_in_dim3A_429 = arith.constant 0.000000e+00 : f32
      %broadcast_in_dim3A_430 = vector.broadcast %broadcast_in_dim3A_429 : f32 to vector<1x256xf32>
      %swap3A_431 = arith.constant 0 : index
      %swap3A_432 = arith.constant 0 : index
      %swap3A_433 = vector.load %arg67[%swap3A_431, %swap3A_432] : memref<1x256xf32, #tpu.memory_space<vmem>>, vector<1x256xf32>
      tpu.vector_store %arg67[%swap3A_431, %swap3A_432], %broadcast_in_dim3A_430 {strides = array<i32>} : memref<1x256xf32, #tpu.memory_space<vmem>>, vector<1x256xf32>,
      %get3A_434 = arith.constant 0 : index
      %get3A_435 = arith.constant 0 : index
      %get3A_436 = vector.load %arg7[%get3A_434, %get3A_435] : memref<128x64xf32, #tpu.memory_space<vmem>>, vector<128x64xf32>
      %broadcast_in_dim3A_437 = arith.constant 0.000000e+00 : f32
      %broadcast_in_dim3A_438 = vector.broadcast %broadcast_in_dim3A_437 : f32 to vector<128x64xf32>
      %concatenate3A_439 = tpu.concatenate %get3A_436, %broadcast_in_dim3A_438 in 1 : vector<128x64xf32>, vector<128x64xf32> -> vector<128x128xf32>
      %swap3A_440 = arith.constant 0 : index
      %swap3A_441 = arith.constant 0 : index
      %swap3A_442 = vector.load %arg72[%swap3A_440, %swap3A_441] : memref<128x128xf32, #tpu.memory_space<vmem>>, vector<128x128xf32>
      tpu.vector_store %arg72[%swap3A_440, %swap3A_441], %concatenate3A_439 {strides = array<i32>} : memref<128x128xf32, #tpu.memory_space<vmem>>, vector<128x128xf32>,
      %concatenate3A_443 = tpu.concatenate %broadcast_in_dim3A_438, %get3A_436 in 1 : vector<128x64xf32>, vector<128x64xf32> -> vector<128x128xf32>
      %swap3A_444 = arith.constant 0 : index
      %swap3A_445 = arith.constant 0 : index
      %swap3A_446 = vector.load %arg73[%swap3A_444, %swap3A_445] : memref<128x128xf32, #tpu.memory_space<vmem>>, vector<128x128xf32>
      tpu.vector_store %arg73[%swap3A_444, %swap3A_445], %concatenate3A_443 {strides = array<i32>} : memref<128x128xf32, #tpu.memory_space<vmem>>, vector<128x128xf32>,
      %get3A_447 = arith.constant 0 : index
      %get3A_448 = arith.constant 0 : index
      %get3A_449 = vector.load %arg8[%get3A_447, %get3A_448] : memref<1x64xf32, #tpu.memory_space<vmem>>, vector<1x64xf32>
      %get3A_450 = arith.constant 0 : index
      %get3A_451 = arith.constant 0 : index
      %get3A_452 = vector.load %arg8[%get3A_450, %get3A_451] : memref<1x64xf32, #tpu.memory_space<vmem>>, vector<1x64xf32>
      %concatenate3A_453 = tpu.concatenate %get3A_449, %get3A_452 in 1 : vector<1x64xf32>, vector<1x64xf32> -> vector<1x128xf32>
      %swap3A_454 = arith.constant 0 : index
      %swap3A_455 = arith.constant 0 : index
      %swap3A_456 = vector.load %arg74[%swap3A_454, %swap3A_455] : memref<1x128xf32, #tpu.memory_space<vmem>>, vector<1x128xf32>
      tpu.vector_store %arg74[%swap3A_454, %swap3A_455], %concatenate3A_453 {strides = array<i32>} : memref<1x128xf32, #tpu.memory_space<vmem>>, vector<1x128xf32>,
      %broadcast_in_dim3A_457 = arith.constant 0.000000e+00 : f32
      %broadcast_in_dim3A_458 = vector.broadcast %broadcast_in_dim3A_457 : f32 to vector<64x64xf32>
      %broadcast_in_dim3A_459 = arith.constant 0.000000e+00 : f32
      %broadcast_in_dim3A_460 = vector.broadcast %broadcast_in_dim3A_459 : f32 to vector<64x128xf32>
      %broadcast_in_dim3A_461 = arith.constant 0.000000e+00 : f32
      %broadcast_in_dim3A_462 = vector.broadcast %broadcast_in_dim3A_461 : f32 to vector<128x64xf32>
      %get3A_463 = arith.constant 0 : index
      %get3A_464 = arith.constant 0 : index
      %get3A_465 = vector.load %arg9[%get3A_463, %get3A_464] : memref<64x64xf32, #tpu.memory_space<vmem>>, vector<64x64xf32>
      %get3A_466 = arith.constant 0 : index
      %get3A_467 = arith.constant 0 : index
      %get3A_468 = vector.load %arg10[%get3A_466, %get3A_467] : memref<1x64xf32, #tpu.memory_space<vmem>>, vector<1x64xf32>
      %get3A_469 = arith.constant 0 : index
      %get3A_470 = arith.constant 0 : index
      %get3A_471 = vector.load %arg11[%get3A_469, %get3A_470] : memref<64x128xf32, #tpu.memory_space<vmem>>, vector<64x128xf32>
      %get3A_472 = arith.constant 0 : index
      %get3A_473 = arith.constant 0 : index
      %get3A_474 = vector.load %arg12[%get3A_472, %get3A_473] : memref<1x128xf32, #tpu.memory_space<vmem>>, vector<1x128xf32>
      %get3A_475 = arith.constant 0 : index
      %get3A_476 = arith.constant 0 : index
      %get3A_477 = vector.load %arg13[%get3A_475, %get3A_476] : memref<128x64xf32, #tpu.memory_space<vmem>>, vector<128x64xf32>
      %get3A_478 = arith.constant 0 : index
      %get3A_479 = arith.constant 0 : index
      %get3A_480 = vector.load %arg14[%get3A_478, %get3A_479] : memref<1x64xf32, #tpu.memory_space<vmem>>, vector<1x64xf32>
      %concatenate3A_481 = tpu.concatenate %get3A_465, %broadcast_in_dim3A_458 in 1 : vector<64x64xf32>, vector<64x64xf32> -> vector<64x128xf32>
      %concatenate3A_482 = tpu.concatenate %broadcast_in_dim3A_458, %get3A_465 in 1 : vector<64x64xf32>, vector<64x64xf32> -> vector<64x128xf32>
      %concatenate3A_483 = tpu.concatenate %concatenate3A_481, %concatenate3A_482 in 0 : vector<64x128xf32>, vector<64x128xf32> -> vector<128x128xf32>
      %swap3A_484 = arith.constant 0 : index
      %swap3A_485 = arith.constant 0 : index
      %swap3A_486 = arith.constant 0 : index
      %swap3A_487 = vector.load %arg75[%swap3A_484, %swap3A_485, %swap3A_486] : memref<6x128x128xf32, #tpu.memory_space<vmem>>, vector<1x128x128xf32>
      %swap3A_488 = vector.shape_cast %swap3A_487 : vector<1x128x128xf32> to vector<128x128xf32>
      %swap3A_489 = vector.shape_cast %concatenate3A_483 : vector<128x128xf32> to vector<1x128x128xf32>
      tpu.vector_store %arg75[%swap3A_484, %swap3A_485, %swap3A_486], %swap3A_489 {strides = array<i32>} : memref<6x128x128xf32, #tpu.memory_space<vmem>>, vector<1x128x128xf32>,
      %concatenate3A_490 = tpu.concatenate %get3A_468, %get3A_468 in 1 : vector<1x64xf32>, vector<1x64xf32> -> vector<1x128xf32>
      %swap3A_491 = arith.constant 0 : index
      %swap3A_492 = arith.constant 0 : index
      %swap3A_493 = arith.constant 0 : index
      %swap3A_494 = vector.load %arg76[%swap3A_491, %swap3A_492, %swap3A_493] : memref<6x1x128xf32, #tpu.memory_space<vmem>>, vector<1x1x128xf32>
      %swap3A_495 = vector.shape_cast %swap3A_494 : vector<1x1x128xf32> to vector<1x128xf32>
      %swap3A_496 = vector.shape_cast %concatenate3A_490 : vector<1x128xf32> to vector<1x1x128xf32>
      tpu.vector_store %arg76[%swap3A_491, %swap3A_492, %swap3A_493], %swap3A_496 {strides = array<i32>} : memref<6x1x128xf32, #tpu.memory_space<vmem>>, vector<1x1x128xf32>,
      %concatenate3A_497 = tpu.concatenate %get3A_471, %broadcast_in_dim3A_460 in 1 : vector<64x128xf32>, vector<64x128xf32> -> vector<64x256xf32>
      %concatenate3A_498 = tpu.concatenate %broadcast_in_dim3A_460, %get3A_471 in 1 : vector<64x128xf32>, vector<64x128xf32> -> vector<64x256xf32>
      %concatenate3A_499 = tpu.concatenate %concatenate3A_497, %concatenate3A_498 in 0 : vector<64x256xf32>, vector<64x256xf32> -> vector<128x256xf32>
      %swap3A_500 = arith.constant 0 : index
      %swap3A_501 = arith.constant 0 : index
      %swap3A_502 = arith.constant 0 : index
      %swap3A_503 = vector.load %arg77[%swap3A_500, %swap3A_501, %swap3A_502] : memref<6x128x256xf32, #tpu.memory_space<vmem>>, vector<1x128x256xf32>
      %swap3A_504 = vector.shape_cast %swap3A_503 : vector<1x128x256xf32> to vector<128x256xf32>
      %swap3A_505 = vector.shape_cast %concatenate3A_499 : vector<128x256xf32> to vector<1x128x256xf32>
      tpu.vector_store %arg77[%swap3A_500, %swap3A_501, %swap3A_502], %swap3A_505 {strides = array<i32>} : memref<6x128x256xf32, #tpu.memory_space<vmem>>, vector<1x128x256xf32>,
      %concatenate3A_506 = tpu.concatenate %get3A_474, %get3A_474 in 1 : vector<1x128xf32>, vector<1x128xf32> -> vector<1x256xf32>
      %swap3A_507 = arith.constant 0 : index
      %swap3A_508 = arith.constant 0 : index
      %swap3A_509 = arith.constant 0 : index
      %swap3A_510 = vector.load %arg78[%swap3A_507, %swap3A_508, %swap3A_509] : memref<6x1x256xf32, #tpu.memory_space<vmem>>, vector<1x1x256xf32>
      %swap3A_511 = vector.shape_cast %swap3A_510 : vector<1x1x256xf32> to vector<1x256xf32>
      %swap3A_512 = vector.shape_cast %concatenate3A_506 : vector<1x256xf32> to vector<1x1x256xf32>
      tpu.vector_store %arg78[%swap3A_507, %swap3A_508, %swap3A_509], %swap3A_512 {strides = array<i32>} : memref<6x1x256xf32, #tpu.memory_space<vmem>>, vector<1x1x256xf32>,
      %concatenate3A_513 = tpu.concatenate %get3A_477, %broadcast_in_dim3A_462 in 1 : vector<128x64xf32>, vector<128x64xf32> -> vector<128x128xf32>
      %concatenate3A_514 = tpu.concatenate %broadcast_in_dim3A_462, %get3A_477 in 1 : vector<128x64xf32>, vector<128x64xf32> -> vector<128x128xf32>
      %concatenate3A_515 = tpu.concatenate %concatenate3A_513, %concatenate3A_514 in 0 : vector<128x128xf32>, vector<128x128xf32> -> vector<256x128xf32>
      %swap3A_516 = arith.constant 0 : index
      %swap3A_517 = arith.constant 0 : index
      %swap3A_518 = arith.constant 0 : index
      %swap3A_519 = vector.load %arg79[%swap3A_516, %swap3A_517, %swap3A_518] : memref<6x256x128xf32, #tpu.memory_space<vmem>>, vector<1x256x128xf32>
      %swap3A_520 = vector.shape_cast %swap3A_519 : vector<1x256x128xf32> to vector<256x128xf32>
      %swap3A_521 = vector.shape_cast %concatenate3A_515 : vector<256x128xf32> to vector<1x256x128xf32>
      tpu.vector_store %arg79[%swap3A_516, %swap3A_517, %swap3A_518], %swap3A_521 {strides = array<i32>} : memref<6x256x128xf32, #tpu.memory_space<vmem>>, vector<1x256x128xf32>,
      %concatenate3A_522 = tpu.concatenate %get3A_480, %get3A_480 in 1 : vector<1x64xf32>, vector<1x64xf32> -> vector<1x128xf32>
      %swap3A_523 = arith.constant 0 : index
      %swap3A_524 = arith.constant 0 : index
      %swap3A_525 = arith.constant 0 : index
      %swap3A_526 = vector.load %arg80[%swap3A_523, %swap3A_524, %swap3A_525] : memref<6x1x128xf32, #tpu.memory_space<vmem>>, vector<1x1x128xf32>
      %swap3A_527 = vector.shape_cast %swap3A_526 : vector<1x1x128xf32> to vector<1x128xf32>
      %swap3A_528 = vector.shape_cast %concatenate3A_522 : vector<1x128xf32> to vector<1x1x128xf32>
      tpu.vector_store %arg80[%swap3A_523, %swap3A_524, %swap3A_525], %swap3A_528 {strides = array<i32>} : memref<6x1x128xf32, #tpu.memory_space<vmem>>, vector<1x1x128xf32>,
      %get3A_529 = arith.constant 0 : index
      %get3A_530 = arith.constant 0 : index
      %get3A_531 = vector.load %arg15[%get3A_529, %get3A_530] : memref<64x64xf32, #tpu.memory_space<vmem>>, vector<64x64xf32>
      %get3A_532 = arith.constant 0 : index
      %get3A_533 = arith.constant 0 : index
      %get3A_534 = vector.load %arg16[%get3A_532, %get3A_533] : memref<1x64xf32, #tpu.memory_space<vmem>>, vector<1x64xf32>
      %get3A_535 = arith.constant 0 : index
      %get3A_536 = arith.constant 0 : index
      %get3A_537 = vector.load %arg17[%get3A_535, %get3A_536] : memref<64x128xf32, #tpu.memory_space<vmem>>, vector<64x128xf32>
      %get3A_538 = arith.constant 0 : index
      %get3A_539 = arith.constant 0 : index
      %get3A_540 = vector.load %arg18[%get3A_538, %get3A_539] : memref<1x128xf32, #tpu.memory_space<vmem>>, vector<1x128xf32>
      %get3A_541 = arith.constant 0 : index
      %get3A_542 = arith.constant 0 : index
      %get3A_543 = vector.load %arg19[%get3A_541, %get3A_542] : memref<128x64xf32, #tpu.memory_space<vmem>>, vector<128x64xf32>
      %get3A_544 = arith.constant 0 : index
      %get3A_545 = arith.constant 0 : index
      %get3A_546 = vector.load %arg20[%get3A_544, %get3A_545] : memref<1x64xf32, #tpu.memory_space<vmem>>, vector<1x64xf32>
      %concatenate3A_547 = tpu.concatenate %get3A_531, %broadcast_in_dim3A_458 in 1 : vector<64x64xf32>, vector<64x64xf32> -> vector<64x128xf32>
      %concatenate3A_548 = tpu.concatenate %broadcast_in_dim3A_458, %get3A_531 in 1 : vector<64x64xf32>, vector<64x64xf32> -> vector<64x128xf32>
      %concatenate3A_549 = tpu.concatenate %concatenate3A_547, %concatenate3A_548 in 0 : vector<64x128xf32>, vector<64x128xf32> -> vector<128x128xf32>
      %swap3A_550 = arith.constant 1 : index
      %swap3A_551 = arith.constant 0 : index
      %swap3A_552 = arith.constant 0 : index
      %swap3A_553 = vector.load %arg75[%swap3A_550, %swap3A_551, %swap3A_552] : memref<6x128x128xf32, #tpu.memory_space<vmem>>, vector<1x128x128xf32>
      %swap3A_554 = vector.shape_cast %swap3A_553 : vector<1x128x128xf32> to vector<128x128xf32>
      %swap3A_555 = vector.shape_cast %concatenate3A_549 : vector<128x128xf32> to vector<1x128x128xf32>
      tpu.vector_store %arg75[%swap3A_550, %swap3A_551, %swap3A_552], %swap3A_555 {strides = array<i32>} : memref<6x128x128xf32, #tpu.memory_space<vmem>>, vector<1x128x128xf32>,
      %concatenate3A_556 = tpu.concatenate %get3A_534, %get3A_534 in 1 : vector<1x64xf32>, vector<1x64xf32> -> vector<1x128xf32>
      %swap3A_557 = arith.constant 1 : index
      %swap3A_558 = arith.constant 0 : index
      %swap3A_559 = arith.constant 0 : index
      %swap3A_560 = vector.load %arg76[%swap3A_557, %swap3A_558, %swap3A_559] : memref<6x1x128xf32, #tpu.memory_space<vmem>>, vector<1x1x128xf32>
      %swap3A_561 = vector.shape_cast %swap3A_560 : vector<1x1x128xf32> to vector<1x128xf32>
      %swap3A_562 = vector.shape_cast %concatenate3A_556 : vector<1x128xf32> to vector<1x1x128xf32>
      tpu.vector_store %arg76[%swap3A_557, %swap3A_558, %swap3A_559], %swap3A_562 {strides = array<i32>} : memref<6x1x128xf32, #tpu.memory_space<vmem>>, vector<1x1x128xf32>,
      %concatenate3A_563 = tpu.concatenate %get3A_537, %broadcast_in_dim3A_460 in 1 : vector<64x128xf32>, vector<64x128xf32> -> vector<64x256xf32>
      %concatenate3A_564 = tpu.concatenate %broadcast_in_dim3A_460, %get3A_537 in 1 : vector<64x128xf32>, vector<64x128xf32> -> vector<64x256xf32>
      %concatenate3A_565 = tpu.concatenate %concatenate3A_563, %concatenate3A_564 in 0 : vector<64x256xf32>, vector<64x256xf32> -> vector<128x256xf32>
      %swap3A_566 = arith.constant 1 : index
      %swap3A_567 = arith.constant 0 : index
      %swap3A_568 = arith.constant 0 : index
      %swap3A_569 = vector.load %arg77[%swap3A_566, %swap3A_567, %swap3A_568] : memref<6x128x256xf32, #tpu.memory_space<vmem>>, vector<1x128x256xf32>
      %swap3A_570 = vector.shape_cast %swap3A_569 : vector<1x128x256xf32> to vector<128x256xf32>
      %swap3A_571 = vector.shape_cast %concatenate3A_565 : vector<128x256xf32> to vector<1x128x256xf32>
      tpu.vector_store %arg77[%swap3A_566, %swap3A_567, %swap3A_568], %swap3A_571 {strides = array<i32>} : memref<6x128x256xf32, #tpu.memory_space<vmem>>, vector<1x128x256xf32>,
      %concatenate3A_572 = tpu.concatenate %get3A_540, %get3A_540 in 1 : vector<1x128xf32>, vector<1x128xf32> -> vector<1x256xf32>
      %swap3A_573 = arith.constant 1 : index
      %swap3A_574 = arith.constant 0 : index
      %swap3A_575 = arith.constant 0 : index
      %swap3A_576 = vector.load %arg78[%swap3A_573, %swap3A_574, %swap3A_575] : memref<6x1x256xf32, #tpu.memory_space<vmem>>, vector<1x1x256xf32>
      %swap3A_577 = vector.shape_cast %swap3A_576 : vector<1x1x256xf32> to vector<1x256xf32>
      %swap3A_578 = vector.shape_cast %concatenate3A_572 : vector<1x256xf32> to vector<1x1x256xf32>
      tpu.vector_store %arg78[%swap3A_573, %swap3A_574, %swap3A_575], %swap3A_578 {strides = array<i32>} : memref<6x1x256xf32, #tpu.memory_space<vmem>>, vector<1x1x256xf32>,
      %concatenate3A_579 = tpu.concatenate %get3A_543, %broadcast_in_dim3A_462 in 1 : vector<128x64xf32>, vector<128x64xf32> -> vector<128x128xf32>
      %concatenate3A_580 = tpu.concatenate %broadcast_in_dim3A_462, %get3A_543 in 1 : vector<128x64xf32>, vector<128x64xf32> -> vector<128x128xf32>
      %concatenate3A_581 = tpu.concatenate %concatenate3A_579, %concatenate3A_580 in 0 : vector<128x128xf32>, vector<128x128xf32> -> vector<256x128xf32>
      %swap3A_582 = arith.constant 1 : index
      %swap3A_583 = arith.constant 0 : index
      %swap3A_584 = arith.constant 0 : index
      %swap3A_585 = vector.load %arg79[%swap3A_582, %swap3A_583, %swap3A_584] : memref<6x256x128xf32, #tpu.memory_space<vmem>>, vector<1x256x128xf32>
      %swap3A_586 = vector.shape_cast %swap3A_585 : vector<1x256x128xf32> to vector<256x128xf32>
      %swap3A_587 = vector.shape_cast %concatenate3A_581 : vector<256x128xf32> to vector<1x256x128xf32>
      tpu.vector_store %arg79[%swap3A_582, %swap3A_583, %swap3A_584], %swap3A_587 {strides = array<i32>} : memref<6x256x128xf32, #tpu.memory_space<vmem>>, vector<1x256x128xf32>,
      %concatenate3A_588 = tpu.concatenate %get3A_546, %get3A_546 in 1 : vector<1x64xf32>, vector<1x64xf32> -> vector<1x128xf32>
      %swap3A_589 = arith.constant 1 : index
      %swap3A_590 = arith.constant 0 : index
      %swap3A_591 = arith.constant 0 : index
      %swap3A_592 = vector.load %arg80[%swap3A_589, %swap3A_590, %swap3A_591] : memref<6x1x128xf32, #tpu.memory_space<vmem>>, vector<1x1x128xf32>
      %swap3A_593 = vector.shape_cast %swap3A_592 : vector<1x1x128xf32> to vector<1x128xf32>
      %swap3A_594 = vector.shape_cast %concatenate3A_588 : vector<1x128xf32> to vector<1x1x128xf32>
      tpu.vector_store %arg80[%swap3A_589, %swap3A_590, %swap3A_591], %swap3A_594 {strides = array<i32>} : memref<6x1x128xf32, #tpu.memory_space<vmem>>, vector<1x1x128xf32>,
      %get3A_595 = arith.constant 0 : index
      %get3A_596 = arith.constant 0 : index
      %get3A_597 = vector.load %arg21[%get3A_595, %get3A_596] : memref<64x64xf32, #tpu.memory_space<vmem>>, vector<64x64xf32>
      %get3A_598 = arith.constant 0 : index
      %get3A_599 = arith.constant 0 : index
      %get3A_600 = vector.load %arg22[%get3A_598, %get3A_599] : memref<1x64xf32, #tpu.memory_space<vmem>>, vector<1x64xf32>
      %get3A_601 = arith.constant 0 : index
      %get3A_602 = arith.constant 0 : index
      %get3A_603 = vector.load %arg23[%get3A_601, %get3A_602] : memref<64x128xf32, #tpu.memory_space<vmem>>, vector<64x128xf32>
      %get3A_604 = arith.constant 0 : index
      %get3A_605 = arith.constant 0 : index
      %get3A_606 = vector.load %arg24[%get3A_604, %get3A_605] : memref<1x128xf32, #tpu.memory_space<vmem>>, vector<1x128xf32>
      %get3A_607 = arith.constant 0 : index
      %get3A_608 = arith.constant 0 : index
      %get3A_609 = vector.load %arg25[%get3A_607, %get3A_608] : memref<128x64xf32, #tpu.memory_space<vmem>>, vector<128x64xf32>
      %get3A_610 = arith.constant 0 : index
      %get3A_611 = arith.constant 0 : index
      %get3A_612 = vector.load %arg26[%get3A_610, %get3A_611] : memref<1x64xf32, #tpu.memory_space<vmem>>, vector<1x64xf32>
      %concatenate3A_613 = tpu.concatenate %get3A_597, %broadcast_in_dim3A_458 in 1 : vector<64x64xf32>, vector<64x64xf32> -> vector<64x128xf32>
      %concatenate3A_614 = tpu.concatenate %broadcast_in_dim3A_458, %get3A_597 in 1 : vector<64x64xf32>, vector<64x64xf32> -> vector<64x128xf32>
      %concatenate3A_615 = tpu.concatenate %concatenate3A_613, %concatenate3A_614 in 0 : vector<64x128xf32>, vector<64x128xf32> -> vector<128x128xf32>
      %swap3A_616 = arith.constant 2 : index
      %swap3A_617 = arith.constant 0 : index
      %swap3A_618 = arith.constant 0 : index
      %swap3A_619 = vector.load %arg75[%swap3A_616, %swap3A_617, %swap3A_618] : memref<6x128x128xf32, #tpu.memory_space<vmem>>, vector<1x128x128xf32>
      %swap3A_620 = vector.shape_cast %swap3A_619 : vector<1x128x128xf32> to vector<128x128xf32>
      %swap3A_621 = vector.shape_cast %concatenate3A_615 : vector<128x128xf32> to vector<1x128x128xf32>
      tpu.vector_store %arg75[%swap3A_616, %swap3A_617, %swap3A_618], %swap3A_621 {strides = array<i32>} : memref<6x128x128xf32, #tpu.memory_space<vmem>>, vector<1x128x128xf32>,
      %concatenate3A_622 = tpu.concatenate %get3A_600, %get3A_600 in 1 : vector<1x64xf32>, vector<1x64xf32> -> vector<1x128xf32>
      %swap3A_623 = arith.constant 2 : index
      %swap3A_624 = arith.constant 0 : index
      %swap3A_625 = arith.constant 0 : index
      %swap3A_626 = vector.load %arg76[%swap3A_623, %swap3A_624, %swap3A_625] : memref<6x1x128xf32, #tpu.memory_space<vmem>>, vector<1x1x128xf32>
      %swap3A_627 = vector.shape_cast %swap3A_626 : vector<1x1x128xf32> to vector<1x128xf32>
      %swap3A_628 = vector.shape_cast %concatenate3A_622 : vector<1x128xf32> to vector<1x1x128xf32>
      tpu.vector_store %arg76[%swap3A_623, %swap3A_624, %swap3A_625], %swap3A_628 {strides = array<i32>} : memref<6x1x128xf32, #tpu.memory_space<vmem>>, vector<1x1x128xf32>,
      %concatenate3A_629 = tpu.concatenate %get3A_603, %broadcast_in_dim3A_460 in 1 : vector<64x128xf32>, vector<64x128xf32> -> vector<64x256xf32>
      %concatenate3A_630 = tpu.concatenate %broadcast_in_dim3A_460, %get3A_603 in 1 : vector<64x128xf32>, vector<64x128xf32> -> vector<64x256xf32>
      %concatenate3A_631 = tpu.concatenate %concatenate3A_629, %concatenate3A_630 in 0 : vector<64x256xf32>, vector<64x256xf32> -> vector<128x256xf32>
      %swap3A_632 = arith.constant 2 : index
      %swap3A_633 = arith.constant 0 : index
      %swap3A_634 = arith.constant 0 : index
      %swap3A_635 = vector.load %arg77[%swap3A_632, %swap3A_633, %swap3A_634] : memref<6x128x256xf32, #tpu.memory_space<vmem>>, vector<1x128x256xf32>
      %swap3A_636 = vector.shape_cast %swap3A_635 : vector<1x128x256xf32> to vector<128x256xf32>
      %swap3A_637 = vector.shape_cast %concatenate3A_631 : vector<128x256xf32> to vector<1x128x256xf32>
      tpu.vector_store %arg77[%swap3A_632, %swap3A_633, %swap3A_634], %swap3A_637 {strides = array<i32>} : memref<6x128x256xf32, #tpu.memory_space<vmem>>, vector<1x128x256xf32>,
      %concatenate3A_638 = tpu.concatenate %get3A_606, %get3A_606 in 1 : vector<1x128xf32>, vector<1x128xf32> -> vector<1x256xf32>
      %swap3A_639 = arith.constant 2 : index
      %swap3A_640 = arith.constant 0 : index
      %swap3A_641 = arith.constant 0 : index
      %swap3A_642 = vector.load %arg78[%swap3A_639, %swap3A_640, %swap3A_641] : memref<6x1x256xf32, #tpu.memory_space<vmem>>, vector<1x1x256xf32>
      %swap3A_643 = vector.shape_cast %swap3A_642 : vector<1x1x256xf32> to vector<1x256xf32>
      %swap3A_644 = vector.shape_cast %concatenate3A_638 : vector<1x256xf32> to vector<1x1x256xf32>
      tpu.vector_store %arg78[%swap3A_639, %swap3A_640, %swap3A_641], %swap3A_644 {strides = array<i32>} : memref<6x1x256xf32, #tpu.memory_space<vmem>>, vector<1x1x256xf32>,
      %concatenate3A_645 = tpu.concatenate %get3A_609, %broadcast_in_dim3A_462 in 1 : vector<128x64xf32>, vector<128x64xf32> -> vector<128x128xf32>
      %concatenate3A_646 = tpu.concatenate %broadcast_in_dim3A_462, %get3A_609 in 1 : vector<128x64xf32>, vector<128x64xf32> -> vector<128x128xf32>
      %concatenate3A_647 = tpu.concatenate %concatenate3A_645, %concatenate3A_646 in 0 : vector<128x128xf32>, vector<128x128xf32> -> vector<256x128xf32>
      %swap3A_648 = arith.constant 2 : index
      %swap3A_649 = arith.constant 0 : index
      %swap3A_650 = arith.constant 0 : index
      %swap3A_651 = vector.load %arg79[%swap3A_648, %swap3A_649, %swap3A_650] : memref<6x256x128xf32, #tpu.memory_space<vmem>>, vector<1x256x128xf32>
      %swap3A_652 = vector.shape_cast %swap3A_651 : vector<1x256x128xf32> to vector<256x128xf32>
      %swap3A_653 = vector.shape_cast %concatenate3A_647 : vector<256x128xf32> to vector<1x256x128xf32>
      tpu.vector_store %arg79[%swap3A_648, %swap3A_649, %swap3A_650], %swap3A_653 {strides = array<i32>} : memref<6x256x128xf32, #tpu.memory_space<vmem>>, vector<1x256x128xf32>,
      %concatenate3A_654 = tpu.concatenate %get3A_612, %get3A_612 in 1 : vector<1x64xf32>, vector<1x64xf32> -> vector<1x128xf32>
      %swap3A_655 = arith.constant 2 : index
      %swap3A_656 = arith.constant 0 : index
      %swap3A_657 = arith.constant 0 : index
      %swap3A_658 = vector.load %arg80[%swap3A_655, %swap3A_656, %swap3A_657] : memref<6x1x128xf32, #tpu.memory_space<vmem>>, vector<1x1x128xf32>
      %swap3A_659 = vector.shape_cast %swap3A_658 : vector<1x1x128xf32> to vector<1x128xf32>
      %swap3A_660 = vector.shape_cast %concatenate3A_654 : vector<1x128xf32> to vector<1x1x128xf32>
      tpu.vector_store %arg80[%swap3A_655, %swap3A_656, %swap3A_657], %swap3A_660 {strides = array<i32>} : memref<6x1x128xf32, #tpu.memory_space<vmem>>, vector<1x1x128xf32>,
      %get3A_661 = arith.constant 0 : index
      %get3A_662 = arith.constant 0 : index
      %get3A_663 = vector.load %arg27[%get3A_661, %get3A_662] : memref<64x64xf32, #tpu.memory_space<vmem>>, vector<64x64xf32>
      %get3A_664 = arith.constant 0 : index
      %get3A_665 = arith.constant 0 : index
      %get3A_666 = vector.load %arg28[%get3A_664, %get3A_665] : memref<1x64xf32, #tpu.memory_space<vmem>>, vector<1x64xf32>
      %get3A_667 = arith.constant 0 : index
      %get3A_668 = arith.constant 0 : index
      %get3A_669 = vector.load %arg29[%get3A_667, %get3A_668] : memref<64x128xf32, #tpu.memory_space<vmem>>, vector<64x128xf32>
      %get3A_670 = arith.constant 0 : index
      %get3A_671 = arith.constant 0 : index
      %get3A_672 = vector.load %arg30[%get3A_670, %get3A_671] : memref<1x128xf32, #tpu.memory_space<vmem>>, vector<1x128xf32>
      %get3A_673 = arith.constant 0 : index
      %get3A_674 = arith.constant 0 : index
      %get3A_675 = vector.load %arg31[%get3A_673, %get3A_674] : memref<128x64xf32, #tpu.memory_space<vmem>>, vector<128x64xf32>
      %get3A_676 = arith.constant 0 : index
      %get3A_677 = arith.constant 0 : index
      %get3A_678 = vector.load %arg32[%get3A_676, %get3A_677] : memref<1x64xf32, #tpu.memory_space<vmem>>, vector<1x64xf32>
      %concatenate3A_679 = tpu.concatenate %get3A_663, %broadcast_in_dim3A_458 in 1 : vector<64x64xf32>, vector<64x64xf32> -> vector<64x128xf32>
      %concatenate3A_680 = tpu.concatenate %broadcast_in_dim3A_458, %get3A_663 in 1 : vector<64x64xf32>, vector<64x64xf32> -> vector<64x128xf32>
      %concatenate3A_681 = tpu.concatenate %concatenate3A_679, %concatenate3A_680 in 0 : vector<64x128xf32>, vector<64x128xf32> -> vector<128x128xf32>
      %swap3A_682 = arith.constant 3 : index
      %swap3A_683 = arith.constant 0 : index
      %swap3A_684 = arith.constant 0 : index
      %swap3A_685 = vector.load %arg75[%swap3A_682, %swap3A_683, %swap3A_684] : memref<6x128x128xf32, #tpu.memory_space<vmem>>, vector<1x128x128xf32>
      %swap3A_686 = vector.shape_cast %swap3A_685 : vector<1x128x128xf32> to vector<128x128xf32>
      %swap3A_687 = vector.shape_cast %concatenate3A_681 : vector<128x128xf32> to vector<1x128x128xf32>
      tpu.vector_store %arg75[%swap3A_682, %swap3A_683, %swap3A_684], %swap3A_687 {strides = array<i32>} : memref<6x128x128xf32, #tpu.memory_space<vmem>>, vector<1x128x128xf32>,
      %concatenate3A_688 = tpu.concatenate %get3A_666, %get3A_666 in 1 : vector<1x64xf32>, vector<1x64xf32> -> vector<1x128xf32>
      %swap3A_689 = arith.constant 3 : index
      %swap3A_690 = arith.constant 0 : index
      %swap3A_691 = arith.constant 0 : index
      %swap3A_692 = vector.load %arg76[%swap3A_689, %swap3A_690, %swap3A_691] : memref<6x1x128xf32, #tpu.memory_space<vmem>>, vector<1x1x128xf32>
      %swap3A_693 = vector.shape_cast %swap3A_692 : vector<1x1x128xf32> to vector<1x128xf32>
      %swap3A_694 = vector.shape_cast %concatenate3A_688 : vector<1x128xf32> to vector<1x1x128xf32>
      tpu.vector_store %arg76[%swap3A_689, %swap3A_690, %swap3A_691], %swap3A_694 {strides = array<i32>} : memref<6x1x128xf32, #tpu.memory_space<vmem>>, vector<1x1x128xf32>,
      %concatenate3A_695 = tpu.concatenate %get3A_669, %broadcast_in_dim3A_460 in 1 : vector<64x128xf32>, vector<64x128xf32> -> vector<64x256xf32>
      %concatenate3A_696 = tpu.concatenate %broadcast_in_dim3A_460, %get3A_669 in 1 : vector<64x128xf32>, vector<64x128xf32> -> vector<64x256xf32>
      %concatenate3A_697 = tpu.concatenate %concatenate3A_695, %concatenate3A_696 in 0 : vector<64x256xf32>, vector<64x256xf32> -> vector<128x256xf32>
      %swap3A_698 = arith.constant 3 : index
      %swap3A_699 = arith.constant 0 : index
      %swap3A_700 = arith.constant 0 : index
      %swap3A_701 = vector.load %arg77[%swap3A_698, %swap3A_699, %swap3A_700] : memref<6x128x256xf32, #tpu.memory_space<vmem>>, vector<1x128x256xf32>
      %swap3A_702 = vector.shape_cast %swap3A_701 : vector<1x128x256xf32> to vector<128x256xf32>
      %swap3A_703 = vector.shape_cast %concatenate3A_697 : vector<128x256xf32> to vector<1x128x256xf32>
      tpu.vector_store %arg77[%swap3A_698, %swap3A_699, %swap3A_700], %swap3A_703 {strides = array<i32>} : memref<6x128x256xf32, #tpu.memory_space<vmem>>, vector<1x128x256xf32>,
      %concatenate3A_704 = tpu.concatenate %get3A_672, %get3A_672 in 1 : vector<1x128xf32>, vector<1x128xf32> -> vector<1x256xf32>
      %swap3A_705 = arith.constant 3 : index
      %swap3A_706 = arith.constant 0 : index
      %swap3A_707 = arith.constant 0 : index
      %swap3A_708 = vector.load %arg78[%swap3A_705, %swap3A_706, %swap3A_707] : memref<6x1x256xf32, #tpu.memory_space<vmem>>, vector<1x1x256xf32>
      %swap3A_709 = vector.shape_cast %swap3A_708 : vector<1x1x256xf32> to vector<1x256xf32>
      %swap3A_710 = vector.shape_cast %concatenate3A_704 : vector<1x256xf32> to vector<1x1x256xf32>
      tpu.vector_store %arg78[%swap3A_705, %swap3A_706, %swap3A_707], %swap3A_710 {strides = array<i32>} : memref<6x1x256xf32, #tpu.memory_space<vmem>>, vector<1x1x256xf32>,
      %concatenate3A_711 = tpu.concatenate %get3A_675, %broadcast_in_dim3A_462 in 1 : vector<128x64xf32>, vector<128x64xf32> -> vector<128x128xf32>
      %concatenate3A_712 = tpu.concatenate %broadcast_in_dim3A_462, %get3A_675 in 1 : vector<128x64xf32>, vector<128x64xf32> -> vector<128x128xf32>
      %concatenate3A_713 = tpu.concatenate %concatenate3A_711, %concatenate3A_712 in 0 : vector<128x128xf32>, vector<128x128xf32> -> vector<256x128xf32>
      %swap3A_714 = arith.constant 3 : index
      %swap3A_715 = arith.constant 0 : index
      %swap3A_716 = arith.constant 0 : index
      %swap3A_717 = vector.load %arg79[%swap3A_714, %swap3A_715, %swap3A_716] : memref<6x256x128xf32, #tpu.memory_space<vmem>>, vector<1x256x128xf32>
      %swap3A_718 = vector.shape_cast %swap3A_717 : vector<1x256x128xf32> to vector<256x128xf32>
      %swap3A_719 = vector.shape_cast %concatenate3A_713 : vector<256x128xf32> to vector<1x256x128xf32>
      tpu.vector_store %arg79[%swap3A_714, %swap3A_715, %swap3A_716], %swap3A_719 {strides = array<i32>} : memref<6x256x128xf32, #tpu.memory_space<vmem>>, vector<1x256x128xf32>,
      %concatenate3A_720 = tpu.concatenate %get3A_678, %get3A_678 in 1 : vector<1x64xf32>, vector<1x64xf32> -> vector<1x128xf32>
      %swap3A_721 = arith.constant 3 : index
      %swap3A_722 = arith.constant 0 : index
      %swap3A_723 = arith.constant 0 : index
      %swap3A_724 = vector.load %arg80[%swap3A_721, %swap3A_722, %swap3A_723] : memref<6x1x128xf32, #tpu.memory_space<vmem>>, vector<1x1x128xf32>
      %swap3A_725 = vector.shape_cast %swap3A_724 : vector<1x1x128xf32> to vector<1x128xf32>
      %swap3A_726 = vector.shape_cast %concatenate3A_720 : vector<1x128xf32> to vector<1x1x128xf32>
      tpu.vector_store %arg80[%swap3A_721, %swap3A_722, %swap3A_723], %swap3A_726 {strides = array<i32>} : memref<6x1x128xf32, #tpu.memory_space<vmem>>, vector<1x1x128xf32>,
      %get3A_727 = arith.constant 0 : index
      %get3A_728 = arith.constant 0 : index
      %get3A_729 = vector.load %arg33[%get3A_727, %get3A_728] : memref<64x64xf32, #tpu.memory_space<vmem>>, vector<64x64xf32>
      %get3A_730 = arith.constant 0 : index
      %get3A_731 = arith.constant 0 : index
      %get3A_732 = vector.load %arg34[%get3A_730, %get3A_731] : memref<1x64xf32, #tpu.memory_space<vmem>>, vector<1x64xf32>
      %get3A_733 = arith.constant 0 : index
      %get3A_734 = arith.constant 0 : index
      %get3A_735 = vector.load %arg35[%get3A_733, %get3A_734] : memref<64x128xf32, #tpu.memory_space<vmem>>, vector<64x128xf32>
      %get3A_736 = arith.constant 0 : index
      %get3A_737 = arith.constant 0 : index
      %get3A_738 = vector.load %arg36[%get3A_736, %get3A_737] : memref<1x128xf32, #tpu.memory_space<vmem>>, vector<1x128xf32>
      %get3A_739 = arith.constant 0 : index
      %get3A_740 = arith.constant 0 : index
      %get3A_741 = vector.load %arg37[%get3A_739, %get3A_740] : memref<128x64xf32, #tpu.memory_space<vmem>>, vector<128x64xf32>
      %get3A_742 = arith.constant 0 : index
      %get3A_743 = arith.constant 0 : index
      %get3A_744 = vector.load %arg38[%get3A_742, %get3A_743] : memref<1x64xf32, #tpu.memory_space<vmem>>, vector<1x64xf32>
      %concatenate3A_745 = tpu.concatenate %get3A_729, %broadcast_in_dim3A_458 in 1 : vector<64x64xf32>, vector<64x64xf32> -> vector<64x128xf32>
      %concatenate3A_746 = tpu.concatenate %broadcast_in_dim3A_458, %get3A_729 in 1 : vector<64x64xf32>, vector<64x64xf32> -> vector<64x128xf32>
      %concatenate3A_747 = tpu.concatenate %concatenate3A_745, %concatenate3A_746 in 0 : vector<64x128xf32>, vector<64x128xf32> -> vector<128x128xf32>
      %swap3A_748 = arith.constant 4 : index
      %swap3A_749 = arith.constant 0 : index
      %swap3A_750 = arith.constant 0 : index
      %swap3A_751 = vector.load %arg75[%swap3A_748, %swap3A_749, %swap3A_750] : memref<6x128x128xf32, #tpu.memory_space<vmem>>, vector<1x128x128xf32>
      %swap3A_752 = vector.shape_cast %swap3A_751 : vector<1x128x128xf32> to vector<128x128xf32>
      %swap3A_753 = vector.shape_cast %concatenate3A_747 : vector<128x128xf32> to vector<1x128x128xf32>
      tpu.vector_store %arg75[%swap3A_748, %swap3A_749, %swap3A_750], %swap3A_753 {strides = array<i32>} : memref<6x128x128xf32, #tpu.memory_space<vmem>>, vector<1x128x128xf32>,
      %concatenate3A_754 = tpu.concatenate %get3A_732, %get3A_732 in 1 : vector<1x64xf32>, vector<1x64xf32> -> vector<1x128xf32>
      %swap3A_755 = arith.constant 4 : index
      %swap3A_756 = arith.constant 0 : index
      %swap3A_757 = arith.constant 0 : index
      %swap3A_758 = vector.load %arg76[%swap3A_755, %swap3A_756, %swap3A_757] : memref<6x1x128xf32, #tpu.memory_space<vmem>>, vector<1x1x128xf32>
      %swap3A_759 = vector.shape_cast %swap3A_758 : vector<1x1x128xf32> to vector<1x128xf32>
      %swap3A_760 = vector.shape_cast %concatenate3A_754 : vector<1x128xf32> to vector<1x1x128xf32>
      tpu.vector_store %arg76[%swap3A_755, %swap3A_756, %swap3A_757], %swap3A_760 {strides = array<i32>} : memref<6x1x128xf32, #tpu.memory_space<vmem>>, vector<1x1x128xf32>,
      %concatenate3A_761 = tpu.concatenate %get3A_735, %broadcast_in_dim3A_460 in 1 : vector<64x128xf32>, vector<64x128xf32> -> vector<64x256xf32>
      %concatenate3A_762 = tpu.concatenate %broadcast_in_dim3A_460, %get3A_735 in 1 : vector<64x128xf32>, vector<64x128xf32> -> vector<64x256xf32>
      %concatenate3A_763 = tpu.concatenate %concatenate3A_761, %concatenate3A_762 in 0 : vector<64x256xf32>, vector<64x256xf32> -> vector<128x256xf32>
      %swap3A_764 = arith.constant 4 : index
      %swap3A_765 = arith.constant 0 : index
      %swap3A_766 = arith.constant 0 : index
      %swap3A_767 = vector.load %arg77[%swap3A_764, %swap3A_765, %swap3A_766] : memref<6x128x256xf32, #tpu.memory_space<vmem>>, vector<1x128x256xf32>
      %swap3A_768 = vector.shape_cast %swap3A_767 : vector<1x128x256xf32> to vector<128x256xf32>
      %swap3A_769 = vector.shape_cast %concatenate3A_763 : vector<128x256xf32> to vector<1x128x256xf32>
      tpu.vector_store %arg77[%swap3A_764, %swap3A_765, %swap3A_766], %swap3A_769 {strides = array<i32>} : memref<6x128x256xf32, #tpu.memory_space<vmem>>, vector<1x128x256xf32>,
      %concatenate3A_770 = tpu.concatenate %get3A_738, %get3A_738 in 1 : vector<1x128xf32>, vector<1x128xf32> -> vector<1x256xf32>
      %swap3A_771 = arith.constant 4 : index
      %swap3A_772 = arith.constant 0 : index
      %swap3A_773 = arith.constant 0 : index
      %swap3A_774 = vector.load %arg78[%swap3A_771, %swap3A_772, %swap3A_773] : memref<6x1x256xf32, #tpu.memory_space<vmem>>, vector<1x1x256xf32>
      %swap3A_775 = vector.shape_cast %swap3A_774 : vector<1x1x256xf32> to vector<1x256xf32>
      %swap3A_776 = vector.shape_cast %concatenate3A_770 : vector<1x256xf32> to vector<1x1x256xf32>
      tpu.vector_store %arg78[%swap3A_771, %swap3A_772, %swap3A_773], %swap3A_776 {strides = array<i32>} : memref<6x1x256xf32, #tpu.memory_space<vmem>>, vector<1x1x256xf32>,
      %concatenate3A_777 = tpu.concatenate %get3A_741, %broadcast_in_dim3A_462 in 1 : vector<128x64xf32>, vector<128x64xf32> -> vector<128x128xf32>
      %concatenate3A_778 = tpu.concatenate %broadcast_in_dim3A_462, %get3A_741 in 1 : vector<128x64xf32>, vector<128x64xf32> -> vector<128x128xf32>
      %concatenate3A_779 = tpu.concatenate %concatenate3A_777, %concatenate3A_778 in 0 : vector<128x128xf32>, vector<128x128xf32> -> vector<256x128xf32>
      %swap3A_780 = arith.constant 4 : index
      %swap3A_781 = arith.constant 0 : index
      %swap3A_782 = arith.constant 0 : index
      %swap3A_783 = vector.load %arg79[%swap3A_780, %swap3A_781, %swap3A_782] : memref<6x256x128xf32, #tpu.memory_space<vmem>>, vector<1x256x128xf32>
      %swap3A_784 = vector.shape_cast %swap3A_783 : vector<1x256x128xf32> to vector<256x128xf32>
      %swap3A_785 = vector.shape_cast %concatenate3A_779 : vector<256x128xf32> to vector<1x256x128xf32>
      tpu.vector_store %arg79[%swap3A_780, %swap3A_781, %swap3A_782], %swap3A_785 {strides = array<i32>} : memref<6x256x128xf32, #tpu.memory_space<vmem>>, vector<1x256x128xf32>,
      %concatenate3A_786 = tpu.concatenate %get3A_744, %get3A_744 in 1 : vector<1x64xf32>, vector<1x64xf32> -> vector<1x128xf32>
      %swap3A_787 = arith.constant 4 : index
      %swap3A_788 = arith.constant 0 : index
      %swap3A_789 = arith.constant 0 : index
      %swap3A_790 = vector.load %arg80[%swap3A_787, %swap3A_788, %swap3A_789] : memref<6x1x128xf32, #tpu.memory_space<vmem>>, vector<1x1x128xf32>
      %swap3A_791 = vector.shape_cast %swap3A_790 : vector<1x1x128xf32> to vector<1x128xf32>
      %swap3A_792 = vector.shape_cast %concatenate3A_786 : vector<1x128xf32> to vector<1x1x128xf32>
      tpu.vector_store %arg80[%swap3A_787, %swap3A_788, %swap3A_789], %swap3A_792 {strides = array<i32>} : memref<6x1x128xf32, #tpu.memory_space<vmem>>, vector<1x1x128xf32>,
      %get3A_793 = arith.constant 0 : index
      %get3A_794 = arith.constant 0 : index
      %get3A_795 = vector.load %arg39[%get3A_793, %get3A_794] : memref<64x64xf32, #tpu.memory_space<vmem>>, vector<64x64xf32>
      %get3A_796 = arith.constant 0 : index
      %get3A_797 = arith.constant 0 : index
      %get3A_798 = vector.load %arg40[%get3A_796, %get3A_797] : memref<1x64xf32, #tpu.memory_space<vmem>>, vector<1x64xf32>
      %get3A_799 = arith.constant 0 : index
      %get3A_800 = arith.constant 0 : index
      %get3A_801 = vector.load %arg41[%get3A_799, %get3A_800] : memref<64x128xf32, #tpu.memory_space<vmem>>, vector<64x128xf32>
      %get3A_802 = arith.constant 0 : index
      %get3A_803 = arith.constant 0 : index
      %get3A_804 = vector.load %arg42[%get3A_802, %get3A_803] : memref<1x128xf32, #tpu.memory_space<vmem>>, vector<1x128xf32>
      %get3A_805 = arith.constant 0 : index
      %get3A_806 = arith.constant 0 : index
      %get3A_807 = vector.load %arg43[%get3A_805, %get3A_806] : memref<128x64xf32, #tpu.memory_space<vmem>>, vector<128x64xf32>
      %get3A_808 = arith.constant 0 : index
      %get3A_809 = arith.constant 0 : index
      %get3A_810 = vector.load %arg44[%get3A_808, %get3A_809] : memref<1x64xf32, #tpu.memory_space<vmem>>, vector<1x64xf32>
      %concatenate3A_811 = tpu.concatenate %get3A_795, %broadcast_in_dim3A_458 in 1 : vector<64x64xf32>, vector<64x64xf32> -> vector<64x128xf32>
      %concatenate3A_812 = tpu.concatenate %broadcast_in_dim3A_458, %get3A_795 in 1 : vector<64x64xf32>, vector<64x64xf32> -> vector<64x128xf32>
      %concatenate3A_813 = tpu.concatenate %concatenate3A_811, %concatenate3A_812 in 0 : vector<64x128xf32>, vector<64x128xf32> -> vector<128x128xf32>
      %swap3A_814 = arith.constant 5 : index
      %swap3A_815 = arith.constant 0 : index
      %swap3A_816 = arith.constant 0 : index
      %swap3A_817 = vector.load %arg75[%swap3A_814, %swap3A_815, %swap3A_816] : memref<6x128x128xf32, #tpu.memory_space<vmem>>, vector<1x128x128xf32>
      %swap3A_818 = vector.shape_cast %swap3A_817 : vector<1x128x128xf32> to vector<128x128xf32>
      %swap3A_819 = vector.shape_cast %concatenate3A_813 : vector<128x128xf32> to vector<1x128x128xf32>
      tpu.vector_store %arg75[%swap3A_814, %swap3A_815, %swap3A_816], %swap3A_819 {strides = array<i32>} : memref<6x128x128xf32, #tpu.memory_space<vmem>>, vector<1x128x128xf32>,
      %concatenate3A_820 = tpu.concatenate %get3A_798, %get3A_798 in 1 : vector<1x64xf32>, vector<1x64xf32> -> vector<1x128xf32>
      %swap3A_821 = arith.constant 5 : index
      %swap3A_822 = arith.constant 0 : index
      %swap3A_823 = arith.constant 0 : index
      %swap3A_824 = vector.load %arg76[%swap3A_821, %swap3A_822, %swap3A_823] : memref<6x1x128xf32, #tpu.memory_space<vmem>>, vector<1x1x128xf32>
      %swap3A_825 = vector.shape_cast %swap3A_824 : vector<1x1x128xf32> to vector<1x128xf32>
      %swap3A_826 = vector.shape_cast %concatenate3A_820 : vector<1x128xf32> to vector<1x1x128xf32>
      tpu.vector_store %arg76[%swap3A_821, %swap3A_822, %swap3A_823], %swap3A_826 {strides = array<i32>} : memref<6x1x128xf32, #tpu.memory_space<vmem>>, vector<1x1x128xf32>,
      %concatenate3A_827 = tpu.concatenate %get3A_801, %broadcast_in_dim3A_460 in 1 : vector<64x128xf32>, vector<64x128xf32> -> vector<64x256xf32>
      %concatenate3A_828 = tpu.concatenate %broadcast_in_dim3A_460, %get3A_801 in 1 : vector<64x128xf32>, vector<64x128xf32> -> vector<64x256xf32>
      %concatenate3A_829 = tpu.concatenate %concatenate3A_827, %concatenate3A_828 in 0 : vector<64x256xf32>, vector<64x256xf32> -> vector<128x256xf32>
      %swap3A_830 = arith.constant 5 : index
      %swap3A_831 = arith.constant 0 : index
      %swap3A_832 = arith.constant 0 : index
      %swap3A_833 = vector.load %arg77[%swap3A_830, %swap3A_831, %swap3A_832] : memref<6x128x256xf32, #tpu.memory_space<vmem>>, vector<1x128x256xf32>
      %swap3A_834 = vector.shape_cast %swap3A_833 : vector<1x128x256xf32> to vector<128x256xf32>
      %swap3A_835 = vector.shape_cast %concatenate3A_829 : vector<128x256xf32> to vector<1x128x256xf32>
      tpu.vector_store %arg77[%swap3A_830, %swap3A_831, %swap3A_832], %swap3A_835 {strides = array<i32>} : memref<6x128x256xf32, #tpu.memory_space<vmem>>, vector<1x128x256xf32>,
      %concatenate3A_836 = tpu.concatenate %get3A_804, %get3A_804 in 1 : vector<1x128xf32>, vector<1x128xf32> -> vector<1x256xf32>
      %swap3A_837 = arith.constant 5 : index
      %swap3A_838 = arith.constant 0 : index
      %swap3A_839 = arith.constant 0 : index
      %swap3A_840 = vector.load %arg78[%swap3A_837, %swap3A_838, %swap3A_839] : memref<6x1x256xf32, #tpu.memory_space<vmem>>, vector<1x1x256xf32>
      %swap3A_841 = vector.shape_cast %swap3A_840 : vector<1x1x256xf32> to vector<1x256xf32>
      %swap3A_842 = vector.shape_cast %concatenate3A_836 : vector<1x256xf32> to vector<1x1x256xf32>
      tpu.vector_store %arg78[%swap3A_837, %swap3A_838, %swap3A_839], %swap3A_842 {strides = array<i32>} : memref<6x1x256xf32, #tpu.memory_space<vmem>>, vector<1x1x256xf32>,
      %concatenate3A_843 = tpu.concatenate %get3A_807, %broadcast_in_dim3A_462 in 1 : vector<128x64xf32>, vector<128x64xf32> -> vector<128x128xf32>
      %concatenate3A_844 = tpu.concatenate %broadcast_in_dim3A_462, %get3A_807 in 1 : vector<128x64xf32>, vector<128x64xf32> -> vector<128x128xf32>
      %concatenate3A_845 = tpu.concatenate %concatenate3A_843, %concatenate3A_844 in 0 : vector<128x128xf32>, vector<128x128xf32> -> vector<256x128xf32>
      %swap3A_846 = arith.constant 5 : index
      %swap3A_847 = arith.constant 0 : index
      %swap3A_848 = arith.constant 0 : index
      %swap3A_849 = vector.load %arg79[%swap3A_846, %swap3A_847, %swap3A_848] : memref<6x256x128xf32, #tpu.memory_space<vmem>>, vector<1x256x128xf32>
      %swap3A_850 = vector.shape_cast %swap3A_849 : vector<1x256x128xf32> to vector<256x128xf32>
      %swap3A_851 = vector.shape_cast %concatenate3A_845 : vector<256x128xf32> to vector<1x256x128xf32>
      tpu.vector_store %arg79[%swap3A_846, %swap3A_847, %swap3A_848], %swap3A_851 {strides = array<i32>} : memref<6x256x128xf32, #tpu.memory_space<vmem>>, vector<1x256x128xf32>,
      %concatenate3A_852 = tpu.concatenate %get3A_810, %get3A_810 in 1 : vector<1x64xf32>, vector<1x64xf32> -> vector<1x128xf32>
      %swap3A_853 = arith.constant 5 : index
      %swap3A_854 = arith.constant 0 : index
      %swap3A_855 = arith.constant 0 : index
      %swap3A_856 = vector.load %arg80[%swap3A_853, %swap3A_854, %swap3A_855] : memref<6x1x128xf32, #tpu.memory_space<vmem>>, vector<1x1x128xf32>
      %swap3A_857 = vector.shape_cast %swap3A_856 : vector<1x1x128xf32> to vector<1x128xf32>
      %swap3A_858 = vector.shape_cast %concatenate3A_852 : vector<1x128xf32> to vector<1x1x128xf32>
      tpu.vector_store %arg80[%swap3A_853, %swap3A_854, %swap3A_855], %swap3A_858 {strides = array<i32>} : memref<6x1x128xf32, #tpu.memory_space<vmem>>, vector<1x1x128xf32>,
      %get3A_859 = arith.constant 0 : index
      %get3A_860 = arith.constant 0 : index
      %get3A_861 = vector.load %arg47[%get3A_859, %get3A_860] : memref<1x256xf32, #tpu.memory_space<vmem>>, vector<1x256xf32>
      %get3A_862 = arith.constant 0 : index
      %get3A_863 = arith.constant 0 : index
      %get3A_864 = vector.load %arg48[%get3A_862, %get3A_863] : memref<256x256xf32, #tpu.memory_space<vmem>>, vector<256x256xf32>
      %dot_general3A_865 = arith.constant dense<0.000000e+00> : vector<1x256xf32>
      %dot_general3A_866 = tpu.matmul %get3A_861, %get3A_864, %dot_general3A_865 {dimension_numbers = #tpu.dot_dimension_numbers<[1], [0], [0], [1], [0, 0, 1, 1], [], []>, precision = #tpu.contract_precision<fp32>, transpose_lhs_hint = false} : vector<1x256xf32>, vector<256x256xf32>, vector<1x256xf32> -> vector<1x256xf32>
      %get3A_867 = arith.constant 0 : index
      %get3A_868 = arith.constant 0 : index
      %get3A_869 = vector.load %arg49[%get3A_867, %get3A_868] : memref<1x256xf32, #tpu.memory_space<vmem>>, vector<1x256xf32>
      %add3A_870 = arith.addf %dot_general3A_866, %get3A_869 : vector<1x256xf32>
      %iota3A = tpu.iota {dimensions = array<i32: 0>} : vector<256x256xi32>
      %iota3A_871 = tpu.iota {dimensions = array<i32: 1>} : vector<256x256xi32>
      %eq3A_872 = arith.cmpi eq, %iota3A, %iota3A_871 : vector<256x256xi32>
      %broadcast_in_dim3A_873 = arith.constant 1.000000e+00 : f32
      %broadcast_in_dim3A_874 = vector.broadcast %broadcast_in_dim3A_873 : f32 to vector<256x1xf32>
      %mul3A_875 = vector.broadcast %broadcast_in_dim3A_874 : vector<256x1xf32> to vector<256x256xf32>
      %mul3A_876 = vector.broadcast %add3A_870 : vector<1x256xf32> to vector<256x256xf32>
      %mul3A_877 = arith.mulf %mul3A_875, %mul3A_876 : vector<256x256xf32>
      %jit3A_878 = arith.constant 0.000000e+00 : f32
      %broadcast_in_dim3A_879 = vector.broadcast %jit3A_878 : f32 to vector<256x256xf32>
      %select_n3A_880 = arith.select %eq3A_872, %mul3A_877, %broadcast_in_dim3A_879 : vector<256x256xi1>, vector<256x256xf32>
      %get3A_881 = arith.constant 0 : index
      %get3A_882 = arith.constant 0 : index
      %get3A_883 = vector.load %arg54[%get3A_881, %get3A_882] : memref<256x4xf32, #tpu.memory_space<vmem>>, vector<256x4xf32>
      %dot_general3A_884 = arith.constant dense<0.000000e+00> : vector<256x4xf32>
      %dot_general3A_885 = tpu.matmul %select_n3A_880, %get3A_883, %dot_general3A_884 {dimension_numbers = #tpu.dot_dimension_numbers<[1], [0], [0], [1], [0, 0, 1, 1], [], []>, precision = #tpu.contract_precision<fp32>, transpose_lhs_hint = false} : vector<256x256xf32>, vector<256x4xf32>, vector<256x4xf32> -> vector<256x4xf32>
      %get3A_886 = arith.constant 0 : index
      %get3A_887 = arith.constant 0 : index
      %get3A_888 = vector.load %arg45[%get3A_886, %get3A_887] : memref<64x256xf32, #tpu.memory_space<vmem>>, vector<64x256xf32>
      %get3A_889 = arith.constant 0 : index
      %get3A_890 = arith.constant 0 : index
      %get3A_891 = vector.load %arg50[%get3A_889, %get3A_890] : memref<256x256xf32, #tpu.memory_space<vmem>>, vector<256x256xf32>
      %dot_general3A_892 = arith.constant dense<0.000000e+00> : vector<64x256xf32>
      %dot_general3A_893 = tpu.matmul %get3A_888, %get3A_891, %dot_general3A_892 {dimension_numbers = #tpu.dot_dimension_numbers<[1], [0], [0], [1], [0, 0, 1, 1], [], []>, precision = #tpu.contract_precision<fp32>, transpose_lhs_hint = false} : vector<64x256xf32>, vector<256x256xf32>, vector<64x256xf32> -> vector<64x256xf32>
      %dot_general3A_894 = arith.constant dense<0.000000e+00> : vector<64x4xf32>
      %dot_general3A_895 = tpu.matmul %dot_general3A_893, %dot_general3A_885, %dot_general3A_894 {dimension_numbers = #tpu.dot_dimension_numbers<[1], [0], [0], [1], [0, 0, 1, 1], [], []>, precision = #tpu.contract_precision<fp32>, transpose_lhs_hint = false} : vector<64x256xf32>, vector<256x4xf32>, vector<64x4xf32> -> vector<64x4xf32>
      %mul3A_896 = arith.constant 1.250000e-01 : f32
      %mul3A_897 = vector.broadcast %mul3A_896 : f32 to vector<64x4xf32>
      %mul3A_898 = arith.mulf %dot_general3A_895, %mul3A_897 : vector<64x4xf32>
      %get3A_899 = arith.constant 0 : index
      %get3A_900 = arith.constant 0 : index
      %get3A_901 = vector.load %arg46[%get3A_899, %get3A_900] : memref<1x256xf32, #tpu.memory_space<vmem>>, vector<1x256xf32>
      %get3A_902 = arith.constant 0 : index
      %get3A_903 = arith.constant 0 : index
      %get3A_904 = vector.load %arg50[%get3A_902, %get3A_903] : memref<256x256xf32, #tpu.memory_space<vmem>>, vector<256x256xf32>
      %dot_general3A_905 = arith.constant dense<0.000000e+00> : vector<1x256xf32>
      %dot_general3A_906 = tpu.matmul %get3A_901, %get3A_904, %dot_general3A_905 {dimension_numbers = #tpu.dot_dimension_numbers<[1], [0], [0], [1], [0, 0, 1, 1], [], []>, precision = #tpu.contract_precision<fp32>, transpose_lhs_hint = false} : vector<1x256xf32>, vector<256x256xf32>, vector<1x256xf32> -> vector<1x256xf32>
      %get3A_907 = arith.constant 0 : index
      %get3A_908 = arith.constant 0 : index
      %get3A_909 = vector.load %arg51[%get3A_907, %get3A_908] : memref<1x256xf32, #tpu.memory_space<vmem>>, vector<1x256xf32>
      %add3A_910 = arith.addf %dot_general3A_906, %get3A_909 : vector<1x256xf32>
      %dot_general3A_911 = arith.constant dense<0.000000e+00> : vector<1x4xf32>
      %dot_general3A_912 = tpu.matmul %add3A_910, %dot_general3A_885, %dot_general3A_911 {dimension_numbers = #tpu.dot_dimension_numbers<[1], [0], [0], [1], [0, 0, 1, 1], [], []>, precision = #tpu.contract_precision<fp32>, transpose_lhs_hint = false} : vector<1x256xf32>, vector<256x4xf32>, vector<1x4xf32> -> vector<1x4xf32>
      %mul3A_913 = arith.constant 1.250000e-01 : f32
      %mul3A_914 = vector.broadcast %mul3A_913 : f32 to vector<1x4xf32>
      %mul3A_915 = arith.mulf %dot_general3A_912, %mul3A_914 : vector<1x4xf32>
      %get3A_916 = arith.constant 0 : index
      %get3A_917 = arith.constant 0 : index
      %get3A_918 = vector.load %arg45[%get3A_916, %get3A_917] : memref<64x256xf32, #tpu.memory_space<vmem>>, vector<64x256xf32>
      %get3A_919 = arith.constant 0 : index
      %get3A_920 = arith.constant 0 : index
      %get3A_921 = vector.load %arg52[%get3A_919, %get3A_920] : memref<256x256xf32, #tpu.memory_space<vmem>>, vector<256x256xf32>
      %dot_general3A_922 = arith.constant dense<0.000000e+00> : vector<64x256xf32>
      %dot_general3A_923 = tpu.matmul %get3A_918, %get3A_921, %dot_general3A_922 {dimension_numbers = #tpu.dot_dimension_numbers<[1], [0], [0], [1], [0, 0, 1, 1], [], []>, precision = #tpu.contract_precision<fp32>, transpose_lhs_hint = false} : vector<64x256xf32>, vector<256x256xf32>, vector<64x256xf32> -> vector<64x256xf32>
      %get3A_924 = arith.constant 0 : index
      %get3A_925 = arith.constant 0 : index
      %get3A_926 = vector.load %arg46[%get3A_924, %get3A_925] : memref<1x256xf32, #tpu.memory_space<vmem>>, vector<1x256xf32>
      %get3A_927 = arith.constant 0 : index
      %get3A_928 = arith.constant 0 : index
      %get3A_929 = vector.load %arg52[%get3A_927, %get3A_928] : memref<256x256xf32, #tpu.memory_space<vmem>>, vector<256x256xf32>
      %dot_general3A_930 = arith.constant dense<0.000000e+00> : vector<1x256xf32>
      %dot_general3A_931 = tpu.matmul %get3A_926, %get3A_929, %dot_general3A_930 {dimension_numbers = #tpu.dot_dimension_numbers<[1], [0], [0], [1], [0, 0, 1, 1], [], []>, precision = #tpu.contract_precision<fp32>, transpose_lhs_hint = false} : vector<1x256xf32>, vector<256x256xf32>, vector<1x256xf32> -> vector<1x256xf32>
      %get3A_932 = arith.constant 0 : index
      %get3A_933 = arith.constant 0 : index
      %get3A_934 = vector.load %arg53[%get3A_932, %get3A_933] : memref<1x256xf32, #tpu.memory_space<vmem>>, vector<1x256xf32>
      %add3A_935 = arith.addf %dot_general3A_931, %get3A_934 : vector<1x256xf32>
      %broadcast_in_dim3A_936 = arith.constant 0.000000e+00 : f32
      %broadcast_in_dim3A_937 = vector.broadcast %broadcast_in_dim3A_936 : f32 to vector<64x4xf32>
      %concatenate3A_938 = tpu.concatenate %mul3A_898, %broadcast_in_dim3A_937 in 1 : vector<64x4xf32>, vector<64x4xf32> -> vector<64x8xf32>
      %concatenate3A_939 = tpu.concatenate %broadcast_in_dim3A_937, %mul3A_898 in 1 : vector<64x4xf32>, vector<64x4xf32> -> vector<64x8xf32>
      %concatenate3A_940 = tpu.concatenate %concatenate3A_938, %concatenate3A_939 in 0 : vector<64x8xf32>, vector<64x8xf32> -> vector<128x8xf32>
      %swap3A_941 = arith.constant 0 : index
      %swap3A_942 = arith.constant 0 : index
      %swap3A_943 = vector.load %arg68[%swap3A_941, %swap3A_942] : memref<128x8xf32, #tpu.memory_space<vmem>>, vector<128x8xf32>
      tpu.vector_store %arg68[%swap3A_941, %swap3A_942], %concatenate3A_940 {strides = array<i32>} : memref<128x8xf32, #tpu.memory_space<vmem>>, vector<128x8xf32>,
      %concatenate3A_944 = tpu.concatenate %mul3A_915, %mul3A_915 in 1 : vector<1x4xf32>, vector<1x4xf32> -> vector<1x8xf32>
      %swap3A_945 = arith.constant 0 : index
      %swap3A_946 = arith.constant 0 : index
      %swap3A_947 = vector.load %arg69[%swap3A_945, %swap3A_946] : memref<1x8xf32, #tpu.memory_space<vmem>>, vector<1x8xf32>
      tpu.vector_store %arg69[%swap3A_945, %swap3A_946], %concatenate3A_944 {strides = array<i32>} : memref<1x8xf32, #tpu.memory_space<vmem>>, vector<1x8xf32>,
      %broadcast_in_dim3A_948 = arith.constant 0.000000e+00 : f32
      %broadcast_in_dim3A_949 = vector.broadcast %broadcast_in_dim3A_948 : f32 to vector<64x256xf32>
      %concatenate3A_950 = tpu.concatenate %dot_general3A_923, %broadcast_in_dim3A_949 in 1 : vector<64x256xf32>, vector<64x256xf32> -> vector<64x512xf32>
      %concatenate3A_951 = tpu.concatenate %broadcast_in_dim3A_949, %dot_general3A_923 in 1 : vector<64x256xf32>, vector<64x256xf32> -> vector<64x512xf32>
      %concatenate3A_952 = tpu.concatenate %concatenate3A_950, %concatenate3A_951 in 0 : vector<64x512xf32>, vector<64x512xf32> -> vector<128x512xf32>
      %swap3A_953 = arith.constant 0 : index
      %swap3A_954 = arith.constant 0 : index
      %swap3A_955 = vector.load %arg70[%swap3A_953, %swap3A_954] : memref<128x512xf32, #tpu.memory_space<vmem>>, vector<128x512xf32>
      tpu.vector_store %arg70[%swap3A_953, %swap3A_954], %concatenate3A_952 {strides = array<i32>} : memref<128x512xf32, #tpu.memory_space<vmem>>, vector<128x512xf32>,
      %concatenate3A_956 = tpu.concatenate %add3A_935, %add3A_935 in 1 : vector<1x256xf32>, vector<1x256xf32> -> vector<1x512xf32>
      %swap3A_957 = arith.constant 0 : index
      %swap3A_958 = arith.constant 0 : index
      %swap3A_959 = vector.load %arg71[%swap3A_957, %swap3A_958] : memref<1x512xf32, #tpu.memory_space<vmem>>, vector<1x512xf32>
      tpu.vector_store %arg71[%swap3A_957, %swap3A_958], %concatenate3A_956 {strides = array<i32>} : memref<1x512xf32, #tpu.memory_space<vmem>>, vector<1x512xf32>,
    } else {
    }
    %get3A = arith.constant 0 : index
    %get3A_2 = arith.constant 0 : index
    %get3A_3 = vector.load %arg1[%get3A, %get3A_2] : memref<1792x128xf32, #tpu.memory_space<vmem>>, vector<1792x128xf32>
    %get3A_4 = arith.constant 0 : index
    %get3A_5 = arith.constant 0 : index
    %get3A_6 = vector.load %arg72[%get3A_4, %get3A_5] : memref<128x128xf32, #tpu.memory_space<vmem>>, vector<128x128xf32>
    %dot_general3A = arith.constant dense<0.000000e+00> : vector<1792x128xf32>
    %dot_general3A_7 = tpu.matmul %get3A_3, %get3A_6, %dot_general3A {dimension_numbers = #tpu.dot_dimension_numbers<[1], [0], [0], [1], [0, 0, 1, 1], [], []>, transpose_lhs_hint = false} : vector<1792x128xf32>, vector<128x128xf32>, vector<1792x128xf32> -> vector<1792x128xf32>
    %get3A_8 = arith.constant 0 : index
    %get3A_9 = arith.constant 0 : index
    %get3A_10 = vector.load %arg2[%get3A_8, %get3A_9] : memref<1792x128xf32, #tpu.memory_space<vmem>>, vector<1792x128xf32>
    %get3A_11 = arith.constant 0 : index
    %get3A_12 = arith.constant 0 : index
    %get3A_13 = vector.load %arg73[%get3A_11, %get3A_12] : memref<128x128xf32, #tpu.memory_space<vmem>>, vector<128x128xf32>
    %dot_general3A_14 = arith.constant dense<0.000000e+00> : vector<1792x128xf32>
    %dot_general3A_15 = tpu.matmul %get3A_10, %get3A_13, %dot_general3A_14 {dimension_numbers = #tpu.dot_dimension_numbers<[1], [0], [0], [1], [0, 0, 1, 1], [], []>, transpose_lhs_hint = false} : vector<1792x128xf32>, vector<128x128xf32>, vector<1792x128xf32> -> vector<1792x128xf32>
    %add3A = arith.addf %dot_general3A_7, %dot_general3A_15 : vector<1792x128xf32>
    %get3A_16 = arith.constant 0 : index
    %get3A_17 = arith.constant 0 : index
    %get3A_18 = vector.load %arg74[%get3A_16, %get3A_17] : memref<1x128xf32, #tpu.memory_space<vmem>>, vector<1x128xf32>
    %add3A_19 = vector.broadcast %get3A_18 : vector<1x128xf32> to vector<1792x128xf32>
    %add3A_20 = arith.addf %add3A, %add3A_19 : vector<1792x128xf32>
    %get3A_21 = arith.constant 0 : index
    %get3A_22 = arith.constant 0 : index
    %get3A_23 = vector.load %arg3[%get3A_21, %get3A_22] : memref<1792x2xf32, #tpu.memory_space<vmem>>, vector<1792x2xf32>
    %get3A_24 = arith.constant 0 : index
    %get3A_25 = arith.constant 0 : index
    %get3A_26 = vector.load %arg4[%get3A_24, %get3A_25] : memref<1792x2xf32, #tpu.memory_space<vmem>>, vector<1792x2xf32>
    %add3A_27 = arith.addf %get3A_23, %get3A_26 : vector<1792x2xf32>
    %get3A_28 = arith.constant 0 : index
    %get3A_29 = arith.constant 0 : index
    %get3A_30 = vector.load %arg5[%get3A_28, %get3A_29] : memref<2x128xf32, #tpu.memory_space<vmem>>, vector<2x128xf32>
    %dot_general3A_31 = arith.constant dense<0.000000e+00> : vector<1792x128xf32>
    %dot_general3A_32 = tpu.matmul %add3A_27, %get3A_30, %dot_general3A_31 {dimension_numbers = #tpu.dot_dimension_numbers<[1], [0], [0], [1], [0, 0, 1, 1], [], []>, transpose_lhs_hint = false} : vector<1792x2xf32>, vector<2x128xf32>, vector<1792x128xf32> -> vector<1792x128xf32>
    %get3A_33 = arith.constant 0 : index
    %get3A_34 = arith.constant 0 : index
    %get3A_35 = arith.constant 0 : index
    %get3A_36 = vector.load %arg75[%get3A_33, %get3A_34, %get3A_35] : memref<6x128x128xf32, #tpu.memory_space<vmem>>, vector<1x128x128xf32>
    %get3A_37 = vector.shape_cast %get3A_36 : vector<1x128x128xf32> to vector<128x128xf32>
    %dot_general3A_38 = arith.constant dense<0.000000e+00> : vector<1792x128xf32>
    %dot_general3A_39 = tpu.matmul %add3A_20, %get3A_37, %dot_general3A_38 {dimension_numbers = #tpu.dot_dimension_numbers<[1], [0], [0], [1], [0, 0, 1, 1], [], []>, transpose_lhs_hint = false} : vector<1792x128xf32>, vector<128x128xf32>, vector<1792x128xf32> -> vector<1792x128xf32>
    %get3A_40 = arith.constant 0 : index
    %get3A_41 = arith.constant 0 : index
    %get3A_42 = arith.constant 0 : index
    %get3A_43 = vector.load %arg76[%get3A_40, %get3A_41, %get3A_42] : memref<6x1x128xf32, #tpu.memory_space<vmem>>, vector<1x1x128xf32>
    %get3A_44 = vector.shape_cast %get3A_43 : vector<1x1x128xf32> to vector<1x128xf32>
    %add3A_45 = vector.broadcast %get3A_44 : vector<1x128xf32> to vector<1792x128xf32>
    %add3A_46 = arith.addf %dot_general3A_39, %add3A_45 : vector<1792x128xf32>
    %max3A = arith.constant 0.000000e+00 : f32
    %max3A_47 = vector.broadcast %max3A : f32 to vector<1792x128xf32>
    %max3A_48 = arith.maximumf %add3A_46, %max3A_47 : vector<1792x128xf32>
    %get3A_49 = arith.constant 0 : index
    %get3A_50 = arith.constant 0 : index
    %get3A_51 = arith.constant 0 : index
    %get3A_52 = vector.load %arg77[%get3A_49, %get3A_50, %get3A_51] : memref<6x128x256xf32, #tpu.memory_space<vmem>>, vector<1x128x256xf32>
    %get3A_53 = vector.shape_cast %get3A_52 : vector<1x128x256xf32> to vector<128x256xf32>
    %dot_general3A_54 = arith.constant dense<0.000000e+00> : vector<1792x256xf32>
    %dot_general3A_55 = tpu.matmul %max3A_48, %get3A_53, %dot_general3A_54 {dimension_numbers = #tpu.dot_dimension_numbers<[1], [0], [0], [1], [0, 0, 1, 1], [], []>, transpose_lhs_hint = false} : vector<1792x128xf32>, vector<128x256xf32>, vector<1792x256xf32> -> vector<1792x256xf32>
    %get3A_56 = arith.constant 0 : index
    %get3A_57 = arith.constant 0 : index
    %get3A_58 = arith.constant 0 : index
    %get3A_59 = vector.load %arg78[%get3A_56, %get3A_57, %get3A_58] : memref<6x1x256xf32, #tpu.memory_space<vmem>>, vector<1x1x256xf32>
    %get3A_60 = vector.shape_cast %get3A_59 : vector<1x1x256xf32> to vector<1x256xf32>
    %add3A_61 = vector.broadcast %get3A_60 : vector<1x256xf32> to vector<1792x256xf32>
    %add3A_62 = arith.addf %dot_general3A_55, %add3A_61 : vector<1792x256xf32>
    %max3A_63 = arith.constant 0.000000e+00 : f32
    %max3A_64 = vector.broadcast %max3A_63 : f32 to vector<1792x256xf32>
    %max3A_65 = arith.maximumf %add3A_62, %max3A_64 : vector<1792x256xf32>
    %get3A_66 = arith.constant 0 : index
    %get3A_67 = arith.constant 0 : index
    %get3A_68 = arith.constant 0 : index
    %get3A_69 = vector.load %arg79[%get3A_66, %get3A_67, %get3A_68] : memref<6x256x128xf32, #tpu.memory_space<vmem>>, vector<1x256x128xf32>
    %get3A_70 = vector.shape_cast %get3A_69 : vector<1x256x128xf32> to vector<256x128xf32>
    %dot_general3A_71 = arith.constant dense<0.000000e+00> : vector<1792x128xf32>
    %dot_general3A_72 = tpu.matmul %max3A_65, %get3A_70, %dot_general3A_71 {dimension_numbers = #tpu.dot_dimension_numbers<[1], [0], [0], [1], [0, 0, 1, 1], [], []>, transpose_lhs_hint = false} : vector<1792x256xf32>, vector<256x128xf32>, vector<1792x128xf32> -> vector<1792x128xf32>
    %get3A_73 = arith.constant 0 : index
    %get3A_74 = arith.constant 0 : index
    %get3A_75 = arith.constant 0 : index
    %get3A_76 = vector.load %arg80[%get3A_73, %get3A_74, %get3A_75] : memref<6x1x128xf32, #tpu.memory_space<vmem>>, vector<1x1x128xf32>
    %get3A_77 = vector.shape_cast %get3A_76 : vector<1x1x128xf32> to vector<1x128xf32>
    %add3A_78 = vector.broadcast %get3A_77 : vector<1x128xf32> to vector<1792x128xf32>
    %add3A_79 = arith.addf %dot_general3A_72, %add3A_78 : vector<1792x128xf32>
    %mul3A = arith.mulf %dot_general3A_32, %add3A_79 : vector<1792x128xf32>
    %add3A_80 = arith.addf %add3A_20, %mul3A : vector<1792x128xf32>
    %get3A_81 = arith.constant 1 : index
    %get3A_82 = arith.constant 0 : index
    %get3A_83 = arith.constant 0 : index
    %get3A_84 = vector.load %arg75[%get3A_81, %get3A_82, %get3A_83] : memref<6x128x128xf32, #tpu.memory_space<vmem>>, vector<1x128x128xf32>
    %get3A_85 = vector.shape_cast %get3A_84 : vector<1x128x128xf32> to vector<128x128xf32>
    %dot_general3A_86 = arith.constant dense<0.000000e+00> : vector<1792x128xf32>
    %dot_general3A_87 = tpu.matmul %add3A_80, %get3A_85, %dot_general3A_86 {dimension_numbers = #tpu.dot_dimension_numbers<[1], [0], [0], [1], [0, 0, 1, 1], [], []>, transpose_lhs_hint = false} : vector<1792x128xf32>, vector<128x128xf32>, vector<1792x128xf32> -> vector<1792x128xf32>
    %get3A_88 = arith.constant 1 : index
    %get3A_89 = arith.constant 0 : index
    %get3A_90 = arith.constant 0 : index
    %get3A_91 = vector.load %arg76[%get3A_88, %get3A_89, %get3A_90] : memref<6x1x128xf32, #tpu.memory_space<vmem>>, vector<1x1x128xf32>
    %get3A_92 = vector.shape_cast %get3A_91 : vector<1x1x128xf32> to vector<1x128xf32>
    %add3A_93 = vector.broadcast %get3A_92 : vector<1x128xf32> to vector<1792x128xf32>
    %add3A_94 = arith.addf %dot_general3A_87, %add3A_93 : vector<1792x128xf32>
    %max3A_95 = arith.constant 0.000000e+00 : f32
    %max3A_96 = vector.broadcast %max3A_95 : f32 to vector<1792x128xf32>
    %max3A_97 = arith.maximumf %add3A_94, %max3A_96 : vector<1792x128xf32>
    %get3A_98 = arith.constant 1 : index
    %get3A_99 = arith.constant 0 : index
    %get3A_100 = arith.constant 0 : index
    %get3A_101 = vector.load %arg77[%get3A_98, %get3A_99, %get3A_100] : memref<6x128x256xf32, #tpu.memory_space<vmem>>, vector<1x128x256xf32>
    %get3A_102 = vector.shape_cast %get3A_101 : vector<1x128x256xf32> to vector<128x256xf32>
    %dot_general3A_103 = arith.constant dense<0.000000e+00> : vector<1792x256xf32>
    %dot_general3A_104 = tpu.matmul %max3A_97, %get3A_102, %dot_general3A_103 {dimension_numbers = #tpu.dot_dimension_numbers<[1], [0], [0], [1], [0, 0, 1, 1], [], []>, transpose_lhs_hint = false} : vector<1792x128xf32>, vector<128x256xf32>, vector<1792x256xf32> -> vector<1792x256xf32>
    %get3A_105 = arith.constant 1 : index
    %get3A_106 = arith.constant 0 : index
    %get3A_107 = arith.constant 0 : index
    %get3A_108 = vector.load %arg78[%get3A_105, %get3A_106, %get3A_107] : memref<6x1x256xf32, #tpu.memory_space<vmem>>, vector<1x1x256xf32>
    %get3A_109 = vector.shape_cast %get3A_108 : vector<1x1x256xf32> to vector<1x256xf32>
    %add3A_110 = vector.broadcast %get3A_109 : vector<1x256xf32> to vector<1792x256xf32>
    %add3A_111 = arith.addf %dot_general3A_104, %add3A_110 : vector<1792x256xf32>
    %max3A_112 = arith.constant 0.000000e+00 : f32
    %max3A_113 = vector.broadcast %max3A_112 : f32 to vector<1792x256xf32>
    %max3A_114 = arith.maximumf %add3A_111, %max3A_113 : vector<1792x256xf32>
    %get3A_115 = arith.constant 1 : index
    %get3A_116 = arith.constant 0 : index
    %get3A_117 = arith.constant 0 : index
    %get3A_118 = vector.load %arg79[%get3A_115, %get3A_116, %get3A_117] : memref<6x256x128xf32, #tpu.memory_space<vmem>>, vector<1x256x128xf32>
    %get3A_119 = vector.shape_cast %get3A_118 : vector<1x256x128xf32> to vector<256x128xf32>
    %dot_general3A_120 = arith.constant dense<0.000000e+00> : vector<1792x128xf32>
    %dot_general3A_121 = tpu.matmul %max3A_114, %get3A_119, %dot_general3A_120 {dimension_numbers = #tpu.dot_dimension_numbers<[1], [0], [0], [1], [0, 0, 1, 1], [], []>, transpose_lhs_hint = false} : vector<1792x256xf32>, vector<256x128xf32>, vector<1792x128xf32> -> vector<1792x128xf32>
    %get3A_122 = arith.constant 1 : index
    %get3A_123 = arith.constant 0 : index
    %get3A_124 = arith.constant 0 : index
    %get3A_125 = vector.load %arg80[%get3A_122, %get3A_123, %get3A_124] : memref<6x1x128xf32, #tpu.memory_space<vmem>>, vector<1x1x128xf32>
    %get3A_126 = vector.shape_cast %get3A_125 : vector<1x1x128xf32> to vector<1x128xf32>
    %add3A_127 = vector.broadcast %get3A_126 : vector<1x128xf32> to vector<1792x128xf32>
    %add3A_128 = arith.addf %dot_general3A_121, %add3A_127 : vector<1792x128xf32>
    %mul3A_129 = arith.mulf %dot_general3A_32, %add3A_128 : vector<1792x128xf32>
    %add3A_130 = arith.addf %add3A_80, %mul3A_129 : vector<1792x128xf32>
    %get3A_131 = arith.constant 2 : index
    %get3A_132 = arith.constant 0 : index
    %get3A_133 = arith.constant 0 : index
    %get3A_134 = vector.load %arg75[%get3A_131, %get3A_132, %get3A_133] : memref<6x128x128xf32, #tpu.memory_space<vmem>>, vector<1x128x128xf32>
    %get3A_135 = vector.shape_cast %get3A_134 : vector<1x128x128xf32> to vector<128x128xf32>
    %dot_general3A_136 = arith.constant dense<0.000000e+00> : vector<1792x128xf32>
    %dot_general3A_137 = tpu.matmul %add3A_130, %get3A_135, %dot_general3A_136 {dimension_numbers = #tpu.dot_dimension_numbers<[1], [0], [0], [1], [0, 0, 1, 1], [], []>, transpose_lhs_hint = false} : vector<1792x128xf32>, vector<128x128xf32>, vector<1792x128xf32> -> vector<1792x128xf32>
    %get3A_138 = arith.constant 2 : index
    %get3A_139 = arith.constant 0 : index
    %get3A_140 = arith.constant 0 : index
    %get3A_141 = vector.load %arg76[%get3A_138, %get3A_139, %get3A_140] : memref<6x1x128xf32, #tpu.memory_space<vmem>>, vector<1x1x128xf32>
    %get3A_142 = vector.shape_cast %get3A_141 : vector<1x1x128xf32> to vector<1x128xf32>
    %add3A_143 = vector.broadcast %get3A_142 : vector<1x128xf32> to vector<1792x128xf32>
    %add3A_144 = arith.addf %dot_general3A_137, %add3A_143 : vector<1792x128xf32>
    %max3A_145 = arith.constant 0.000000e+00 : f32
    %max3A_146 = vector.broadcast %max3A_145 : f32 to vector<1792x128xf32>
    %max3A_147 = arith.maximumf %add3A_144, %max3A_146 : vector<1792x128xf32>
    %get3A_148 = arith.constant 2 : index
    %get3A_149 = arith.constant 0 : index
    %get3A_150 = arith.constant 0 : index
    %get3A_151 = vector.load %arg77[%get3A_148, %get3A_149, %get3A_150] : memref<6x128x256xf32, #tpu.memory_space<vmem>>, vector<1x128x256xf32>
    %get3A_152 = vector.shape_cast %get3A_151 : vector<1x128x256xf32> to vector<128x256xf32>
    %dot_general3A_153 = arith.constant dense<0.000000e+00> : vector<1792x256xf32>
    %dot_general3A_154 = tpu.matmul %max3A_147, %get3A_152, %dot_general3A_153 {dimension_numbers = #tpu.dot_dimension_numbers<[1], [0], [0], [1], [0, 0, 1, 1], [], []>, transpose_lhs_hint = false} : vector<1792x128xf32>, vector<128x256xf32>, vector<1792x256xf32> -> vector<1792x256xf32>
    %get3A_155 = arith.constant 2 : index
    %get3A_156 = arith.constant 0 : index
    %get3A_157 = arith.constant 0 : index
    %get3A_158 = vector.load %arg78[%get3A_155, %get3A_156, %get3A_157] : memref<6x1x256xf32, #tpu.memory_space<vmem>>, vector<1x1x256xf32>
    %get3A_159 = vector.shape_cast %get3A_158 : vector<1x1x256xf32> to vector<1x256xf32>
    %add3A_160 = vector.broadcast %get3A_159 : vector<1x256xf32> to vector<1792x256xf32>
    %add3A_161 = arith.addf %dot_general3A_154, %add3A_160 : vector<1792x256xf32>
    %max3A_162 = arith.constant 0.000000e+00 : f32
    %max3A_163 = vector.broadcast %max3A_162 : f32 to vector<1792x256xf32>
    %max3A_164 = arith.maximumf %add3A_161, %max3A_163 : vector<1792x256xf32>
    %get3A_165 = arith.constant 2 : index
    %get3A_166 = arith.constant 0 : index
    %get3A_167 = arith.constant 0 : index
    %get3A_168 = vector.load %arg79[%get3A_165, %get3A_166, %get3A_167] : memref<6x256x128xf32, #tpu.memory_space<vmem>>, vector<1x256x128xf32>
    %get3A_169 = vector.shape_cast %get3A_168 : vector<1x256x128xf32> to vector<256x128xf32>
    %dot_general3A_170 = arith.constant dense<0.000000e+00> : vector<1792x128xf32>
    %dot_general3A_171 = tpu.matmul %max3A_164, %get3A_169, %dot_general3A_170 {dimension_numbers = #tpu.dot_dimension_numbers<[1], [0], [0], [1], [0, 0, 1, 1], [], []>, transpose_lhs_hint = false} : vector<1792x256xf32>, vector<256x128xf32>, vector<1792x128xf32> -> vector<1792x128xf32>
    %get3A_172 = arith.constant 2 : index
    %get3A_173 = arith.constant 0 : index
    %get3A_174 = arith.constant 0 : index
    %get3A_175 = vector.load %arg80[%get3A_172, %get3A_173, %get3A_174] : memref<6x1x128xf32, #tpu.memory_space<vmem>>, vector<1x1x128xf32>
    %get3A_176 = vector.shape_cast %get3A_175 : vector<1x1x128xf32> to vector<1x128xf32>
    %add3A_177 = vector.broadcast %get3A_176 : vector<1x128xf32> to vector<1792x128xf32>
    %add3A_178 = arith.addf %dot_general3A_171, %add3A_177 : vector<1792x128xf32>
    %mul3A_179 = arith.mulf %dot_general3A_32, %add3A_178 : vector<1792x128xf32>
    %add3A_180 = arith.addf %add3A_130, %mul3A_179 : vector<1792x128xf32>
    %get3A_181 = arith.constant 3 : index
    %get3A_182 = arith.constant 0 : index
    %get3A_183 = arith.constant 0 : index
    %get3A_184 = vector.load %arg75[%get3A_181, %get3A_182, %get3A_183] : memref<6x128x128xf32, #tpu.memory_space<vmem>>, vector<1x128x128xf32>
    %get3A_185 = vector.shape_cast %get3A_184 : vector<1x128x128xf32> to vector<128x128xf32>
    %dot_general3A_186 = arith.constant dense<0.000000e+00> : vector<1792x128xf32>
    %dot_general3A_187 = tpu.matmul %add3A_180, %get3A_185, %dot_general3A_186 {dimension_numbers = #tpu.dot_dimension_numbers<[1], [0], [0], [1], [0, 0, 1, 1], [], []>, transpose_lhs_hint = false} : vector<1792x128xf32>, vector<128x128xf32>, vector<1792x128xf32> -> vector<1792x128xf32>
    %get3A_188 = arith.constant 3 : index
    %get3A_189 = arith.constant 0 : index
    %get3A_190 = arith.constant 0 : index
    %get3A_191 = vector.load %arg76[%get3A_188, %get3A_189, %get3A_190] : memref<6x1x128xf32, #tpu.memory_space<vmem>>, vector<1x1x128xf32>
    %get3A_192 = vector.shape_cast %get3A_191 : vector<1x1x128xf32> to vector<1x128xf32>
    %add3A_193 = vector.broadcast %get3A_192 : vector<1x128xf32> to vector<1792x128xf32>
    %add3A_194 = arith.addf %dot_general3A_187, %add3A_193 : vector<1792x128xf32>
    %max3A_195 = arith.constant 0.000000e+00 : f32
    %max3A_196 = vector.broadcast %max3A_195 : f32 to vector<1792x128xf32>
    %max3A_197 = arith.maximumf %add3A_194, %max3A_196 : vector<1792x128xf32>
    %get3A_198 = arith.constant 3 : index
    %get3A_199 = arith.constant 0 : index
    %get3A_200 = arith.constant 0 : index
    %get3A_201 = vector.load %arg77[%get3A_198, %get3A_199, %get3A_200] : memref<6x128x256xf32, #tpu.memory_space<vmem>>, vector<1x128x256xf32>
    %get3A_202 = vector.shape_cast %get3A_201 : vector<1x128x256xf32> to vector<128x256xf32>
    %dot_general3A_203 = arith.constant dense<0.000000e+00> : vector<1792x256xf32>
    %dot_general3A_204 = tpu.matmul %max3A_197, %get3A_202, %dot_general3A_203 {dimension_numbers = #tpu.dot_dimension_numbers<[1], [0], [0], [1], [0, 0, 1, 1], [], []>, transpose_lhs_hint = false} : vector<1792x128xf32>, vector<128x256xf32>, vector<1792x256xf32> -> vector<1792x256xf32>
    %get3A_205 = arith.constant 3 : index
    %get3A_206 = arith.constant 0 : index
    %get3A_207 = arith.constant 0 : index
    %get3A_208 = vector.load %arg78[%get3A_205, %get3A_206, %get3A_207] : memref<6x1x256xf32, #tpu.memory_space<vmem>>, vector<1x1x256xf32>
    %get3A_209 = vector.shape_cast %get3A_208 : vector<1x1x256xf32> to vector<1x256xf32>
    %add3A_210 = vector.broadcast %get3A_209 : vector<1x256xf32> to vector<1792x256xf32>
    %add3A_211 = arith.addf %dot_general3A_204, %add3A_210 : vector<1792x256xf32>
    %max3A_212 = arith.constant 0.000000e+00 : f32
    %max3A_213 = vector.broadcast %max3A_212 : f32 to vector<1792x256xf32>
    %max3A_214 = arith.maximumf %add3A_211, %max3A_213 : vector<1792x256xf32>
    %get3A_215 = arith.constant 3 : index
    %get3A_216 = arith.constant 0 : index
    %get3A_217 = arith.constant 0 : index
    %get3A_218 = vector.load %arg79[%get3A_215, %get3A_216, %get3A_217] : memref<6x256x128xf32, #tpu.memory_space<vmem>>, vector<1x256x128xf32>
    %get3A_219 = vector.shape_cast %get3A_218 : vector<1x256x128xf32> to vector<256x128xf32>
    %dot_general3A_220 = arith.constant dense<0.000000e+00> : vector<1792x128xf32>
    %dot_general3A_221 = tpu.matmul %max3A_214, %get3A_219, %dot_general3A_220 {dimension_numbers = #tpu.dot_dimension_numbers<[1], [0], [0], [1], [0, 0, 1, 1], [], []>, transpose_lhs_hint = false} : vector<1792x256xf32>, vector<256x128xf32>, vector<1792x128xf32> -> vector<1792x128xf32>
    %get3A_222 = arith.constant 3 : index
    %get3A_223 = arith.constant 0 : index
    %get3A_224 = arith.constant 0 : index
    %get3A_225 = vector.load %arg80[%get3A_222, %get3A_223, %get3A_224] : memref<6x1x128xf32, #tpu.memory_space<vmem>>, vector<1x1x128xf32>
    %get3A_226 = vector.shape_cast %get3A_225 : vector<1x1x128xf32> to vector<1x128xf32>
    %add3A_227 = vector.broadcast %get3A_226 : vector<1x128xf32> to vector<1792x128xf32>
    %add3A_228 = arith.addf %dot_general3A_221, %add3A_227 : vector<1792x128xf32>
    %mul3A_229 = arith.mulf %dot_general3A_32, %add3A_228 : vector<1792x128xf32>
    %add3A_230 = arith.addf %add3A_180, %mul3A_229 : vector<1792x128xf32>
    %get3A_231 = arith.constant 4 : index
    %get3A_232 = arith.constant 0 : index
    %get3A_233 = arith.constant 0 : index
    %get3A_234 = vector.load %arg75[%get3A_231, %get3A_232, %get3A_233] : memref<6x128x128xf32, #tpu.memory_space<vmem>>, vector<1x128x128xf32>
    %get3A_235 = vector.shape_cast %get3A_234 : vector<1x128x128xf32> to vector<128x128xf32>
    %dot_general3A_236 = arith.constant dense<0.000000e+00> : vector<1792x128xf32>
    %dot_general3A_237 = tpu.matmul %add3A_230, %get3A_235, %dot_general3A_236 {dimension_numbers = #tpu.dot_dimension_numbers<[1], [0], [0], [1], [0, 0, 1, 1], [], []>, transpose_lhs_hint = false} : vector<1792x128xf32>, vector<128x128xf32>, vector<1792x128xf32> -> vector<1792x128xf32>
    %get3A_238 = arith.constant 4 : index
    %get3A_239 = arith.constant 0 : index
    %get3A_240 = arith.constant 0 : index
    %get3A_241 = vector.load %arg76[%get3A_238, %get3A_239, %get3A_240] : memref<6x1x128xf32, #tpu.memory_space<vmem>>, vector<1x1x128xf32>
    %get3A_242 = vector.shape_cast %get3A_241 : vector<1x1x128xf32> to vector<1x128xf32>
    %add3A_243 = vector.broadcast %get3A_242 : vector<1x128xf32> to vector<1792x128xf32>
    %add3A_244 = arith.addf %dot_general3A_237, %add3A_243 : vector<1792x128xf32>
    %max3A_245 = arith.constant 0.000000e+00 : f32
    %max3A_246 = vector.broadcast %max3A_245 : f32 to vector<1792x128xf32>
    %max3A_247 = arith.maximumf %add3A_244, %max3A_246 : vector<1792x128xf32>
    %get3A_248 = arith.constant 4 : index
    %get3A_249 = arith.constant 0 : index
    %get3A_250 = arith.constant 0 : index
    %get3A_251 = vector.load %arg77[%get3A_248, %get3A_249, %get3A_250] : memref<6x128x256xf32, #tpu.memory_space<vmem>>, vector<1x128x256xf32>
    %get3A_252 = vector.shape_cast %get3A_251 : vector<1x128x256xf32> to vector<128x256xf32>
    %dot_general3A_253 = arith.constant dense<0.000000e+00> : vector<1792x256xf32>
    %dot_general3A_254 = tpu.matmul %max3A_247, %get3A_252, %dot_general3A_253 {dimension_numbers = #tpu.dot_dimension_numbers<[1], [0], [0], [1], [0, 0, 1, 1], [], []>, transpose_lhs_hint = false} : vector<1792x128xf32>, vector<128x256xf32>, vector<1792x256xf32> -> vector<1792x256xf32>
    %get3A_255 = arith.constant 4 : index
    %get3A_256 = arith.constant 0 : index
    %get3A_257 = arith.constant 0 : index
    %get3A_258 = vector.load %arg78[%get3A_255, %get3A_256, %get3A_257] : memref<6x1x256xf32, #tpu.memory_space<vmem>>, vector<1x1x256xf32>
    %get3A_259 = vector.shape_cast %get3A_258 : vector<1x1x256xf32> to vector<1x256xf32>
    %add3A_260 = vector.broadcast %get3A_259 : vector<1x256xf32> to vector<1792x256xf32>
    %add3A_261 = arith.addf %dot_general3A_254, %add3A_260 : vector<1792x256xf32>
    %max3A_262 = arith.constant 0.000000e+00 : f32
    %max3A_263 = vector.broadcast %max3A_262 : f32 to vector<1792x256xf32>
    %max3A_264 = arith.maximumf %add3A_261, %max3A_263 : vector<1792x256xf32>
    %get3A_265 = arith.constant 4 : index
    %get3A_266 = arith.constant 0 : index
    %get3A_267 = arith.constant 0 : index
    %get3A_268 = vector.load %arg79[%get3A_265, %get3A_266, %get3A_267] : memref<6x256x128xf32, #tpu.memory_space<vmem>>, vector<1x256x128xf32>
    %get3A_269 = vector.shape_cast %get3A_268 : vector<1x256x128xf32> to vector<256x128xf32>
    %dot_general3A_270 = arith.constant dense<0.000000e+00> : vector<1792x128xf32>
    %dot_general3A_271 = tpu.matmul %max3A_264, %get3A_269, %dot_general3A_270 {dimension_numbers = #tpu.dot_dimension_numbers<[1], [0], [0], [1], [0, 0, 1, 1], [], []>, transpose_lhs_hint = false} : vector<1792x256xf32>, vector<256x128xf32>, vector<1792x128xf32> -> vector<1792x128xf32>
    %get3A_272 = arith.constant 4 : index
    %get3A_273 = arith.constant 0 : index
    %get3A_274 = arith.constant 0 : index
    %get3A_275 = vector.load %arg80[%get3A_272, %get3A_273, %get3A_274] : memref<6x1x128xf32, #tpu.memory_space<vmem>>, vector<1x1x128xf32>
    %get3A_276 = vector.shape_cast %get3A_275 : vector<1x1x128xf32> to vector<1x128xf32>
    %add3A_277 = vector.broadcast %get3A_276 : vector<1x128xf32> to vector<1792x128xf32>
    %add3A_278 = arith.addf %dot_general3A_271, %add3A_277 : vector<1792x128xf32>
    %mul3A_279 = arith.mulf %dot_general3A_32, %add3A_278 : vector<1792x128xf32>
    %add3A_280 = arith.addf %add3A_230, %mul3A_279 : vector<1792x128xf32>
    %get3A_281 = arith.constant 5 : index
    %get3A_282 = arith.constant 0 : index
    %get3A_283 = arith.constant 0 : index
    %get3A_284 = vector.load %arg75[%get3A_281, %get3A_282, %get3A_283] : memref<6x128x128xf32, #tpu.memory_space<vmem>>, vector<1x128x128xf32>
    %get3A_285 = vector.shape_cast %get3A_284 : vector<1x128x128xf32> to vector<128x128xf32>
    %dot_general3A_286 = arith.constant dense<0.000000e+00> : vector<1792x128xf32>
    %dot_general3A_287 = tpu.matmul %add3A_280, %get3A_285, %dot_general3A_286 {dimension_numbers = #tpu.dot_dimension_numbers<[1], [0], [0], [1], [0, 0, 1, 1], [], []>, transpose_lhs_hint = false} : vector<1792x128xf32>, vector<128x128xf32>, vector<1792x128xf32> -> vector<1792x128xf32>
    %get3A_288 = arith.constant 5 : index
    %get3A_289 = arith.constant 0 : index
    %get3A_290 = arith.constant 0 : index
    %get3A_291 = vector.load %arg76[%get3A_288, %get3A_289, %get3A_290] : memref<6x1x128xf32, #tpu.memory_space<vmem>>, vector<1x1x128xf32>
    %get3A_292 = vector.shape_cast %get3A_291 : vector<1x1x128xf32> to vector<1x128xf32>
    %add3A_293 = vector.broadcast %get3A_292 : vector<1x128xf32> to vector<1792x128xf32>
    %add3A_294 = arith.addf %dot_general3A_287, %add3A_293 : vector<1792x128xf32>
    %max3A_295 = arith.constant 0.000000e+00 : f32
    %max3A_296 = vector.broadcast %max3A_295 : f32 to vector<1792x128xf32>
    %max3A_297 = arith.maximumf %add3A_294, %max3A_296 : vector<1792x128xf32>
    %get3A_298 = arith.constant 5 : index
    %get3A_299 = arith.constant 0 : index
    %get3A_300 = arith.constant 0 : index
    %get3A_301 = vector.load %arg77[%get3A_298, %get3A_299, %get3A_300] : memref<6x128x256xf32, #tpu.memory_space<vmem>>, vector<1x128x256xf32>
    %get3A_302 = vector.shape_cast %get3A_301 : vector<1x128x256xf32> to vector<128x256xf32>
    %dot_general3A_303 = arith.constant dense<0.000000e+00> : vector<1792x256xf32>
    %dot_general3A_304 = tpu.matmul %max3A_297, %get3A_302, %dot_general3A_303 {dimension_numbers = #tpu.dot_dimension_numbers<[1], [0], [0], [1], [0, 0, 1, 1], [], []>, transpose_lhs_hint = false} : vector<1792x128xf32>, vector<128x256xf32>, vector<1792x256xf32> -> vector<1792x256xf32>
    %get3A_305 = arith.constant 5 : index
    %get3A_306 = arith.constant 0 : index
    %get3A_307 = arith.constant 0 : index
    %get3A_308 = vector.load %arg78[%get3A_305, %get3A_306, %get3A_307] : memref<6x1x256xf32, #tpu.memory_space<vmem>>, vector<1x1x256xf32>
    %get3A_309 = vector.shape_cast %get3A_308 : vector<1x1x256xf32> to vector<1x256xf32>
    %add3A_310 = vector.broadcast %get3A_309 : vector<1x256xf32> to vector<1792x256xf32>
    %add3A_311 = arith.addf %dot_general3A_304, %add3A_310 : vector<1792x256xf32>
    %max3A_312 = arith.constant 0.000000e+00 : f32
    %max3A_313 = vector.broadcast %max3A_312 : f32 to vector<1792x256xf32>
    %max3A_314 = arith.maximumf %add3A_311, %max3A_313 : vector<1792x256xf32>
    %get3A_315 = arith.constant 5 : index
    %get3A_316 = arith.constant 0 : index
    %get3A_317 = arith.constant 0 : index
    %get3A_318 = vector.load %arg79[%get3A_315, %get3A_316, %get3A_317] : memref<6x256x128xf32, #tpu.memory_space<vmem>>, vector<1x256x128xf32>
    %get3A_319 = vector.shape_cast %get3A_318 : vector<1x256x128xf32> to vector<256x128xf32>
    %dot_general3A_320 = arith.constant dense<0.000000e+00> : vector<1792x128xf32>
    %dot_general3A_321 = tpu.matmul %max3A_314, %get3A_319, %dot_general3A_320 {dimension_numbers = #tpu.dot_dimension_numbers<[1], [0], [0], [1], [0, 0, 1, 1], [], []>, transpose_lhs_hint = false} : vector<1792x256xf32>, vector<256x128xf32>, vector<1792x128xf32> -> vector<1792x128xf32>
    %get3A_322 = arith.constant 5 : index
    %get3A_323 = arith.constant 0 : index
    %get3A_324 = arith.constant 0 : index
    %get3A_325 = vector.load %arg80[%get3A_322, %get3A_323, %get3A_324] : memref<6x1x128xf32, #tpu.memory_space<vmem>>, vector<1x1x128xf32>
    %get3A_326 = vector.shape_cast %get3A_325 : vector<1x1x128xf32> to vector<1x128xf32>
    %add3A_327 = vector.broadcast %get3A_326 : vector<1x128xf32> to vector<1792x128xf32>
    %add3A_328 = arith.addf %dot_general3A_321, %add3A_327 : vector<1792x128xf32>
    %mul3A_329 = arith.mulf %dot_general3A_32, %add3A_328 : vector<1792x128xf32>
    %add3A_330 = arith.addf %add3A_280, %mul3A_329 : vector<1792x128xf32>
    %get3A_331 = arith.constant 0 : index
    %get3A_332 = arith.constant 0 : index
    %get3A_333 = vector.load %arg6[%get3A_331, %get3A_332] : memref<1792x8xf32, #tpu.memory_space<vmem>>, vector<1792x1xf32>
    %gt3A = arith.constant -1.000000e+29 : f32
    %gt3A_334 = vector.broadcast %gt3A : f32 to vector<1792x1xf32>
    %gt3A_335 = arith.cmpf ogt, %get3A_333, %gt3A_334 : vector<1792x1xf32>
    %jit3A = arith.constant 0.000000e+00 : f32
    %broadcast_in_dim3A = vector.shape_cast %gt3A_335 : vector<1792x1xi1> to vector<1792x1xi1>
    %broadcast_in_dim3A_336 = vector.broadcast %broadcast_in_dim3A : vector<1792x1xi1> to vector<1792x128xi1>
    %broadcast_in_dim3A_337 = vector.broadcast %jit3A : f32 to vector<1792x128xf32>
    %select_n3A = arith.select %broadcast_in_dim3A_336, %add3A_330, %broadcast_in_dim3A_337 : vector<1792x128xi1>, vector<1792x128xf32>
    %get3A_338 = arith.constant 0 : index
    %get3A_339 = arith.constant 0 : index
    %get3A_340 = vector.load %arg68[%get3A_338, %get3A_339] : memref<128x8xf32, #tpu.memory_space<vmem>>, vector<128x8xf32>
    %dot_general3A_341 = arith.constant dense<0.000000e+00> : vector<1792x8xf32>
    %dot_general3A_342 = tpu.matmul %select_n3A, %get3A_340, %dot_general3A_341 {dimension_numbers = #tpu.dot_dimension_numbers<[1], [0], [0], [1], [0, 0, 1, 1], [], []>, precision = #tpu.contract_precision<fp32>, transpose_lhs_hint = false} : vector<1792x128xf32>, vector<128x8xf32>, vector<1792x8xf32> -> vector<1792x8xf32>
    %get3A_343 = arith.constant 0 : index
    %get3A_344 = arith.constant 0 : index
    %get3A_345 = vector.load %arg69[%get3A_343, %get3A_344] : memref<1x8xf32, #tpu.memory_space<vmem>>, vector<1x8xf32>
    %add3A_346 = vector.broadcast %get3A_345 : vector<1x8xf32> to vector<1792x8xf32>
    %add3A_347 = arith.addf %dot_general3A_342, %add3A_346 : vector<1792x8xf32>
    %get3A_348 = arith.constant 0 : index
    %get3A_349 = arith.constant 0 : index
    %get3A_350 = vector.load %arg6[%get3A_348, %get3A_349] : memref<1792x8xf32, #tpu.memory_space<vmem>>, vector<1792x8xf32>
    %add3A_351 = arith.addf %add3A_347, %get3A_350 : vector<1792x8xf32>
    %get3A_352 = arith.constant 0 : index
    %get3A_353 = arith.constant 0 : index
    %get3A_354 = vector.load %arg65[%get3A_352, %get3A_353] : memref<1x4xf32, #tpu.memory_space<vmem>>, vector<1x4xf32>
    %reduce_max3A = arith.constant dense<0xFF800000> : vector<8xf32>
    %reduce_max3A_355 = vector.multi_reduction <maximumf>, %add3A_351, %reduce_max3A [0] : vector<1792x8xf32> to vector<8xf32>
    %broadcast_in_dim3A_356 = vector.shape_cast %reduce_max3A_355 : vector<8xf32> to vector<1x8xf32>
    %slice3A = vector.extract_strided_slice %broadcast_in_dim3A_356 {offsets = [0, 0], sizes = [1, 4], strides = [1, 1]} : vector<1x8xf32> to vector<1x4xf32>
    %slice3A_357 = vector.extract_strided_slice %broadcast_in_dim3A_356 {offsets = [0, 4], sizes = [1, 4], strides = [1, 1]} : vector<1x8xf32> to vector<1x4xf32>
    %max3A_358 = arith.maximumf %slice3A, %slice3A_357 : vector<1x4xf32>
    %max3A_359 = arith.maximumf %get3A_354, %max3A_358 : vector<1x4xf32>
    %get3A_360 = arith.constant 0 : index
    %get3A_361 = arith.constant 0 : index
    %get3A_362 = vector.load %arg55[%get3A_360, %get3A_361] : memref<8x512xf32, #tpu.memory_space<vmem>>, vector<8x512xf32>
    %sub3A = arith.subf %get3A_354, %max3A_359 : vector<1x4xf32>
    %exp3A = math.exp %sub3A : vector<1x4xf32>
    %slice3A_363 = vector.extract_strided_slice %get3A_362 {offsets = [0, 0], sizes = [4, 256], strides = [1, 1]} : vector<8x512xf32> to vector<4x256xf32>
    %dot_general3A_364 = arith.constant dense<0.000000e+00> : vector<1x256xf32>
    %dot_general3A_365 = tpu.matmul %exp3A, %slice3A_363, %dot_general3A_364 {dimension_numbers = #tpu.dot_dimension_numbers<[1], [0], [0], [1], [0, 0, 1, 1], [], []>, transpose_lhs_hint = false} : vector<1x4xf32>, vector<4x256xf32>, vector<1x256xf32> -> vector<1x256xf32>
    %concatenate3A = tpu.concatenate %max3A_359, %max3A_359 in 1 : vector<1x4xf32>, vector<1x4xf32> -> vector<1x8xf32>
    %sub3A_366 = vector.broadcast %concatenate3A : vector<1x8xf32> to vector<1792x8xf32>
    %sub3A_367 = arith.subf %add3A_351, %sub3A_366 : vector<1792x8xf32>
    %exp3A_368 = math.exp %sub3A_367 : vector<1792x8xf32>
    %dot_general3A_369 = arith.constant dense<0.000000e+00> : vector<8x128xf32>
    %dot_general3A_370 = tpu.matmul %exp3A_368, %select_n3A, %dot_general3A_369 {dimension_numbers = #tpu.dot_dimension_numbers<[0], [0], [1], [1], [0, 1, 1, 1], [], []>, transpose_lhs_hint = false} : vector<1792x8xf32>, vector<1792x128xf32>, vector<8x128xf32> -> vector<8x128xf32>
    %get3A_371 = arith.constant 0 : index
    %get3A_372 = arith.constant 0 : index
    %get3A_373 = vector.load %arg70[%get3A_371, %get3A_372] : memref<128x512xf32, #tpu.memory_space<vmem>>, vector<128x512xf32>
    %dot_general3A_374 = arith.constant dense<0.000000e+00> : vector<8x512xf32>
    %dot_general3A_375 = tpu.matmul %dot_general3A_370, %get3A_373, %dot_general3A_374 {dimension_numbers = #tpu.dot_dimension_numbers<[1], [0], [0], [1], [0, 0, 1, 1], [], []>, transpose_lhs_hint = false} : vector<8x128xf32>, vector<128x512xf32>, vector<8x512xf32> -> vector<8x512xf32>
    %reduce_sum3A = arith.constant dense<0.000000e+00> : vector<8xf32>
    %reduce_sum3A_376 = vector.multi_reduction <add>, %exp3A_368, %reduce_sum3A [0] : vector<1792x8xf32> to vector<8xf32>
    %broadcast_in_dim3A_377 = vector.shape_cast %reduce_sum3A_376 : vector<8xf32> to vector<1x8xf32>
    %dot_general3A_378 = arith.constant dense<0.000000e+00> : vector<1x512xf32>
    %dot_general3A_379 = tpu.matmul %broadcast_in_dim3A_377, %get3A_362, %dot_general3A_378 {dimension_numbers = #tpu.dot_dimension_numbers<[1], [0], [0], [1], [0, 0, 1, 1], [], []>, transpose_lhs_hint = false} : vector<1x8xf32>, vector<8x512xf32>, vector<1x512xf32> -> vector<1x512xf32>
    %broadcast_in_dim3A_380 = arith.constant 1.000000e+00 : f32
    %broadcast_in_dim3A_381 = vector.broadcast %broadcast_in_dim3A_380 : f32 to vector<1x8xf32>
    %mul3A_382 = arith.mulf %dot_general3A_375, %get3A_362 : vector<8x512xf32>
    %dot_general3A_383 = arith.constant dense<0.000000e+00> : vector<1x512xf32>
    %dot_general3A_384 = tpu.matmul %broadcast_in_dim3A_381, %mul3A_382, %dot_general3A_383 {dimension_numbers = #tpu.dot_dimension_numbers<[1], [0], [0], [1], [0, 0, 1, 1], [], []>, transpose_lhs_hint = false} : vector<1x8xf32>, vector<8x512xf32>, vector<1x512xf32> -> vector<1x512xf32>
    %get3A_385 = arith.constant 0 : index
    %get3A_386 = arith.constant 0 : index
    %get3A_387 = vector.load %arg71[%get3A_385, %get3A_386] : memref<1x512xf32, #tpu.memory_space<vmem>>, vector<1x512xf32>
    %mul3A_388 = arith.mulf %get3A_387, %dot_general3A_379 : vector<1x512xf32>
    %add3A_389 = arith.addf %dot_general3A_384, %mul3A_388 : vector<1x512xf32>
    %get3A_390 = arith.constant 0 : index
    %get3A_391 = arith.constant 0 : index
    %get3A_392 = vector.load %arg66[%get3A_390, %get3A_391] : memref<1x256xf32, #tpu.memory_space<vmem>>, vector<1x256xf32>
    %mul3A_393 = arith.mulf %get3A_392, %dot_general3A_365 : vector<1x256xf32>
    %slice3A_394 = vector.extract_strided_slice %dot_general3A_379 {offsets = [0, 0], sizes = [1, 256], strides = [1, 1]} : vector<1x512xf32> to vector<1x256xf32>
    %add3A_395 = arith.addf %mul3A_393, %slice3A_394 : vector<1x256xf32>
    %slice3A_396 = vector.extract_strided_slice %dot_general3A_379 {offsets = [0, 256], sizes = [1, 256], strides = [1, 1]} : vector<1x512xf32> to vector<1x256xf32>
    %add3A_397 = arith.addf %add3A_395, %slice3A_396 : vector<1x256xf32>
    %get3A_398 = arith.constant 0 : index
    %get3A_399 = arith.constant 0 : index
    %get3A_400 = vector.load %arg67[%get3A_398, %get3A_399] : memref<1x256xf32, #tpu.memory_space<vmem>>, vector<1x256xf32>
    %mul3A_401 = arith.mulf %get3A_400, %dot_general3A_365 : vector<1x256xf32>
    %slice3A_402 = vector.extract_strided_slice %add3A_389 {offsets = [0, 0], sizes = [1, 256], strides = [1, 1]} : vector<1x512xf32> to vector<1x256xf32>
    %add3A_403 = arith.addf %mul3A_401, %slice3A_402 : vector<1x256xf32>
    %slice3A_404 = vector.extract_strided_slice %add3A_389 {offsets = [0, 256], sizes = [1, 256], strides = [1, 1]} : vector<1x512xf32> to vector<1x256xf32>
    %add3A_405 = arith.addf %add3A_403, %slice3A_404 : vector<1x256xf32>
    %swap3A = arith.constant 0 : index
    %swap3A_406 = arith.constant 0 : index
    %swap3A_407 = vector.load %arg65[%swap3A, %swap3A_406] : memref<1x4xf32, #tpu.memory_space<vmem>>, vector<1x4xf32>
    tpu.vector_store %arg65[%swap3A, %swap3A_406], %max3A_359 {strides = array<i32>} : memref<1x4xf32, #tpu.memory_space<vmem>>, vector<1x4xf32>,
    %swap3A_408 = arith.constant 0 : index
    %swap3A_409 = arith.constant 0 : index
    %swap3A_410 = vector.load %arg66[%swap3A_408, %swap3A_409] : memref<1x256xf32, #tpu.memory_space<vmem>>, vector<1x256xf32>
    tpu.vector_store %arg66[%swap3A_408, %swap3A_409], %add3A_397 {strides = array<i32>} : memref<1x256xf32, #tpu.memory_space<vmem>>, vector<1x256xf32>,
    %swap3A_411 = arith.constant 0 : index
    %swap3A_412 = arith.constant 0 : index
    %swap3A_413 = vector.load %arg67[%swap3A_411, %swap3A_412] : memref<1x256xf32, #tpu.memory_space<vmem>>, vector<1x256xf32>
    tpu.vector_store %arg67[%swap3A_411, %swap3A_412], %add3A_405 {strides = array<i32>} : memref<1x256xf32, #tpu.memory_space<vmem>>, vector<1x256xf32>,
    %eq3A_414 = arith.constant 13 : i32
    %eq3A_415 = arith.cmpi eq, %arg0, %eq3A_414 : i32
    %convert_element_type3A_416 = arith.extui %eq3A_415 : i1 to i32
    %cond3A_417 = arith.constant 0 : i32
    %cond3A_418 = arith.cmpi ne, %convert_element_type3A_416, %cond3A_417 : i32
    scf.if %cond3A_418 {
      %div3A = arith.divf %add3A_405, %add3A_397 : vector<1x256xf32>
      %get3A_419 = arith.constant 0 : index
      %get3A_420 = arith.constant 0 : index
      %get3A_421 = vector.load %arg56[%get3A_419, %get3A_420] : memref<256x256xf32, #tpu.memory_space<vmem>>, vector<256x256xf32>
      %dot_general3A_422 = arith.constant dense<0.000000e+00> : vector<1x256xf32>
      %dot_general3A_423 = tpu.matmul %div3A, %get3A_421, %dot_general3A_422 {dimension_numbers = #tpu.dot_dimension_numbers<[1], [0], [0], [1], [0, 0, 1, 1], [], []>, transpose_lhs_hint = false} : vector<1x256xf32>, vector<256x256xf32>, vector<1x256xf32> -> vector<1x256xf32>
      %get3A_424 = arith.constant 0 : index
      %get3A_425 = arith.constant 0 : index
      %get3A_426 = vector.load %arg57[%get3A_424, %get3A_425] : memref<1x256xf32, #tpu.memory_space<vmem>>, vector<1x256xf32>
      %add3A_427 = arith.addf %dot_general3A_423, %get3A_426 : vector<1x256xf32>
      %max3A_428 = arith.constant 0.000000e+00 : f32
      %max3A_429 = vector.broadcast %max3A_428 : f32 to vector<1x256xf32>
      %max3A_430 = arith.maximumf %add3A_427, %max3A_429 : vector<1x256xf32>
      %get3A_431 = arith.constant 0 : index
      %get3A_432 = arith.constant 0 : index
      %get3A_433 = vector.load %arg58[%get3A_431, %get3A_432] : memref<256x64xf32, #tpu.memory_space<vmem>>, vector<256x64xf32>
      %dot_general3A_434 = arith.constant dense<0.000000e+00> : vector<1x64xf32>
      %dot_general3A_435 = tpu.matmul %max3A_430, %get3A_433, %dot_general3A_434 {dimension_numbers = #tpu.dot_dimension_numbers<[1], [0], [0], [1], [0, 0, 1, 1], [], []>, transpose_lhs_hint = false} : vector<1x256xf32>, vector<256x64xf32>, vector<1x64xf32> -> vector<1x64xf32>
      %get3A_436 = arith.constant 0 : index
      %get3A_437 = arith.constant 0 : index
      %get3A_438 = vector.load %arg59[%get3A_436, %get3A_437] : memref<1x64xf32, #tpu.memory_space<vmem>>, vector<1x64xf32>
      %add3A_439 = arith.addf %dot_general3A_435, %get3A_438 : vector<1x64xf32>
      %max3A_440 = arith.constant 0.000000e+00 : f32
      %max3A_441 = vector.broadcast %max3A_440 : f32 to vector<1x64xf32>
      %max3A_442 = arith.maximumf %add3A_439, %max3A_441 : vector<1x64xf32>
      %reduce_sum3A_443 = arith.constant dense<0.000000e+00> : vector<1xf32>
      %reduce_sum3A_444 = vector.multi_reduction <add>, %max3A_442, %reduce_sum3A_443 [1] : vector<1x64xf32> to vector<1xf32>
      %broadcast_in_dim3A_445 = vector.shape_cast %reduce_sum3A_444 : vector<1xf32> to vector<1x1xf32>
      %div3A_446 = arith.constant 6.400000e+01 : f32
      %div3A_447 = vector.broadcast %div3A_446 : f32 to vector<1x1xf32>
      %div3A_448 = arith.divf %broadcast_in_dim3A_445, %div3A_447 : vector<1x1xf32>
      %sub3A_449 = vector.broadcast %div3A_448 : vector<1x1xf32> to vector<1x64xf32>
      %sub3A_450 = arith.subf %max3A_442, %sub3A_449 : vector<1x64xf32>
      %integer_pow3A = arith.mulf %sub3A_450, %sub3A_450 : vector<1x64xf32>
      %reduce_sum3A_451 = arith.constant dense<0.000000e+00> : vector<1xf32>
      %reduce_sum3A_452 = vector.multi_reduction <add>, %integer_pow3A, %reduce_sum3A_451 [1] : vector<1x64xf32> to vector<1xf32>
      %broadcast_in_dim3A_453 = vector.shape_cast %reduce_sum3A_452 : vector<1xf32> to vector<1x1xf32>
      %div3A_454 = arith.constant 6.400000e+01 : f32
      %div3A_455 = vector.broadcast %div3A_454 : f32 to vector<1x1xf32>
      %div3A_456 = arith.divf %broadcast_in_dim3A_453, %div3A_455 : vector<1x1xf32>
      %sub3A_457 = vector.broadcast %div3A_448 : vector<1x1xf32> to vector<1x64xf32>
      %sub3A_458 = arith.subf %max3A_442, %sub3A_457 : vector<1x64xf32>
      %add3A_459 = arith.constant 9.99999974E-6 : f32
      %add3A_460 = vector.broadcast %add3A_459 : f32 to vector<1x1xf32>
      %add3A_461 = arith.addf %div3A_456, %add3A_460 : vector<1x1xf32>
      %rsqrt3A = math.rsqrt %add3A_461 : vector<1x1xf32>
      %mul3A_462 = vector.broadcast %rsqrt3A : vector<1x1xf32> to vector<1x64xf32>
      %mul3A_463 = arith.mulf %sub3A_458, %mul3A_462 : vector<1x64xf32>
      %get3A_464 = arith.constant 0 : index
      %get3A_465 = arith.constant 0 : index
      %get3A_466 = vector.load %arg60[%get3A_464, %get3A_465] : memref<1x64xf32, #tpu.memory_space<vmem>>, vector<1x64xf32>
      %mul3A_467 = arith.mulf %mul3A_463, %get3A_466 : vector<1x64xf32>
      %get3A_468 = arith.constant 0 : index
      %get3A_469 = arith.constant 0 : index
      %get3A_470 = vector.load %arg61[%get3A_468, %get3A_469] : memref<1x64xf32, #tpu.memory_space<vmem>>, vector<1x64xf32>
      %add3A_471 = arith.addf %mul3A_467, %get3A_470 : vector<1x64xf32>
      %get3A_472 = arith.constant 0 : index
      %get3A_473 = arith.constant 0 : index
      %get3A_474 = vector.load %arg62[%get3A_472, %get3A_473] : memref<64x1024xf32, #tpu.memory_space<vmem>>, vector<64x1024xf32>
      %dot_general3A_475 = arith.constant dense<0.000000e+00> : vector<1x1024xf32>
      %dot_general3A_476 = tpu.matmul %add3A_471, %get3A_474, %dot_general3A_475 {dimension_numbers = #tpu.dot_dimension_numbers<[1], [0], [0], [1], [0, 0, 1, 1], [], []>, transpose_lhs_hint = false} : vector<1x64xf32>, vector<64x1024xf32>, vector<1x1024xf32> -> vector<1x1024xf32>
      %get3A_477 = arith.constant 0 : index
      %get3A_478 = arith.constant 0 : index
      %get3A_479 = vector.load %arg63[%get3A_477, %get3A_478] : memref<1x1024xf32, #tpu.memory_space<vmem>>, vector<1x1024xf32>
      %add3A_480 = arith.addf %dot_general3A_476, %get3A_479 : vector<1x1024xf32>
      %swap3A_481 = arith.constant 0 : index
      %swap3A_482 = arith.constant 0 : index
      %swap3A_483 = vector.load %arg64[%swap3A_481, %swap3A_482] : memref<1x1024xf32, #tpu.memory_space<vmem>>, vector<1x1024xf32>
      tpu.vector_store %arg64[%swap3A_481, %swap3A_482], %add3A_480 {strides = array<i32>} : memref<1x1024xf32, #tpu.memory_space<vmem>>, vector<1x1024xf32>,
    } else {
    }
    return
  }
  func.func @transform_0(%arg0: i32) -> (i32, i32) {
    %mul3A = arith.constant 2 : i32
    %mul3A_0 = arith.muli %mul3A, %arg0 : i32
    %c0_i32 = arith.constant 0 : i32
    %c0_i32_1 = arith.constant 0 : i32
    return %mul3A_0, %c0_i32 : i32, i32
  }
  func.func @transform_1(%arg0: i32) -> (i32, i32) {
    %mul3A = arith.constant 2 : i32
    %mul3A_0 = arith.muli %mul3A, %arg0 : i32
    %add3A = arith.constant 1 : i32
    %add3A_1 = arith.addi %mul3A_0, %add3A : i32
    %c0_i32 = arith.constant 0 : i32
    %c0_i32_2 = arith.constant 0 : i32
    return %add3A_1, %c0_i32 : i32, i32
  }
  func.func @transform_2(%arg0: i32) -> (i32, i32) {
    %c0_i32 = arith.constant 0 : i32
    %c0_i32_0 = arith.constant 0 : i32
    return %arg0, %c0_i32 : i32, i32
  }
  func.func @transform_3(%arg0: i32) -> (i32, i32) {
    %c0_i32 = arith.constant 0 : i32
    %c0_i32_0 = arith.constant 0 : i32
    return %arg0, %c0_i32 : i32, i32
  }
  func.func @transform_4(%arg0: i32) -> (i32, i32) {
    %c0_i32 = arith.constant 0 : i32
    %c0_i32_0 = arith.constant 0 : i32
    %c0_i32_1 = arith.constant 0 : i32
    return %c0_i32, %c0_i32_0 : i32, i32
  }
  func.func @transform_5(%arg0: i32) -> (i32, i32) {
    %c0_i32 = arith.constant 0 : i32
    %c0_i32_0 = arith.constant 0 : i32
    return %arg0, %c0_i32 : i32, i32
  }
  func.func @transform_6(%arg0: i32) -> (i32, i32) {
    %c0_i32 = arith.constant 0 : i32
    %c0_i32_0 = arith.constant 0 : i32
    %c0_i32_1 = arith.constant 0 : i32
    return %c0_i32, %c0_i32_0 : i32, i32
  }
  func.func @transform_7(%arg0: i32) -> (i32, i32) {
    %c0_i32 = arith.constant 0 : i32
    %c0_i32_0 = arith.constant 0 : i32
    %c0_i32_1 = arith.constant 0 : i32
    return %c0_i32, %c0_i32_0 : i32, i32
  }
  func.func @transform_8(%arg0: i32) -> (i32, i32) {
    %c0_i32 = arith.constant 0 : i32
    %c0_i32_0 = arith.constant 0 : i32
    %c0_i32_1 = arith.constant 0 : i32
    return %c0_i32, %c0_i32_0 : i32, i32
  }
  func.func @transform_9(%arg0: i32) -> (i32, i32) {
    %c0_i32 = arith.constant 0 : i32
    %c0_i32_0 = arith.constant 0 : i32
    %c0_i32_1 = arith.constant 0 : i32
    return %c0_i32, %c0_i32_0 : i32, i32
  }
  func.func @transform_10(%arg0: i32) -> (i32, i32) {
    %c0_i32 = arith.constant 0 : i32
    %c0_i32_0 = arith.constant 0 : i32
    %c0_i32_1 = arith.constant 0 : i32
    return %c0_i32, %c0_i32_0 : i32, i32
  }
  func.func @transform_11(%arg0: i32) -> (i32, i32) {
    %c0_i32 = arith.constant 0 : i32
    %c0_i32_0 = arith.constant 0 : i32
    %c0_i32_1 = arith.constant 0 : i32
    return %c0_i32, %c0_i32_0 : i32, i32
  }
  func.func @transform_12(%arg0: i32) -> (i32, i32) {
    %c0_i32 = arith.constant 0 : i32
    %c0_i32_0 = arith.constant 0 : i32
    %c0_i32_1 = arith.constant 0 : i32
    return %c0_i32, %c0_i32_0 : i32, i32
  }
  func.func @transform_13(%arg0: i32) -> (i32, i32) {
    %c0_i32 = arith.constant 0 : i32
    %c0_i32_0 = arith.constant 0 : i32
    %c0_i32_1 = arith.constant 0 : i32
    return %c0_i32, %c0_i32_0 : i32, i32
  }
  func.func @transform_14(%arg0: i32) -> (i32, i32) {
    %c0_i32 = arith.constant 0 : i32
    %c0_i32_0 = arith.constant 0 : i32
    %c0_i32_1 = arith.constant 0 : i32
    return %c0_i32, %c0_i32_0 : i32, i32
  }
  func.func @transform_15(%arg0: i32) -> (i32, i32) {
    %c0_i32 = arith.constant 0 : i32
    %c0_i32_0 = arith.constant 0 : i32
    %c0_i32_1 = arith.constant 0 : i32
    return %c0_i32, %c0_i32_0 : i32, i32
  }
  func.func @transform_16(%arg0: i32) -> (i32, i32) {
    %c0_i32 = arith.constant 0 : i32
    %c0_i32_0 = arith.constant 0 : i32
    %c0_i32_1 = arith.constant 0 : i32
    return %c0_i32, %c0_i32_0 : i32, i32
  }
  func.func @transform_17(%arg0: i32) -> (i32, i32) {
    %c0_i32 = arith.constant 0 : i32
    %c0_i32_0 = arith.constant 0 : i32
    %c0_i32_1 = arith.constant 0 : i32
    return %c0_i32, %c0_i32_0 : i32, i32
  }
  func.func @transform_18(%arg0: i32) -> (i32, i32) {
    %c0_i32 = arith.constant 0 : i32
    %c0_i32_0 = arith.constant 0 : i32
    %c0_i32_1 = arith.constant 0 : i32
    return %c0_i32, %c0_i32_0 : i32, i32
  }
  func.func @transform_19(%arg0: i32) -> (i32, i32) {
    %c0_i32 = arith.constant 0 : i32
    %c0_i32_0 = arith.constant 0 : i32
    %c0_i32_1 = arith.constant 0 : i32
    return %c0_i32, %c0_i32_0 : i32, i32
  }
  func.func @transform_20(%arg0: i32) -> (i32, i32) {
    %c0_i32 = arith.constant 0 : i32
    %c0_i32_0 = arith.constant 0 : i32
    %c0_i32_1 = arith.constant 0 : i32
    return %c0_i32, %c0_i32_0 : i32, i32
  }
  func.func @transform_21(%arg0: i32) -> (i32, i32) {
    %c0_i32 = arith.constant 0 : i32
    %c0_i32_0 = arith.constant 0 : i32
    %c0_i32_1 = arith.constant 0 : i32
    return %c0_i32, %c0_i32_0 : i32, i32
  }
  func.func @transform_22(%arg0: i32) -> (i32, i32) {
    %c0_i32 = arith.constant 0 : i32
    %c0_i32_0 = arith.constant 0 : i32
    %c0_i32_1 = arith.constant 0 : i32
    return %c0_i32, %c0_i32_0 : i32, i32
  }
  func.func @transform_23(%arg0: i32) -> (i32, i32) {
    %c0_i32 = arith.constant 0 : i32
    %c0_i32_0 = arith.constant 0 : i32
    %c0_i32_1 = arith.constant 0 : i32
    return %c0_i32, %c0_i32_0 : i32, i32
  }
  func.func @transform_24(%arg0: i32) -> (i32, i32) {
    %c0_i32 = arith.constant 0 : i32
    %c0_i32_0 = arith.constant 0 : i32
    %c0_i32_1 = arith.constant 0 : i32
    return %c0_i32, %c0_i32_0 : i32, i32
  }
  func.func @transform_25(%arg0: i32) -> (i32, i32) {
    %c0_i32 = arith.constant 0 : i32
    %c0_i32_0 = arith.constant 0 : i32
    %c0_i32_1 = arith.constant 0 : i32
    return %c0_i32, %c0_i32_0 : i32, i32
  }
  func.func @transform_26(%arg0: i32) -> (i32, i32) {
    %c0_i32 = arith.constant 0 : i32
    %c0_i32_0 = arith.constant 0 : i32
    %c0_i32_1 = arith.constant 0 : i32
    return %c0_i32, %c0_i32_0 : i32, i32
  }
  func.func @transform_27(%arg0: i32) -> (i32, i32) {
    %c0_i32 = arith.constant 0 : i32
    %c0_i32_0 = arith.constant 0 : i32
    %c0_i32_1 = arith.constant 0 : i32
    return %c0_i32, %c0_i32_0 : i32, i32
  }
  func.func @transform_28(%arg0: i32) -> (i32, i32) {
    %c0_i32 = arith.constant 0 : i32
    %c0_i32_0 = arith.constant 0 : i32
    %c0_i32_1 = arith.constant 0 : i32
    return %c0_i32, %c0_i32_0 : i32, i32
  }
  func.func @transform_29(%arg0: i32) -> (i32, i32) {
    %c0_i32 = arith.constant 0 : i32
    %c0_i32_0 = arith.constant 0 : i32
    %c0_i32_1 = arith.constant 0 : i32
    return %c0_i32, %c0_i32_0 : i32, i32
  }
  func.func @transform_30(%arg0: i32) -> (i32, i32) {
    %c0_i32 = arith.constant 0 : i32
    %c0_i32_0 = arith.constant 0 : i32
    %c0_i32_1 = arith.constant 0 : i32
    return %c0_i32, %c0_i32_0 : i32, i32
  }
  func.func @transform_31(%arg0: i32) -> (i32, i32) {
    %c0_i32 = arith.constant 0 : i32
    %c0_i32_0 = arith.constant 0 : i32
    %c0_i32_1 = arith.constant 0 : i32
    return %c0_i32, %c0_i32_0 : i32, i32
  }
  func.func @transform_32(%arg0: i32) -> (i32, i32) {
    %c0_i32 = arith.constant 0 : i32
    %c0_i32_0 = arith.constant 0 : i32
    %c0_i32_1 = arith.constant 0 : i32
    return %c0_i32, %c0_i32_0 : i32, i32
  }
  func.func @transform_33(%arg0: i32) -> (i32, i32) {
    %c0_i32 = arith.constant 0 : i32
    %c0_i32_0 = arith.constant 0 : i32
    %c0_i32_1 = arith.constant 0 : i32
    return %c0_i32, %c0_i32_0 : i32, i32
  }
  func.func @transform_34(%arg0: i32) -> (i32, i32) {
    %c0_i32 = arith.constant 0 : i32
    %c0_i32_0 = arith.constant 0 : i32
    %c0_i32_1 = arith.constant 0 : i32
    return %c0_i32, %c0_i32_0 : i32, i32
  }
  func.func @transform_35(%arg0: i32) -> (i32, i32) {
    %c0_i32 = arith.constant 0 : i32
    %c0_i32_0 = arith.constant 0 : i32
    %c0_i32_1 = arith.constant 0 : i32
    return %c0_i32, %c0_i32_0 : i32, i32
  }
  func.func @transform_36(%arg0: i32) -> (i32, i32) {
    %c0_i32 = arith.constant 0 : i32
    %c0_i32_0 = arith.constant 0 : i32
    %c0_i32_1 = arith.constant 0 : i32
    return %c0_i32, %c0_i32_0 : i32, i32
  }
  func.func @transform_37(%arg0: i32) -> (i32, i32) {
    %c0_i32 = arith.constant 0 : i32
    %c0_i32_0 = arith.constant 0 : i32
    %c0_i32_1 = arith.constant 0 : i32
    return %c0_i32, %c0_i32_0 : i32, i32
  }
  func.func @transform_38(%arg0: i32) -> (i32, i32) {
    %c0_i32 = arith.constant 0 : i32
    %c0_i32_0 = arith.constant 0 : i32
    %c0_i32_1 = arith.constant 0 : i32
    return %c0_i32, %c0_i32_0 : i32, i32
  }
  func.func @transform_39(%arg0: i32) -> (i32, i32) {
    %c0_i32 = arith.constant 0 : i32
    %c0_i32_0 = arith.constant 0 : i32
    %c0_i32_1 = arith.constant 0 : i32
    return %c0_i32, %c0_i32_0 : i32, i32
  }
  func.func @transform_40(%arg0: i32) -> (i32, i32) {
    %c0_i32 = arith.constant 0 : i32
    %c0_i32_0 = arith.constant 0 : i32
    %c0_i32_1 = arith.constant 0 : i32
    return %c0_i32, %c0_i32_0 : i32, i32
  }
  func.func @transform_41(%arg0: i32) -> (i32, i32) {
    %c0_i32 = arith.constant 0 : i32
    %c0_i32_0 = arith.constant 0 : i32
    %c0_i32_1 = arith.constant 0 : i32
    return %c0_i32, %c0_i32_0 : i32, i32
  }
  func.func @transform_42(%arg0: i32) -> (i32, i32) {
    %c0_i32 = arith.constant 0 : i32
    %c0_i32_0 = arith.constant 0 : i32
    %c0_i32_1 = arith.constant 0 : i32
    return %c0_i32, %c0_i32_0 : i32, i32
  }
  func.func @transform_43(%arg0: i32) -> (i32, i32) {
    %c0_i32 = arith.constant 0 : i32
    %c0_i32_0 = arith.constant 0 : i32
    %c0_i32_1 = arith.constant 0 : i32
    return %c0_i32, %c0_i32_0 : i32, i32
  }
  func.func @transform_44(%arg0: i32) -> (i32, i32) {
    %c0_i32 = arith.constant 0 : i32
    %c0_i32_0 = arith.constant 0 : i32
    %c0_i32_1 = arith.constant 0 : i32
    return %c0_i32, %c0_i32_0 : i32, i32
  }
  func.func @transform_45(%arg0: i32) -> (i32, i32) {
    %c0_i32 = arith.constant 0 : i32
    %c0_i32_0 = arith.constant 0 : i32
    %c0_i32_1 = arith.constant 0 : i32
    return %c0_i32, %c0_i32_0 : i32, i32
  }
  func.func @transform_46(%arg0: i32) -> (i32, i32) {
    %c0_i32 = arith.constant 0 : i32
    %c0_i32_0 = arith.constant 0 : i32
    %c0_i32_1 = arith.constant 0 : i32
    return %c0_i32, %c0_i32_0 : i32, i32
  }
  func.func @transform_47(%arg0: i32) -> (i32, i32) {
    %c0_i32 = arith.constant 0 : i32
    %c0_i32_0 = arith.constant 0 : i32
    %c0_i32_1 = arith.constant 0 : i32
    return %c0_i32, %c0_i32_0 : i32, i32
  }
  func.func @transform_48(%arg0: i32) -> (i32, i32) {
    %c0_i32 = arith.constant 0 : i32
    %c0_i32_0 = arith.constant 0 : i32
    %c0_i32_1 = arith.constant 0 : i32
    return %c0_i32, %c0_i32_0 : i32, i32
  }
  func.func @transform_49(%arg0: i32) -> (i32, i32) {
    %c0_i32 = arith.constant 0 : i32
    %c0_i32_0 = arith.constant 0 : i32
    %c0_i32_1 = arith.constant 0 : i32
    return %c0_i32, %c0_i32_0 : i32, i32
  }
  func.func @transform_50(%arg0: i32) -> (i32, i32) {
    %c0_i32 = arith.constant 0 : i32
    %c0_i32_0 = arith.constant 0 : i32
    %c0_i32_1 = arith.constant 0 : i32
    return %c0_i32, %c0_i32_0 : i32, i32
  }
  func.func @transform_51(%arg0: i32) -> (i32, i32) {
    %c0_i32 = arith.constant 0 : i32
    %c0_i32_0 = arith.constant 0 : i32
    %c0_i32_1 = arith.constant 0 : i32
    return %c0_i32, %c0_i32_0 : i32, i32
  }
  func.func @transform_52(%arg0: i32) -> (i32, i32) {
    %c0_i32 = arith.constant 0 : i32
    %c0_i32_0 = arith.constant 0 : i32
    %c0_i32_1 = arith.constant 0 : i32
    return %c0_i32, %c0_i32_0 : i32, i32
  }
  func.func @transform_53(%arg0: i32) -> (i32, i32) {
    %c0_i32 = arith.constant 0 : i32
    %c0_i32_0 = arith.constant 0 : i32
    %c0_i32_1 = arith.constant 0 : i32
    return %c0_i32, %c0_i32_0 : i32, i32
  }
  func.func @transform_54(%arg0: i32) -> (i32, i32) {
    %c0_i32 = arith.constant 0 : i32
    %c0_i32_0 = arith.constant 0 : i32
    %c0_i32_1 = arith.constant 0 : i32
    return %c0_i32, %c0_i32_0 : i32, i32
  }
  func.func @transform_55(%arg0: i32) -> (i32, i32) {
    %c0_i32 = arith.constant 0 : i32
    %c0_i32_0 = arith.constant 0 : i32
    %c0_i32_1 = arith.constant 0 : i32
    return %c0_i32, %c0_i32_0 : i32, i32
  }
  func.func @transform_56(%arg0: i32) -> (i32, i32) {
    %c0_i32 = arith.constant 0 : i32
    %c0_i32_0 = arith.constant 0 : i32
    %c0_i32_1 = arith.constant 0 : i32
    return %c0_i32, %c0_i32_0 : i32, i32
  }
  func.func @transform_57(%arg0: i32) -> (i32, i32) {
    %c0_i32 = arith.constant 0 : i32
    %c0_i32_0 = arith.constant 0 : i32
    %c0_i32_1 = arith.constant 0 : i32
    return %c0_i32, %c0_i32_0 : i32, i32
  }
  func.func @transform_58(%arg0: i32) -> (i32, i32) {
    %c0_i32 = arith.constant 0 : i32
    %c0_i32_0 = arith.constant 0 : i32
    %c0_i32_1 = arith.constant 0 : i32
    return %c0_i32, %c0_i32_0 : i32, i32
  }
  func.func @transform_59(%arg0: i32) -> (i32, i32) {
    %c0_i32 = arith.constant 0 : i32
    %c0_i32_0 = arith.constant 0 : i32
    %c0_i32_1 = arith.constant 0 : i32
    return %c0_i32, %c0_i32_0 : i32, i32
  }
  func.func @transform_60(%arg0: i32) -> (i32, i32) {
    %c0_i32 = arith.constant 0 : i32
    %c0_i32_0 = arith.constant 0 : i32
    %c0_i32_1 = arith.constant 0 : i32
    return %c0_i32, %c0_i32_0 : i32, i32
  }
  func.func @transform_61(%arg0: i32) -> (i32, i32) {
    %c0_i32 = arith.constant 0 : i32
    %c0_i32_0 = arith.constant 0 : i32
    %c0_i32_1 = arith.constant 0 : i32
    return %c0_i32, %c0_i32_0 : i32, i32
  }
  func.func @transform_62(%arg0: i32) -> (i32, i32) {
    %c0_i32 = arith.constant 0 : i32
    %c0_i32_0 = arith.constant 0 : i32
    %c0_i32_1 = arith.constant 0 : i32
    return %c0_i32, %c0_i32_0 : i32, i32
  }
  func.func @transform_63(%arg0: i32) -> (i32, i32) {
    %c0_i32 = arith.constant 0 : i32
    %c0_i32_0 = arith.constant 0 : i32
    %c0_i32_1 = arith.constant 0 : i32
    return %c0_i32, %c0_i32_0 : i32, i32
  }
}

</mosaic_0001>

<sc_bundles>
// kernel: kernel.4.cloned.1.call-start
scs
__scs_entry_jumppad:
0x0: {  	(pc) =	sbr.rel $0x88, $3  }
0x1: {  	(tag) =	ssettag $0x0;
	lr =	simm.s32 $0x1  }
0x2: {  	[smem:$0x3F68] =	sst lr;
	_ =	strace $0xD0000000  }
0x3: {  	_ = 	snop  }
0x4: {  	_ = 	snop  }
0x5: {  	_ = 	snop  }
0x6: {  	_ = 	snop  }
0x7: {  	_ = 	snop  }
__scs_overlays_trampoline_lowered:
0x8: {  	[smem:$0x3F77] =	sst s0  }
0x9: {  	[smem:$0x3F78] =	sst s1  }
0xa: {  	[smem:$0x3F79] =	sst s2  }
0xb: {  	[smem:$0x3F7A] =	sst s3  }
0xc: {  	[smem:$0x3F7B] =	sst s4  }
0xd: {  	[smem:$0x3F7C] =	sst s5  }
0xe: {  	[smem:$0x3F7D] =	sst s6  }
0xf: {  	[smem:$0x3F7E] =	sst s7  }
0x10: {  	[smem:$0x3F7F] =	sst s8  }
0x11: {  	[smem:$0x3F80] =	sst s9;
	s0 =	simm.s32 @!p0 $0x0  }
0x12: {  	s1 =	sld [smem:$0x3F66];
	s0 =	simm.s32 @p0 $0x1  }
0x13: {  	[smem:$0x3F81] =	sst s0;
	s0 =	simm.s32 @!p1 $0x0  }
0x14: {  	s2 =	sld [smem:$0x3F65];
	s0 =	simm.s32 @p1 $0x1  }
0x15: {  	[smem:$0x3F82] =	sst s0;
	s0 =	simm.s32 @!p2 $0x0  }
0x16: {  	s3 =	sld [smem:$0x3FDB];
	s0 =	simm.s32 @p2 $0x1  }
0x17: {  	s4 =	simm.s32 $0x1BF5;
	[smem:$0x3F84] =	sst s0  }
0x18: {  	s0 =	sld [smem:$0x3F67];
	_ =	swait.ge [sflag:s4], $0x0  }
0x19: {  	s7 =	sld [smem:$0x3F68]  }
0x1a: {  	s8 =	sadd.s32 $0xFFFFE003, lr  }
0x1b: {  	s9 =	sadd.s32 $0xFFFFFEF7, lr;
	s5 =	simm.s32 $0xFFFFFFFF;
	p2 =	slt.u32 s8, $0xFFFFF086  }
0x1c: {  	p1 =	slt.u32 s9, $0xF7A;
	s5 =	simm.s32 @!p2 $0x0  }
0x1d: {  	s5 =	simm.s32 @p1 $0x1;
	p0 =	seq.s32 s7, s2  }
0x1e: {  	s7 =	smul.u32 @!p0 $0xF7A, s2;
	p2 =	seq.s32 @!p0 s5, $0x0  }
0x1f: {  	s9 =	smul.u32 $0xF7A, s1;
	s8 =	simm.s32 @!p0 $0x1BF5;
	p2 =	por !p2, p0  }
0x20: {  	[sflag:s8] =	ssyncset.s32 @!p0 $0xFFFFF086;
	s6 =	sadd.s32 @!p0 s3, s7;
	s7 =	simm.s32 @!p0 $0x108  }
0x21: {  	s3 =	sadd.s32 s3, s9;
	s6 =	sadd.s32 @!p0 $0x88, s6;
	s7 =	simm.s32 @p2 $0x1082  }
0x22: {  	[simem:s7], [sflag:s8] =	dma.local @!p0 [hbm:s6], $0xF7A  }
0x23: {  	s9 =	sor.u32 $0xD0000000, s2;
	s6 =	simm.s32 $0x108;
	_ =	swait.ge @!p0 [sflag:s8], $0x0  }
0x24: {  	s3 =	sadd.s32 $0x88, s3;
	s6 =	simm.s32 @!p1 $0x1082;
	[sflag:s4] =	ssyncset.s32 $0xFFFFF086  }
0x25: {  	[simem:s6], [sflag:s4] =	dma.local [hbm:s3], $0xF7A  }
0x26: {  	[smem:$0x3F68] =	sst s1;
	(tag) =	ssettag s2;
	_ =	strace s9  }
0x27: {  	s1 =	sld [smem:$0x3F78]  }
0x28: {  	s2 =	sld [smem:$0x3F79]  }
0x29: {  	s4 =	sld [smem:$0x3F7B]  }
0x2a: {  	p0 =	seq.s32 s5, $0x0;
	s5 =	sld [smem:$0x3F7C]  }
0x2b: {  	s6 =	sld [smem:$0x3F7D]  }
0x2c: {  	s7 =	sld [smem:$0x3F7E]  }
0x2d: {  	s3 =	simm.s32 $0x108;
	s8 =	sld [smem:$0x3F7F]  }
0x2e: {  	s3 =	simm.s32 @!p0 $0x1082;
	s9 =	sld [smem:$0x3F80]  }
0x2f: {  	lr =	sadd.s32 s0, s3;
	s0 =	sld [smem:$0x3F77]  }
0x30: {  	s3 =	sld [smem:$0x3F7A]  }
0x31: {  	[smem:$0x3F83] =	sst s10  }
0x32: {  	s10 =	sld [smem:$0x3F81];
	_ =	sdelay $0x3  }
0x33: {  	p0 =	seq.s32 s10, $0x1;
	s10 =	sld [smem:$0x3F83];
	_ =	sdelay $0x3  }
0x34: {  	[smem:$0x3F83] =	sst s10  }
0x35: {  	s10 =	sld [smem:$0x3F82];
	_ =	sdelay $0x3  }
0x36: {  	p1 =	seq.s32 s10, $0x1;
	s10 =	sld [smem:$0x3F83];
	_ =	sdelay $0x3  }
0x37: {  	[smem:$0x3F83] =	sst s10  }
0x38: {  	s10 =	sld [smem:$0x3F84]  }
0x39: {  	_ = 	snop;
	(pc) =	sbr.ind lr, $3  }
0x3a: {  	_ = 	snop  }
0x3b: {  	_ = 	snop  }
0x3c: {  	p2 =	seq.s32 s10, $0x1;
	s10 =	sld [smem:$0x3F83]  }
0x3d: {  	_ =	shalt  }
0x3e: {  	_ =	shalt  }
0x3f: {  	_ =	shalt  }
0x40: {  	_ =	shalt  }
0x41: {  	_ =	shalt  }
0x42: {  	_ =	shalt  }
0x43: {  	_ =	shalt  }
0x44: {  	_ =	shalt  }
0x45: {  	_ =	shalt  }
0x46: {  	_ =	shalt  }
0x47: {  	_ =	shalt  }
0x48: {  	_ =	shalt  }
0x49: {  	_ =	shalt  }
0x4a: {  	_ =	shalt  }
0x4b: {  	_ =	shalt  }
0x4c: {  	_ =	shalt  }
0x4d: {  	_ =	shalt  }
0x4e: {  	_ =	shalt  }
0x4f: {  	_ =	shalt  }
0x50: {  	_ =	shalt  }
0x51: {  	_ =	shalt  }
0x52: {  	_ =	shalt  }
0x53: {  	_ =	shalt  }
0x54: {  	_ =	shalt  }
0x55: {  	_ =	shalt  }
0x56: {  	_ =	shalt  }
0x57: {  	_ =	shalt  }
0x58: {  	_ =	shalt  }
0x59: {  	_ =	shalt  }
0x5a: {  	_ =	shalt  }
0x5b: {  	_ =	shalt  }
0x5c: {  	_ =	shalt  }
0x5d: {  	_ =	shalt  }
0x5e: {  	_ =	shalt  }
0x5f: {  	_ =	shalt  }
0x60: {  	_ =	shalt  }
0x61: {  	_ =	shalt  }
0x62: {  	_ =	shalt  }
0x63: {  	_ =	shalt  }
0x64: {  	_ =	shalt  }
0x65: {  	_ =	shalt  }
0x66: {  	_ =	shalt  }
0x67: {  	_ =	shalt  }
0x68: {  	_ =	shalt  }
0x69: {  	_ =	shalt  }
0x6a: {  	_ =	shalt  }
0x6b: {  	_ =	shalt  }
0x6c: {  	_ =	shalt  }
0x6d: {  	_ =	shalt  }
0x6e: {  	_ =	shalt  }
0x6f: {  	_ =	shalt  }
0x70: {  	_ =	shalt  }
0x71: {  	_ =	shalt  }
0x72: {  	_ =	shalt  }
0x73: {  	_ =	shalt  }
0x74: {  	_ =	shalt  }
0x75: {  	_ =	shalt  }
0x76: {  	_ =	shalt  }
0x77: {  	_ =	shalt  }
0x78: {  	_ =	shalt  }
0x79: {  	_ =	shalt  }
0x7a: {  	_ =	shalt  }
0x7b: {  	_ =	shalt  }
0x7c: {  	_ =	shalt  }
0x7d: {  	_ =	shalt  }
0x7e: {  	_ =	shalt  }
0x7f: {  	_ =	shalt  }
0x80: {  	_ =	shalt  }
0x81: {  	_ =	shalt  }
0x82: {  	_ =	shalt  }
0x83: {  	_ =	shalt  }
0x84: {  	_ =	shalt  }
0x85: {  	_ =	shalt  }
0x86: {  	_ =	shalt  }
0x87: {  	_ =	shalt  }
.Lfunc_end0:
.L_simem_size_0:
called_computation_lowered:
.L_overlay_start_0:
0x88: {  	s2 =	sld [smem:$0x3FD9]  }
0x89: {  	s3 =	sld [smem:$0x3FFE];
	_ =	sdelay $0x1  }
0x8a: {  	s1 =	srdreg.scid  }
0x8b: {  	s0 =	sand.u32 $0x1, s1  }
0x8c: {  	s16 =	sshll.u32 s0, $0xA;
	s2 =	sadd.s32 s3, s2  }
0x8d: {  	s2 =	sadd.s32 s2, s16  }
0x8e: {  	[smem:$0x3F8F] =	sst s2  }
0x8f: {  	_ = 	snop  }
0x90: {  	(tm) =	ssettm $0x1  }
0x91: {  	s17 =	sld [smem:$0x3FFB];
	_ =	sdelay $0x3  }
0x92: {  	_ =	strace s17  }
0x93: {  	s2 =	sld [smem:$0x3FFC];
	_ =	sdelay $0x3  }
0x94: {  	_ =	strace s2  }
0x95: {  	s2 =	sld [smem:$0x3FFD];
	_ =	sdelay $0x3  }
0x96: {  	_ =	strace s2  }
0x97: {  	_ =	strace $0x8FFFFFFF  }
0x98: {  	s18 =	sld [smem:$0x3FDB];
	_ =	sdelay $0x1  }
0x99: {  	s19 =	simm.s32 $_scs_section_size  }
0x9a: {  	s4 =	simm.s32 $_size__tile_overlayer_lowered;
	s5 =	simm.s32 $_tile_overlayer_lowered  }
0x9b: {  	s22 =	simm.s32 $0x1BFF;
	s21 =	sshll.u32 s5, $0x1;
	s2 =	sadd.s32 s19, s18  }
0x9c: {  	s6 =	simm.s32 $0x0;
	s20 =	sshll.u32 s4, $0x1;
	s4 =	sadd.s32 s21, s2  }
0x9d: {  	[timem:s6], [sflag:s22] =	dma.local [hbm:s4], s20  }
0x9e: {  	_ =	swait.ge [sflag:s22], s20  }
0x9f: {  	s3 =	ssub.s32 $0x0, s20;
	[sflag:s22] =	ssyncset.done $0x0  }
0xa0: {  	[sflag:s22] =	ssyncadd.s32 s3;
	_ =	sdelay $0x1  }
0xa1: {  	s23 =	simm.s32 $0x1B8B  }
0xa2: {  	_ =	swait.ge [sflag:s23], $0x1  }
0xa3: {  	[sflag:s23] =	ssyncset.done $0x0  }
0xa4: {  	s25 =	simm.s32 $0x1B8E;
	s24 =	sld [smem:$0x3FFE];
	[sflag:s23] =	ssyncadd.s32 $0xFFFFFFFF  }
0xa5: {  	s26 =	simm.s32 $execute0_lowered;
	[smem:$0x3FD2] =	sst s25  }
0xa6: {  	s4 =	sshll.u32 s26, $0x1;
	_ =	strace $0x80000046;
	[dreg:$0x1] =	wrdreg $0xFFFFFFFF  }
0xa7: {  	s28 =	simm.s32 $_size_execute0_lowered;
	s2 =	sadd.s32 s2, s4;
	[dreg:$0x0] =	wrdreg $0x0  }
0xa8: {  	s4 =	sshll.u32 s28, $0x1;
	[dreg:$0x2] =	wrdreg s2  }
0xa9: {  	[dreg:$0x3] =	wrdreg s4  }
0xaa: {  	[dreg:$0x4] =	wrdreg $0xC0  }
0xab: {  	_ =	task [dreg:s6], $0x5FFFF  }
0xac: {  	[dreg:$0x1] =	wrdreg $0xFFFFFFFF  }
0xad: {  	[dreg:$0x0] =	wrdreg $0x60  }
0xae: {  	[dreg:$0x2] =	wrdreg s24  }
0xaf: {  	[dreg:$0x3] =	wrdreg $0x12D000  }
0xb0: {  	[dreg:$0x4] =	wrdreg $0x9  }
0xb1: {  	_ =	task.clear_ibuf [dreg:s6], $0x5FFFF;
	_ =	strace $0x90000046  }
0xb2: {  	s29 =	simm.s32 $0x9;
	_ =	strace $0x80000048  }
0xb3: {  	_ =	swait.ge [sflag:s29], $0x1  }
0xb4: {  	[sflag:s29] =	ssyncadd.s32 $0xFFFFFFFF  }
0xb5: {  	_ =	strace $0x90000048  }
0xb6: {  	_ =	sfence  }
0xb7: {  	s30 =	sld [smem:$0x0];
	_ =	sdelay $0x2  }
0xb8: {  	s31 =	sshll.u32 s1, $0xD;
	s1 =	sshrl.u32 s1, $0x2  }
0xb9: {  	s3 =	sand.u32 $0x4000, s31;
	s1 =	sadd.s32 s1, s30  }
0xba: {  	s0 =	sor.u32 s3, s0;
	s1 =	sshll.u32 s1, $0x11  }
0xbb: {  	s0 =	sor.u32 s1, s0  }
0xbc: {  	s0 =	sadd.s32 $0x8F2B, s0  }
0xbd: {  	[sflag:s0] =	ssyncadd.remote.s32 $0x1  }
0xbe: {  	_ =	sfence.sel $0xFFFF  }
0xbf: {  	[dreg:$0x0] =	wrdreg $0xFFFFFFFF;
	(pc) =	sbr.abs _section_cstart, $3  }
0xc0: {  	[dreg:$0x1] =	wrdreg $0xFFFFFFFF  }
0xc1: {  	_ =	task.clear_ibuf [dreg:s6], $0x2FFFF;
	_ =	strace $0x9FFFFFFF  }
0xc2: {  	(tm) =	ssettm $0x7FFFFFFF  }
0xc3: {  	_ =	shalt  }
tec
execute0_lowered:
.L_overlay_start_1:
0x0: {  	(tag) =	ssettag $0x1  }
0x1: {  	s3 =	rddreg [dreg:$0x0]  }
0x2: {  	s5 =	rddreg [dreg:$0x1];
	s2 =	srdreg.scid  }
0x3: {  	s1 =	stileid.u32;
	s0 =	rddreg [dreg:$0x2];
	s12 =	simm.s32 $0x6200  }
0x4: {  	s13 =	simm.s32 $0x2;
	s14 =	simm.s32 $0x12600;
	s15 =	simm.s32 $0x12980  }
0x5: {  	s16 =	simm.s32 $0x9300;
	s17 =	simm.s32 $0xF500;
	s6 =	smul.u32 $0x310, s1  }
0x6: {  	s18 =	simm.s32 $0x0;
	s4 =	sand.u32 $0x1, s2;
	s9 =	smul.u32 $0xC400, s1  }
0x7: {  	s2 =	simm.s32 $0x0;
	s7 =	sshll.u32 s4, $0x4;
	s8 =	smul.u32 $0xC400, s4  }
0x8: {  	[smem:$0x7FF] =	sst s2;
	s4 =	ssub.s32 $0x2, s4;
	s7 =	sor.u32 s1, s7  }
0x9: {  	_ =	strace $0x80000047;
	s30 =	sshrl.u32 s4, $0x1;
	s7 =	smul.u32 $0xC40, s7  }
0xa: {  	s31 =	sshrl.u32 s9, $0x2;
	s8 =	sadd.s32 s6, s8;
	s11 =	ssub.s32 s4, s30  }
0xb: {  	s4 =	sadd.s32 s31, s5;
	s8 =	sshrl.u32 s8, $0x3;
	s7 =	sadd.s32 s7, s3  }
0xc: {  	s5 =	sadd.s32 s6, s5;
	s10 =	sadd.s32 s8, s3;
	s3 =	sadd.s32 $0x6A00, s7  }
0xd: {  	s6 =	sadd.s32 $0x1F200, s10;
	s7 =	sadd.s32 $0x1F820, s10;
	s8 =	sadd.s32 $0x1FE40, s10  }
0xe: {  	v0 =	vimm.f32 $0.0e+00;
	v1 =	vimm.f32 $1.000000000e+00;
	s9 =	sadd.s32 $0x20460, s10;
	s10 =	smax.u32 s11, $0x1;
	s11 =	simm.s32 $0x1  }
.LBB2_1:
0xf: {  	[tilespmem:s2], [sflag:$0x1] =	stream.linear.gather [hbm4b:s3+s2], $0x6200, $0x38;
	[tilespmem:$0x15E00] =	vst v63  }
0x10: {  	s19 =	simm.s32 $0x0;
	s20 =	simm.s32 $0x200  }
.LBB2_2:
0x11: {  	p0 =	sne.s32 s20, $0x30E00;
	[tilespmem:s19+$0x6270] =	vst v0  }
0x12: {  	[tilespmem:s19+$0x6200] =	vst v0  }
0x13: {  	[tilespmem:s19+$0x6210] =	vst v0  }
.Ltmp0:
0x14: {  	[tilespmem:s19+$0x6220] =	vst v0;
	(pc) =	sbr.rel @p0 .LBB2_2-.Ltmp0, $4  }
0x15: {  	[tilespmem:s19+$0x6230] =	vst v0  }
0x16: {  	[tilespmem:s19+$0x6240] =	vst v0  }
0x17: {  	[tilespmem:s19+$0x6250] =	vst v0  }
0x18: {  	[tilespmem:s19+$0x6260] =	vst v0;
	s19 =	sshra.s32 s20, $0x2;
	s20 =	sadd.s32 $0x200, s20  }
0x19: {  	[tilespmem:s19+$0x6270] =	vst v0  }
0x1a: {  	[tilespmem:s19+$0x6200] =	vst v0  }
0x1b: {  	[tilespmem:s19+$0x6210] =	vst v0  }
0x1c: {  	[tilespmem:s19+$0x6220] =	vst v0  }
0x1d: {  	[tilespmem:s19+$0x6230] =	vst v0  }
0x1e: {  	[tilespmem:s19+$0x6240] =	vst v0  }
0x1f: {  	[tilespmem:s19+$0x6250] =	vst v0  }
0x20: {  	[tilespmem:s19+$0x6260] =	vst v0  }
0x21: {  	_ =	swait.ge [sflag:s11], $0x6200  }
0x22: {  	[sflag:s11] =	ssyncset.done $0x0  }
0x23: {  	s19 =	simm.s32 $0x0;
	[sflag:s11] =	ssyncadd.s32 $0xFFFF9E00  }
.LBB2_4:
0x24: {  	s20 =	sshra.s32 s19, $0x2  }
0x25: {  	v2 =	vld [tilespmem:s20+$0x0];
	_ =	sdelay $0x7  }
0x26: {  	[tilespmem:v2+s12+$0x0] =	vst.idx.add.f32.msk $0xffff, v1  }
0x27: {  	v2 =	vld [tilespmem:s20+$0x10];
	_ =	sdelay $0x7  }
0x28: {  	[tilespmem:v2+s12+$0x0] =	vst.idx.add.f32.msk $0xffff, v1  }
0x29: {  	v2 =	vld [tilespmem:s20+$0x20];
	_ =	sdelay $0x7  }
0x2a: {  	[tilespmem:v2+s12+$0x0] =	vst.idx.add.f32.msk $0xffff, v1  }
0x2b: {  	v2 =	vld [tilespmem:s20+$0x30];
	_ =	sdelay $0x7  }
0x2c: {  	[tilespmem:v2+s12+$0x0] =	vst.idx.add.f32.msk $0xffff, v1  }
0x2d: {  	v2 =	vld [tilespmem:s20+$0x40];
	_ =	sdelay $0x7  }
0x2e: {  	[tilespmem:v2+s12+$0x0] =	vst.idx.add.f32.msk $0xffff, v1  }
0x2f: {  	v2 =	vld [tilespmem:s20+$0x50];
	_ =	sdelay $0x7  }
0x30: {  	[tilespmem:v2+s12+$0x0] =	vst.idx.add.f32.msk $0xffff, v1  }
0x31: {  	v2 =	vld [tilespmem:s20+$0x60];
	_ =	sdelay $0x7  }
0x32: {  	[tilespmem:v2+s12+$0x0] =	vst.idx.add.f32.msk $0xffff, v1  }
0x33: {  	v2 =	vld [tilespmem:s20+$0x70];
	_ =	sdelay $0x2  }
0x34: {  	p0 =	sne.s32 s19, $0x18600  }
.Ltmp1:
0x35: {  	_ = 	snop;
	(pc) =	sbr.rel @p0 .LBB2_4-.Ltmp1, $2  }
0x36: {  	_ =	sdelay $0x2  }
0x37: {  	s19 =	sadd.s32 $0x200, s19;
	[tilespmem:v2+s12+$0x0] =	vst.idx.add.f32.msk $0xffff, v1  }
0x38: {  	[spmem:s4] =	stream.linear.scatter [tilespmem:s12], [sflag:$0x2], $0x3100, $0x38;
	[tilespmem:$0x15E00] =	vst v63  }
0x39: {  	_ =	swait.ge [sflag:s13], $0x3100  }
0x3a: {  	[sflag:s13] =	ssyncset.done $0x0  }
0x3b: {  	[sflag:s13] =	ssyncadd.s32 $0xFFFFCF00  }
0x3c: {  	[bflag:$0x0] =	sbarrier.arrive $0xFFFF  }
0x3d: {  	[tilespmem:s14], [sflag:$0x2] =	stream.linear.gather [spmem:s5], $0x310, $0x38;
	[tilespmem:$0x15E00] =	vst v63  }
0x3e: {  	_ =	swait.ge [sflag:s13], $0x310  }
0x3f: {  	[sflag:s13] =	ssyncset.done $0x0  }
0x40: {  	s19 =	simm.s32 $0xC400;
	[sflag:s13] =	ssyncadd.s32 $0xFFFFFCF0  }
.LBB2_6:
0x41: {  	s20 =	sshra.s32 s19, $0x2  }
0x42: {  	s20 =	sadd.s32 s20, s5  }
0x43: {  	[tilespmem:s15], [sflag:$0x2] =	stream.linear.gather [spmem:s20], $0x310, $0x38;
	[tilespmem:$0x15E00] =	vst v63  }
0x44: {  	_ =	swait.ge [sflag:s13], $0x310  }
0x45: {  	[sflag:s13] =	ssyncset.done $0x0  }
0x46: {  	[sflag:s13] =	ssyncadd.s32 $0xFFFFFCF0  }
0x47: {  	v2 =	vld [tilespmem:$0x12600]  }
0x48: {  	v3 =	vld [tilespmem:$0x12980]  }
0x49: {  	v4 =	vld [tilespmem:$0x12610]  }
0x4a: {  	v5 =	vld [tilespmem:$0x12990]  }
0x4b: {  	v6 =	vld [tilespmem:$0x12620]  }
0x4c: {  	v7 =	vld [tilespmem:$0x129A0]  }
0x4d: {  	v8 =	vld [tilespmem:$0x12630]  }
0x4e: {  	v9 =	vld [tilespmem:$0x129B0]  }
0x4f: {  	v10 =	vld [tilespmem:$0x12640]  }
0x50: {  	v11 =	vld [tilespmem:$0x129C0]  }
0x51: {  	v12 =	vld [tilespmem:$0x12650]  }
0x52: {  	v13 =	vld [tilespmem:$0x129D0]  }
0x53: {  	v14 =	vld [tilespmem:$0x12660]  }
0x54: {  	v15 =	vld [tilespmem:$0x129E0]  }
0x55: {  	v16 =	vld [tilespmem:$0x12670]  }
0x56: {  	v17 =	vld [tilespmem:$0x129F0]  }
0x57: {  	v18 =	vld [tilespmem:$0x12680]  }
0x58: {  	v19 =	vld [tilespmem:$0x12A00]  }
0x59: {  	v20 =	vld [tilespmem:$0x12690]  }
0x5a: {  	v21 =	vld [tilespmem:$0x12A10]  }
0x5b: {  	v22 =	vld [tilespmem:$0x126A0]  }
0x5c: {  	v23 =	vld [tilespmem:$0x12A20]  }
0x5d: {  	v24 =	vld [tilespmem:$0x126B0]  }
0x5e: {  	v25 =	vld [tilespmem:$0x12A30]  }
0x5f: {  	v26 =	vld [tilespmem:$0x126C0]  }
0x60: {  	v27 =	vld [tilespmem:$0x12A40]  }
0x61: {  	v28 =	vld [tilespmem:$0x126D0]  }
0x62: {  	v29 =	vld [tilespmem:$0x12A50]  }
0x63: {  	v30 =	vld [tilespmem:$0x126E0]  }
0x64: {  	v31 =	vld [tilespmem:$0x12A60]  }
0x65: {  	v32 =	vld [tilespmem:$0x126F0]  }
0x66: {  	v33 =	vld [tilespmem:$0x12A70]  }
0x67: {  	v34 =	vld [tilespmem:$0x12700]  }
0x68: {  	v35 =	vld [tilespmem:$0x12A80]  }
0x69: {  	v36 =	vld [tilespmem:$0x12710]  }
0x6a: {  	v37 =	vld [tilespmem:$0x12A90]  }
0x6b: {  	v38 =	vld [tilespmem:$0x12720]  }
0x6c: {  	v39 =	vld [tilespmem:$0x12AA0]  }
0x6d: {  	v40 =	vld [tilespmem:$0x12730]  }
0x6e: {  	v41 =	vld [tilespmem:$0x12AB0]  }
0x6f: {  	v42 =	vld [tilespmem:$0x12740]  }
0x70: {  	v43 =	vld [tilespmem:$0x12AC0]  }
0x71: {  	v44 =	vld [tilespmem:$0x12750]  }
0x72: {  	v45 =	vld [tilespmem:$0x12AD0]  }
0x73: {  	v46 =	vld [tilespmem:$0x12760]  }
0x74: {  	v47 =	vld [tilespmem:$0x12AE0]  }
0x75: {  	v48 =	vld [tilespmem:$0x12770]  }
0x76: {  	v49 =	vld [tilespmem:$0x12AF0]  }
0x77: {  	v50 =	vld [tilespmem:$0x12780]  }
0x78: {  	v51 =	vld [tilespmem:$0x12B00]  }
0x79: {  	v52 =	vld [tilespmem:$0x12790]  }
0x7a: {  	v53 =	vld [tilespmem:$0x12B10]  }
0x7b: {  	v54 =	vld [tilespmem:$0x127A0]  }
0x7c: {  	v55 =	vld [tilespmem:$0x12B20]  }
0x7d: {  	v56 =	vld [tilespmem:$0x12B80];
	v2 =	vadd.f32 v3, v2  }
0x7e: {  	v57 =	vld [tilespmem:$0x12810];
	v4 =	vadd.f32 v5, v4  }
0x7f: {  	v59 =	vld [tilespmem:$0x12B90];
	[tilespmem:$0x12600] =	vst v2;
	v2 =	vadd.f32 v7, v6  }
0x80: {  	v60 =	vld [tilespmem:$0x12820];
	v63 =	vadd.f32 v9, v8;
	[tilespmem:$0x12610] =	vst v4  }
0x81: {  	v62 =	vld [tilespmem:$0x12BA0];
	[tilespmem:$0x12620] =	vst v2;
	v2 =	vadd.f32 v11, v10  }
0x82: {  	v3 =	vld [tilespmem:$0x127B0];
	v13 =	vadd.f32 v13, v12;
	[tilespmem:$0x12630] =	vst v63  }
0x83: {  	v5 =	vld [tilespmem:$0x12B30];
	[tilespmem:$0x12640] =	vst v2;
	v2 =	vadd.f32 v15, v14  }
0x84: {  	v8 =	vld [tilespmem:$0x127D0];
	v17 =	vadd.f32 v17, v16;
	[tilespmem:$0x12650] =	vst v13  }
0x85: {  	v9 =	vld [tilespmem:$0x12B50];
	[tilespmem:$0x12660] =	vst v2;
	v2 =	vadd.f32 v19, v18  }
0x86: {  	v12 =	vld [tilespmem:$0x127F0];
	v21 =	vadd.f32 v21, v20;
	[tilespmem:$0x12670] =	vst v17  }
0x87: {  	v61 =	vadd.f32 v33, v32;
	v33 =	vld [tilespmem:$0x12BB0];
	[tilespmem:$0x12680] =	vst v2;
	v2 =	vadd.f32 v23, v22  }
0x88: {  	v58 =	vadd.f32 v29, v28;
	v32 =	vadd.f32 v37, v36;
	v36 =	vld [tilespmem:$0x12BC0];
	[tilespmem:$0x12690] =	vst v21  }
0x89: {  	v37 =	vld [tilespmem:$0x12850];
	[tilespmem:$0x126A0] =	vst v2;
	v2 =	vadd.f32 v27, v26  }
0x8a: {  	v6 =	vld [tilespmem:$0x127C0];
	[tilespmem:$0x126D0] =	vst v58  }
0x8b: {  	v13 =	vld [tilespmem:$0x12B70];
	[tilespmem:$0x126C0] =	vst v2;
	v2 =	vadd.f32 v31, v30  }
0x8c: {  	v7 =	vld [tilespmem:$0x12B40];
	[tilespmem:$0x126F0] =	vst v61;
	v3 =	vadd.f32 v5, v3  }
0x8d: {  	v63 =	vld [tilespmem:$0x12830];
	[tilespmem:$0x126E0] =	vst v2;
	v2 =	vadd.f32 v35, v34  }
0x8e: {  	v58 =	vld [tilespmem:$0x128E0];
	[tilespmem:$0x127B0] =	vst v3;
	v3 =	vadd.f32 v9, v8  }
0x8f: {  	v61 =	vld [tilespmem:$0x12C70];
	[tilespmem:$0x12700] =	vst v2;
	v2 =	vadd.f32 v39, v38  }
0x90: {  	v10 =	vld [tilespmem:$0x127E0];
	[tilespmem:$0x127D0] =	vst v3;
	v3 =	vadd.f32 v13, v12  }
0x91: {  	v11 =	vld [tilespmem:$0x12B60];
	[tilespmem:$0x12720] =	vst v2;
	v2 =	vadd.f32 v43, v42  }
0x92: {  	v25 =	vadd.f32 v25, v24;
	v14 =	vld [tilespmem:$0x12800];
	[tilespmem:$0x127F0] =	vst v3  }
0x93: {  	v3 =	vadd.f32 v59, v57;
	v57 =	vld [tilespmem:$0x12C50];
	[tilespmem:$0x12740] =	vst v2;
	v2 =	vadd.f32 v47, v46  }
0x94: {  	[tilespmem:$0x126B0] =	vst v25;
	v59 =	vld [tilespmem:$0x12C60]  }
0x95: {  	v34 =	vld [tilespmem:$0x12840];
	[tilespmem:$0x12760] =	vst v2;
	v2 =	vadd.f32 v51, v50  }
0x96: {  	[tilespmem:$0x12710] =	vst v32;
	v35 =	vadd.f32 v41, v40;
	v40 =	vld [tilespmem:$0x12860]  }
0x97: {  	v41 =	vadd.f32 v49, v48;
	v48 =	vld [tilespmem:$0x12890];
	[tilespmem:$0x12780] =	vst v2;
	v2 =	vadd.f32 v55, v54  }
0x98: {  	[tilespmem:$0x12810] =	vst v3;
	v3 =	vadd.f32 v33, v63;
	v49 =	vld [tilespmem:$0x12C10]  }
0x99: {  	v39 =	vld [tilespmem:$0x12BD0];
	[tilespmem:$0x127A0] =	vst v2;
	v2 =	vadd.f32 v7, v6  }
0x9a: {  	[tilespmem:$0x12830] =	vst v3;
	v38 =	vadd.f32 v45, v44;
	v45 =	vld [tilespmem:$0x12BF0]  }
0x9b: {  	v44 =	vadd.f32 v53, v52;
	v52 =	vld [tilespmem:$0x128B0];
	[tilespmem:$0x127C0] =	vst v2;
	v2 =	vadd.f32 v11, v10  }
0x9c: {  	[tilespmem:$0x12730] =	vst v35;
	v53 =	vld [tilespmem:$0x12C30]  }
0x9d: {  	v42 =	vld [tilespmem:$0x12BE0];
	[tilespmem:$0x127E0] =	vst v2;
	v2 =	vadd.f32 v56, v14  }
0x9e: {  	[tilespmem:$0x12770] =	vst v41;
	v43 =	vld [tilespmem:$0x12870]  }
0x9f: {  	v46 =	vld [tilespmem:$0x12880];
	[tilespmem:$0x12800] =	vst v2;
	v2 =	vadd.f32 v62, v60  }
0xa0: {  	[tilespmem:$0x12750] =	vst v38;
	v47 =	vld [tilespmem:$0x12C00]  }
0xa1: {  	v50 =	vld [tilespmem:$0x128A0];
	[tilespmem:$0x12820] =	vst v2;
	v2 =	vadd.f32 v36, v34  }
0xa2: {  	[tilespmem:$0x12790] =	vst v44;
	v3 =	vadd.f32 v39, v37;
	v51 =	vld [tilespmem:$0x12C20]  }
0xa3: {  	v54 =	vld [tilespmem:$0x128C0];
	[tilespmem:$0x12840] =	vst v2;
	v2 =	vadd.f32 v42, v40  }
0xa4: {  	[tilespmem:$0x12850] =	vst v3;
	v3 =	vadd.f32 v45, v43;
	v55 =	vld [tilespmem:$0x12C40]  }
0xa5: {  	v56 =	vld [tilespmem:$0x128D0];
	[tilespmem:$0x12860] =	vst v2;
	v2 =	vadd.f32 v47, v46  }
0xa6: {  	v63 =	vld [tilespmem:$0x12C80];
	[tilespmem:$0x12870] =	vst v3;
	v3 =	vadd.f32 v49, v48  }
0xa7: {  	v60 =	vld [tilespmem:$0x128F0];
	[tilespmem:$0x12880] =	vst v2;
	v2 =	vadd.f32 v51, v50  }
0xa8: {  	[tilespmem:$0x12890] =	vst v3;
	v3 =	vadd.f32 v53, v52;
	v62 =	vld [tilespmem:$0x12900]  }
0xa9: {  	[tilespmem:$0x128A0] =	vst v2;
	v2 =	vadd.f32 v55, v54  }
0xaa: {  	p0 =	sne.s32 s19, $0xB7C00;
	[tilespmem:$0x128B0] =	vst v3;
	v3 =	vadd.f32 v57, v56  }
.Ltmp2:
0xab: {  	[tilespmem:$0x128C0] =	vst v2;
	v2 =	vadd.f32 v59, v58;
	(pc) =	sbr.rel @p0 .LBB2_6-.Ltmp2, $4  }
0xac: {  	[tilespmem:$0x128D0] =	vst v3;
	v3 =	vadd.f32 v61, v60  }
0xad: {  	[tilespmem:$0x128E0] =	vst v2;
	v2 =	vadd.f32 v63, v62  }
0xae: {  	[tilespmem:$0x128F0] =	vst v3  }
0xaf: {  	s19 =	sadd.s32 $0xC400, s19;
	[tilespmem:$0x12900] =	vst v2  }
0xb0: {  	[hbm4b:s6+s2] =	stream.linear.scatter [tilespmem:s14], [sflag:$0x2], $0x310, $0x38;
	[tilespmem:$0x15E00] =	vst v63  }
0xb1: {  	_ =	swait.ge [sflag:s13], $0x310  }
0xb2: {  	[sflag:s13] =	ssyncset.done $0x0  }
0xb3: {  	[sflag:s13] =	ssyncadd.s32 $0xFFFFFCF0  }
0xb4: {  	[bflag:$0x0] =	sbarrier.arrive $0xFFFF  }
0xb5: {  	[spmem:s4] =	stream.linear.scatter [tilespmem:s16], [sflag:$0x2], $0x3100, $0x38;
	[tilespmem:$0x15E00] =	vst v63  }
0xb6: {  	_ =	swait.ge [sflag:s13], $0x3100  }
0xb7: {  	[sflag:s13] =	ssyncset.done $0x0  }
0xb8: {  	[sflag:s13] =	ssyncadd.s32 $0xFFFFCF00  }
0xb9: {  	[bflag:$0x0] =	sbarrier.arrive $0xFFFF  }
0xba: {  	[tilespmem:s14], [sflag:$0x2] =	stream.linear.gather [spmem:s5], $0x310, $0x38;
	[tilespmem:$0x15E00] =	vst v63  }
0xbb: {  	_ =	swait.ge [sflag:s13], $0x310  }
0xbc: {  	[sflag:s13] =	ssyncset.done $0x0  }
0xbd: {  	s19 =	simm.s32 $0xC400;
	[sflag:s13] =	ssyncadd.s32 $0xFFFFFCF0  }
.LBB2_8:
0xbe: {  	s20 =	sshra.s32 s19, $0x2  }
0xbf: {  	s20 =	sadd.s32 s20, s5  }
0xc0: {  	[tilespmem:s15], [sflag:$0x2] =	stream.linear.gather [spmem:s20], $0x310, $0x38;
	[tilespmem:$0x15E00] =	vst v63  }
0xc1: {  	_ =	swait.ge [sflag:s13], $0x310  }
0xc2: {  	[sflag:s13] =	ssyncset.done $0x0  }
0xc3: {  	[sflag:s13] =	ssyncadd.s32 $0xFFFFFCF0  }
0xc4: {  	v2 =	vld [tilespmem:$0x12600]  }
0xc5: {  	v3 =	vld [tilespmem:$0x12980]  }
0xc6: {  	v4 =	vld [tilespmem:$0x12610]  }
0xc7: {  	v5 =	vld [tilespmem:$0x12990]  }
0xc8: {  	v6 =	vld [tilespmem:$0x12620]  }
0xc9: {  	v7 =	vld [tilespmem:$0x129A0]  }
0xca: {  	v8 =	vld [tilespmem:$0x12630]  }
0xcb: {  	v9 =	vld [tilespmem:$0x129B0]  }
0xcc: {  	v10 =	vld [tilespmem:$0x12640]  }
0xcd: {  	v11 =	vld [tilespmem:$0x129C0]  }
0xce: {  	v12 =	vld [tilespmem:$0x12650]  }
0xcf: {  	v13 =	vld [tilespmem:$0x129D0]  }
0xd0: {  	v14 =	vld [tilespmem:$0x12660]  }
0xd1: {  	v15 =	vld [tilespmem:$0x129E0]  }
0xd2: {  	v16 =	vld [tilespmem:$0x12670]  }
0xd3: {  	v17 =	vld [tilespmem:$0x129F0]  }
0xd4: {  	v18 =	vld [tilespmem:$0x12680]  }
0xd5: {  	v19 =	vld [tilespmem:$0x12A00]  }
0xd6: {  	v20 =	vld [tilespmem:$0x12690]  }
0xd7: {  	v21 =	vld [tilespmem:$0x12A10]  }
0xd8: {  	v22 =	vld [tilespmem:$0x126A0]  }
0xd9: {  	v23 =	vld [tilespmem:$0x12A20]  }
0xda: {  	v24 =	vld [tilespmem:$0x126B0]  }
0xdb: {  	v25 =	vld [tilespmem:$0x12A30]  }
0xdc: {  	v26 =	vld [tilespmem:$0x126C0]  }
0xdd: {  	v27 =	vld [tilespmem:$0x12A40]  }
0xde: {  	v28 =	vld [tilespmem:$0x126D0]  }
0xdf: {  	v29 =	vld [tilespmem:$0x12A50]  }
0xe0: {  	v30 =	vld [tilespmem:$0x126E0]  }
0xe1: {  	v31 =	vld [tilespmem:$0x12A60]  }
0xe2: {  	v32 =	vld [tilespmem:$0x126F0]  }
0xe3: {  	v33 =	vld [tilespmem:$0x12A70]  }
0xe4: {  	v34 =	vld [tilespmem:$0x12700]  }
0xe5: {  	v35 =	vld [tilespmem:$0x12A80]  }
0xe6: {  	v36 =	vld [tilespmem:$0x12710]  }
0xe7: {  	v37 =	vld [tilespmem:$0x12A90]  }
0xe8: {  	v38 =	vld [tilespmem:$0x12720]  }
0xe9: {  	v39 =	vld [tilespmem:$0x12AA0]  }
0xea: {  	v40 =	vld [tilespmem:$0x12730]  }
0xeb: {  	v41 =	vld [tilespmem:$0x12AB0]  }
0xec: {  	v42 =	vld [tilespmem:$0x12740]  }
0xed: {  	v43 =	vld [tilespmem:$0x12AC0]  }
0xee: {  	v44 =	vld [tilespmem:$0x12750]  }
0xef: {  	v45 =	vld [tilespmem:$0x12AD0]  }
0xf0: {  	v46 =	vld [tilespmem:$0x12760]  }
0xf1: {  	v47 =	vld [tilespmem:$0x12AE0]  }
0xf2: {  	v48 =	vld [tilespmem:$0x12770]  }
0xf3: {  	v49 =	vld [tilespmem:$0x12AF0]  }
0xf4: {  	v50 =	vld [tilespmem:$0x12780]  }
0xf5: {  	v51 =	vld [tilespmem:$0x12B00]  }
0xf6: {  	v52 =	vld [tilespmem:$0x12790]  }
0xf7: {  	v53 =	vld [tilespmem:$0x12B10]  }
0xf8: {  	v54 =	vld [tilespmem:$0x127A0]  }
0xf9: {  	v55 =	vld [tilespmem:$0x12B20]  }
0xfa: {  	v56 =	vld [tilespmem:$0x12B80];
	v2 =	vadd.f32 v3, v2  }
0xfb: {  	v57 =	vld [tilespmem:$0x12810];
	v4 =	vadd.f32 v5, v4  }
0xfc: {  	v59 =	vld [tilespmem:$0x12B90];
	[tilespmem:$0x12600] =	vst v2;
	v2 =	vadd.f32 v7, v6  }
0xfd: {  	v60 =	vld [tilespmem:$0x12820];
	v63 =	vadd.f32 v9, v8;
	[tilespmem:$0x12610] =	vst v4  }
0xfe: {  	v62 =	vld [tilespmem:$0x12BA0];
	[tilespmem:$0x12620] =	vst v2;
	v2 =	vadd.f32 v11, v10  }
0xff: {  	v3 =	vld [tilespmem:$0x127B0];
	v13 =	vadd.f32 v13, v12;
	[tilespmem:$0x12630] =	vst v63  }
0x100: {  	v5 =	vld [tilespmem:$0x12B30];
	[tilespmem:$0x12640] =	vst v2;
	v2 =	vadd.f32 v15, v14  }
0x101: {  	v8 =	vld [tilespmem:$0x127D0];
	v17 =	vadd.f32 v17, v16;
	[tilespmem:$0x12650] =	vst v13  }
0x102: {  	v9 =	vld [tilespmem:$0x12B50];
	[tilespmem:$0x12660] =	vst v2;
	v2 =	vadd.f32 v19, v18  }
0x103: {  	v12 =	vld [tilespmem:$0x127F0];
	v21 =	vadd.f32 v21, v20;
	[tilespmem:$0x12670] =	vst v17  }
0x104: {  	v61 =	vadd.f32 v33, v32;
	v33 =	vld [tilespmem:$0x12BB0];
	[tilespmem:$0x12680] =	vst v2;
	v2 =	vadd.f32 v23, v22  }
0x105: {  	v58 =	vadd.f32 v29, v28;
	v32 =	vadd.f32 v37, v36;
	v36 =	vld [tilespmem:$0x12BC0];
	[tilespmem:$0x12690] =	vst v21  }
0x106: {  	v37 =	vld [tilespmem:$0x12850];
	[tilespmem:$0x126A0] =	vst v2;
	v2 =	vadd.f32 v27, v26  }
0x107: {  	v6 =	vld [tilespmem:$0x127C0];
	[tilespmem:$0x126D0] =	vst v58  }
0x108: {  	v13 =	vld [tilespmem:$0x12B70];
	[tilespmem:$0x126C0] =	vst v2;
	v2 =	vadd.f32 v31, v30  }
0x109: {  	v7 =	vld [tilespmem:$0x12B40];
	[tilespmem:$0x126F0] =	vst v61;
	v3 =	vadd.f32 v5, v3  }
0x10a: {  	v63 =	vld [tilespmem:$0x12830];
	[tilespmem:$0x126E0] =	vst v2;
	v2 =	vadd.f32 v35, v34  }
0x10b: {  	v58 =	vld [tilespmem:$0x128E0];
	[tilespmem:$0x127B0] =	vst v3;
	v3 =	vadd.f32 v9, v8  }
0x10c: {  	v61 =	vld [tilespmem:$0x12C70];
	[tilespmem:$0x12700] =	vst v2;
	v2 =	vadd.f32 v39, v38  }
0x10d: {  	v10 =	vld [tilespmem:$0x127E0];
	[tilespmem:$0x127D0] =	vst v3;
	v3 =	vadd.f32 v13, v12  }
0x10e: {  	v11 =	vld [tilespmem:$0x12B60];
	[tilespmem:$0x12720] =	vst v2;
	v2 =	vadd.f32 v43, v42  }
0x10f: {  	v25 =	vadd.f32 v25, v24;
	v14 =	vld [tilespmem:$0x12800];
	[tilespmem:$0x127F0] =	vst v3  }
0x110: {  	v3 =	vadd.f32 v59, v57;
	v57 =	vld [tilespmem:$0x12C50];
	[tilespmem:$0x12740] =	vst v2;
	v2 =	vadd.f32 v47, v46  }
0x111: {  	[tilespmem:$0x126B0] =	vst v25;
	v59 =	vld [tilespmem:$0x12C60]  }
0x112: {  	v34 =	vld [tilespmem:$0x12840];
	[tilespmem:$0x12760] =	vst v2;
	v2 =	vadd.f32 v51, v50  }
0x113: {  	[tilespmem:$0x12710] =	vst v32;
	v35 =	vadd.f32 v41, v40;
	v40 =	vld [tilespmem:$0x12860]  }
0x114: {  	v41 =	vadd.f32 v49, v48;
	v48 =	vld [tilespmem:$0x12890];
	[tilespmem:$0x12780] =	vst v2;
	v2 =	vadd.f32 v55, v54  }
0x115: {  	[tilespmem:$0x12810] =	vst v3;
	v3 =	vadd.f32 v33, v63;
	v49 =	vld [tilespmem:$0x12C10]  }
0x116: {  	v39 =	vld [tilespmem:$0x12BD0];
	[tilespmem:$0x127A0] =	vst v2;
	v2 =	vadd.f32 v7, v6  }
0x117: {  	[tilespmem:$0x12830] =	vst v3;
	v38 =	vadd.f32 v45, v44;
	v45 =	vld [tilespmem:$0x12BF0]  }
0x118: {  	v44 =	vadd.f32 v53, v52;
	v52 =	vld [tilespmem:$0x128B0];
	[tilespmem:$0x127C0] =	vst v2;
	v2 =	vadd.f32 v11, v10  }
0x119: {  	[tilespmem:$0x12730] =	vst v35;
	v53 =	vld [tilespmem:$0x12C30]  }
0x11a: {  	v42 =	vld [tilespmem:$0x12BE0];
	[tilespmem:$0x127E0] =	vst v2;
	v2 =	vadd.f32 v56, v14  }
0x11b: {  	[tilespmem:$0x12770] =	vst v41;
	v43 =	vld [tilespmem:$0x12870]  }
0x11c: {  	v46 =	vld [tilespmem:$0x12880];
	[tilespmem:$0x12800] =	vst v2;
	v2 =	vadd.f32 v62, v60  }
0x11d: {  	[tilespmem:$0x12750] =	vst v38;
	v47 =	vld [tilespmem:$0x12C00]  }
0x11e: {  	v50 =	vld [tilespmem:$0x128A0];
	[tilespmem:$0x12820] =	vst v2;
	v2 =	vadd.f32 v36, v34  }
0x11f: {  	[tilespmem:$0x12790] =	vst v44;
	v3 =	vadd.f32 v39, v37;
	v51 =	vld [tilespmem:$0x12C20]  }
0x120: {  	v54 =	vld [tilespmem:$0x128C0];
	[tilespmem:$0x12840] =	vst v2;
	v2 =	vadd.f32 v42, v40  }
0x121: {  	[tilespmem:$0x12850] =	vst v3;
	v3 =	vadd.f32 v45, v43;
	v55 =	vld [tilespmem:$0x12C40]  }
0x122: {  	v56 =	vld [tilespmem:$0x128D0];
	[tilespmem:$0x12860] =	vst v2;
	v2 =	vadd.f32 v47, v46  }
0x123: {  	v63 =	vld [tilespmem:$0x12C80];
	[tilespmem:$0x12870] =	vst v3;
	v3 =	vadd.f32 v49, v48  }
0x124: {  	v60 =	vld [tilespmem:$0x128F0];
	[tilespmem:$0x12880] =	vst v2;
	v2 =	vadd.f32 v51, v50  }
0x125: {  	[tilespmem:$0x12890] =	vst v3;
	v3 =	vadd.f32 v53, v52;
	v62 =	vld [tilespmem:$0x12900]  }
0x126: {  	[tilespmem:$0x128A0] =	vst v2;
	v2 =	vadd.f32 v55, v54  }
0x127: {  	p0 =	sne.s32 s19, $0xB7C00;
	[tilespmem:$0x128B0] =	vst v3;
	v3 =	vadd.f32 v57, v56  }
.Ltmp3:
0x128: {  	[tilespmem:$0x128C0] =	vst v2;
	v2 =	vadd.f32 v59, v58;
	(pc) =	sbr.rel @p0 .LBB2_8-.Ltmp3, $4  }
0x129: {  	[tilespmem:$0x128D0] =	vst v3;
	v3 =	vadd.f32 v61, v60  }
0x12a: {  	[tilespmem:$0x128E0] =	vst v2;
	v2 =	vadd.f32 v63, v62  }
0x12b: {  	[tilespmem:$0x128F0] =	vst v3  }
0x12c: {  	s19 =	sadd.s32 $0xC400, s19;
	[tilespmem:$0x12900] =	vst v2  }
0x12d: {  	[hbm4b:s7+s2] =	stream.linear.scatter [tilespmem:s14], [sflag:$0x2], $0x310, $0x38;
	[tilespmem:$0x15E00] =	vst v63  }
0x12e: {  	_ =	swait.ge [sflag:s13], $0x310  }
0x12f: {  	[sflag:s13] =	ssyncset.done $0x0  }
0x130: {  	[sflag:s13] =	ssyncadd.s32 $0xFFFFFCF0  }
0x131: {  	s19 =	simm.s32 $0xC400;
	[bflag:$0x0] =	sbarrier.arrive $0xFFFF  }
0x132: {  	[spmem:s4] =	stream.linear.scatter [tilespmem:s19], [sflag:$0x2], $0x3100, $0x38;
	[tilespmem:$0x15E00] =	vst v63  }
0x133: {  	_ =	swait.ge [sflag:s13], $0x3100  }
0x134: {  	[sflag:s13] =	ssyncset.done $0x0  }
0x135: {  	[sflag:s13] =	ssyncadd.s32 $0xFFFFCF00  }
0x136: {  	[bflag:$0x0] =	sbarrier.arrive $0xFFFF  }
0x137: {  	[tilespmem:s14], [sflag:$0x2] =	stream.linear.gather [spmem:s5], $0x310, $0x38;
	[tilespmem:$0x15E00] =	vst v63  }
0x138: {  	_ =	swait.ge [sflag:s13], $0x310  }
0x139: {  	[sflag:s13] =	ssyncset.done $0x0  }
0x13a: {  	[sflag:s13] =	ssyncadd.s32 $0xFFFFFCF0  }
.LBB2_10:
0x13b: {  	s20 =	sshra.s32 s19, $0x2  }
0x13c: {  	s20 =	sadd.s32 s20, s5  }
0x13d: {  	[tilespmem:s15], [sflag:$0x2] =	stream.linear.gather [spmem:s20], $0x310, $0x38;
	[tilespmem:$0x15E00] =	vst v63  }
0x13e: {  	_ =	swait.ge [sflag:s13], $0x310  }
0x13f: {  	[sflag:s13] =	ssyncset.done $0x0  }
0x140: {  	[sflag:s13] =	ssyncadd.s32 $0xFFFFFCF0  }
0x141: {  	v2 =	vld [tilespmem:$0x12600]  }
0x142: {  	v3 =	vld [tilespmem:$0x12980]  }
0x143: {  	v4 =	vld [tilespmem:$0x12610]  }
0x144: {  	v5 =	vld [tilespmem:$0x12990]  }
0x145: {  	v6 =	vld [tilespmem:$0x12620]  }
0x146: {  	v7 =	vld [tilespmem:$0x129A0]  }
0x147: {  	v8 =	vld [tilespmem:$0x12630]  }
0x148: {  	v9 =	vld [tilespmem:$0x129B0]  }
0x149: {  	v10 =	vld [tilespmem:$0x12640]  }
0x14a: {  	v11 =	vld [tilespmem:$0x129C0]  }
0x14b: {  	v12 =	vld [tilespmem:$0x12650]  }
0x14c: {  	v13 =	vld [tilespmem:$0x129D0]  }
0x14d: {  	v14 =	vld [tilespmem:$0x12660]  }
0x14e: {  	v15 =	vld [tilespmem:$0x129E0]  }
0x14f: {  	v16 =	vld [tilespmem:$0x12670]  }
0x150: {  	v17 =	vld [tilespmem:$0x129F0]  }
0x151: {  	v18 =	vld [tilespmem:$0x12680]  }
0x152: {  	v19 =	vld [tilespmem:$0x12A00]  }
0x153: {  	v20 =	vld [tilespmem:$0x12690]  }
0x154: {  	v21 =	vld [tilespmem:$0x12A10]  }
0x155: {  	v22 =	vld [tilespmem:$0x126A0]  }
0x156: {  	v23 =	vld [tilespmem:$0x12A20]  }
0x157: {  	v24 =	vld [tilespmem:$0x126B0]  }
0x158: {  	v25 =	vld [tilespmem:$0x12A30]  }
0x159: {  	v26 =	vld [tilespmem:$0x126C0]  }
0x15a: {  	v27 =	vld [tilespmem:$0x12A40]  }
0x15b: {  	v28 =	vld [tilespmem:$0x126D0]  }
0x15c: {  	v29 =	vld [tilespmem:$0x12A50]  }
0x15d: {  	v30 =	vld [tilespmem:$0x126E0]  }
0x15e: {  	v31 =	vld [tilespmem:$0x12A60]  }
0x15f: {  	v32 =	vld [tilespmem:$0x126F0]  }
0x160: {  	v33 =	vld [tilespmem:$0x12A70]  }
0x161: {  	v34 =	vld [tilespmem:$0x12700]  }
0x162: {  	v35 =	vld [tilespmem:$0x12A80]  }
0x163: {  	v36 =	vld [tilespmem:$0x12710]  }
0x164: {  	v37 =	vld [tilespmem:$0x12A90]  }
0x165: {  	v38 =	vld [tilespmem:$0x12720]  }
0x166: {  	v39 =	vld [tilespmem:$0x12AA0]  }
0x167: {  	v40 =	vld [tilespmem:$0x12730]  }
0x168: {  	v41 =	vld [tilespmem:$0x12AB0]  }
0x169: {  	v42 =	vld [tilespmem:$0x12740]  }
0x16a: {  	v43 =	vld [tilespmem:$0x12AC0]  }
0x16b: {  	v44 =	vld [tilespmem:$0x12750]  }
0x16c: {  	v45 =	vld [tilespmem:$0x12AD0]  }
0x16d: {  	v46 =	vld [tilespmem:$0x12760]  }
0x16e: {  	v47 =	vld [tilespmem:$0x12AE0]  }
0x16f: {  	v48 =	vld [tilespmem:$0x12770]  }
0x170: {  	v49 =	vld [tilespmem:$0x12AF0]  }
0x171: {  	v50 =	vld [tilespmem:$0x12780]  }
0x172: {  	v51 =	vld [tilespmem:$0x12B00]  }
0x173: {  	v52 =	vld [tilespmem:$0x12790]  }
0x174: {  	v53 =	vld [tilespmem:$0x12B10]  }
0x175: {  	v54 =	vld [tilespmem:$0x127A0]  }
0x176: {  	v55 =	vld [tilespmem:$0x12B20]  }
0x177: {  	v56 =	vld [tilespmem:$0x12B80];
	v2 =	vadd.f32 v3, v2  }
0x178: {  	v57 =	vld [tilespmem:$0x12810];
	v4 =	vadd.f32 v5, v4  }
0x179: {  	v59 =	vld [tilespmem:$0x12B90];
	[tilespmem:$0x12600] =	vst v2;
	v2 =	vadd.f32 v7, v6  }
0x17a: {  	v60 =	vld [tilespmem:$0x12820];
	v63 =	vadd.f32 v9, v8;
	[tilespmem:$0x12610] =	vst v4  }
0x17b: {  	v62 =	vld [tilespmem:$0x12BA0];
	[tilespmem:$0x12620] =	vst v2;
	v2 =	vadd.f32 v11, v10  }
0x17c: {  	v3 =	vld [tilespmem:$0x127B0];
	v13 =	vadd.f32 v13, v12;
	[tilespmem:$0x12630] =	vst v63  }
0x17d: {  	v5 =	vld [tilespmem:$0x12B30];
	[tilespmem:$0x12640] =	vst v2;
	v2 =	vadd.f32 v15, v14  }
0x17e: {  	v8 =	vld [tilespmem:$0x127D0];
	v17 =	vadd.f32 v17, v16;
	[tilespmem:$0x12650] =	vst v13  }
0x17f: {  	v9 =	vld [tilespmem:$0x12B50];
	[tilespmem:$0x12660] =	vst v2;
	v2 =	vadd.f32 v19, v18  }
0x180: {  	v12 =	vld [tilespmem:$0x127F0];
	v21 =	vadd.f32 v21, v20;
	[tilespmem:$0x12670] =	vst v17  }
0x181: {  	v61 =	vadd.f32 v33, v32;
	v33 =	vld [tilespmem:$0x12BB0];
	[tilespmem:$0x12680] =	vst v2;
	v2 =	vadd.f32 v23, v22  }
0x182: {  	v58 =	vadd.f32 v29, v28;
	v32 =	vadd.f32 v37, v36;
	v36 =	vld [tilespmem:$0x12BC0];
	[tilespmem:$0x12690] =	vst v21  }
0x183: {  	v37 =	vld [tilespmem:$0x12850];
	[tilespmem:$0x126A0] =	vst v2;
	v2 =	vadd.f32 v27, v26  }
0x184: {  	v6 =	vld [tilespmem:$0x127C0];
	[tilespmem:$0x126D0] =	vst v58  }
0x185: {  	v13 =	vld [tilespmem:$0x12B70];
	[tilespmem:$0x126C0] =	vst v2;
	v2 =	vadd.f32 v31, v30  }
0x186: {  	v7 =	vld [tilespmem:$0x12B40];
	[tilespmem:$0x126F0] =	vst v61;
	v3 =	vadd.f32 v5, v3  }
0x187: {  	v63 =	vld [tilespmem:$0x12830];
	[tilespmem:$0x126E0] =	vst v2;
	v2 =	vadd.f32 v35, v34  }
0x188: {  	v58 =	vld [tilespmem:$0x128E0];
	[tilespmem:$0x127B0] =	vst v3;
	v3 =	vadd.f32 v9, v8  }
0x189: {  	v61 =	vld [tilespmem:$0x12C70];
	[tilespmem:$0x12700] =	vst v2;
	v2 =	vadd.f32 v39, v38  }
0x18a: {  	v10 =	vld [tilespmem:$0x127E0];
	[tilespmem:$0x127D0] =	vst v3;
	v3 =	vadd.f32 v13, v12  }
0x18b: {  	v11 =	vld [tilespmem:$0x12B60];
	[tilespmem:$0x12720] =	vst v2;
	v2 =	vadd.f32 v43, v42  }
0x18c: {  	v25 =	vadd.f32 v25, v24;
	v14 =	vld [tilespmem:$0x12800];
	[tilespmem:$0x127F0] =	vst v3  }
0x18d: {  	v3 =	vadd.f32 v59, v57;
	v57 =	vld [tilespmem:$0x12C50];
	[tilespmem:$0x12740] =	vst v2;
	v2 =	vadd.f32 v47, v46  }
0x18e: {  	[tilespmem:$0x126B0] =	vst v25;
	v59 =	vld [tilespmem:$0x12C60]  }
0x18f: {  	v34 =	vld [tilespmem:$0x12840];
	[tilespmem:$0x12760] =	vst v2;
	v2 =	vadd.f32 v51, v50  }
0x190: {  	[tilespmem:$0x12710] =	vst v32;
	v35 =	vadd.f32 v41, v40;
	v40 =	vld [tilespmem:$0x12860]  }
0x191: {  	v41 =	vadd.f32 v49, v48;
	v48 =	vld [tilespmem:$0x12890];
	[tilespmem:$0x12780] =	vst v2;
	v2 =	vadd.f32 v55, v54  }
0x192: {  	[tilespmem:$0x12810] =	vst v3;
	v3 =	vadd.f32 v33, v63;
	v49 =	vld [tilespmem:$0x12C10]  }
0x193: {  	v39 =	vld [tilespmem:$0x12BD0];
	[tilespmem:$0x127A0] =	vst v2;
	v2 =	vadd.f32 v7, v6  }
0x194: {  	[tilespmem:$0x12830] =	vst v3;
	v38 =	vadd.f32 v45, v44;
	v45 =	vld [tilespmem:$0x12BF0]  }
0x195: {  	v44 =	vadd.f32 v53, v52;
	v52 =	vld [tilespmem:$0x128B0];
	[tilespmem:$0x127C0] =	vst v2;
	v2 =	vadd.f32 v11, v10  }
0x196: {  	[tilespmem:$0x12730] =	vst v35;
	v53 =	vld [tilespmem:$0x12C30]  }
0x197: {  	v42 =	vld [tilespmem:$0x12BE0];
	[tilespmem:$0x127E0] =	vst v2;
	v2 =	vadd.f32 v56, v14  }
0x198: {  	[tilespmem:$0x12770] =	vst v41;
	v43 =	vld [tilespmem:$0x12870]  }
0x199: {  	v46 =	vld [tilespmem:$0x12880];
	[tilespmem:$0x12800] =	vst v2;
	v2 =	vadd.f32 v62, v60  }
0x19a: {  	[tilespmem:$0x12750] =	vst v38;
	v47 =	vld [tilespmem:$0x12C00]  }
0x19b: {  	v50 =	vld [tilespmem:$0x128A0];
	[tilespmem:$0x12820] =	vst v2;
	v2 =	vadd.f32 v36, v34  }
0x19c: {  	[tilespmem:$0x12790] =	vst v44;
	v3 =	vadd.f32 v39, v37;
	v51 =	vld [tilespmem:$0x12C20]  }
0x19d: {  	v54 =	vld [tilespmem:$0x128C0];
	[tilespmem:$0x12840] =	vst v2;
	v2 =	vadd.f32 v42, v40  }
0x19e: {  	[tilespmem:$0x12850] =	vst v3;
	v3 =	vadd.f32 v45, v43;
	v55 =	vld [tilespmem:$0x12C40]  }
0x19f: {  	v56 =	vld [tilespmem:$0x128D0];
	[tilespmem:$0x12860] =	vst v2;
	v2 =	vadd.f32 v47, v46  }
0x1a0: {  	v63 =	vld [tilespmem:$0x12C80];
	[tilespmem:$0x12870] =	vst v3;
	v3 =	vadd.f32 v49, v48  }
0x1a1: {  	v60 =	vld [tilespmem:$0x128F0];
	[tilespmem:$0x12880] =	vst v2;
	v2 =	vadd.f32 v51, v50  }
0x1a2: {  	[tilespmem:$0x12890] =	vst v3;
	v3 =	vadd.f32 v53, v52;
	v62 =	vld [tilespmem:$0x12900]  }
0x1a3: {  	[tilespmem:$0x128A0] =	vst v2;
	v2 =	vadd.f32 v55, v54  }
0x1a4: {  	p0 =	sne.s32 s19, $0xB7C00;
	[tilespmem:$0x128B0] =	vst v3;
	v3 =	vadd.f32 v57, v56  }
.Ltmp4:
0x1a5: {  	[tilespmem:$0x128C0] =	vst v2;
	v2 =	vadd.f32 v59, v58;
	(pc) =	sbr.rel @p0 .LBB2_10-.Ltmp4, $4  }
0x1a6: {  	[tilespmem:$0x128D0] =	vst v3;
	v3 =	vadd.f32 v61, v60  }
0x1a7: {  	[tilespmem:$0x128E0] =	vst v2;
	v2 =	vadd.f32 v63, v62  }
0x1a8: {  	[tilespmem:$0x128F0] =	vst v3  }
0x1a9: {  	s19 =	sadd.s32 $0xC400, s19;
	[tilespmem:$0x12900] =	vst v2  }
0x1aa: {  	[hbm4b:s8+s2] =	stream.linear.scatter [tilespmem:s14], [sflag:$0x2], $0x310, $0x38;
	[tilespmem:$0x15E00] =	vst v63  }
0x1ab: {  	_ =	swait.ge [sflag:s13], $0x310  }
0x1ac: {  	[sflag:s13] =	ssyncset.done $0x0  }
0x1ad: {  	[sflag:s13] =	ssyncadd.s32 $0xFFFFFCF0  }
0x1ae: {  	[bflag:$0x0] =	sbarrier.arrive $0xFFFF  }
0x1af: {  	[spmem:s4] =	stream.linear.scatter [tilespmem:s17], [sflag:$0x2], $0x3100, $0x38;
	[tilespmem:$0x15E00] =	vst v63  }
0x1b0: {  	_ =	swait.ge [sflag:s13], $0x3100  }
0x1b1: {  	[sflag:s13] =	ssyncset.done $0x0  }
0x1b2: {  	[sflag:s13] =	ssyncadd.s32 $0xFFFFCF00  }
0x1b3: {  	[bflag:$0x0] =	sbarrier.arrive $0xFFFF  }
0x1b4: {  	[tilespmem:s14], [sflag:$0x2] =	stream.linear.gather [spmem:s5], $0x310, $0x38;
	[tilespmem:$0x15E00] =	vst v63  }
0x1b5: {  	_ =	swait.ge [sflag:s13], $0x310  }
0x1b6: {  	[sflag:s13] =	ssyncset.done $0x0  }
0x1b7: {  	s19 =	simm.s32 $0xC400;
	[sflag:s13] =	ssyncadd.s32 $0xFFFFFCF0  }
.LBB2_12:
0x1b8: {  	s20 =	sshra.s32 s19, $0x2  }
0x1b9: {  	s20 =	sadd.s32 s20, s5  }
0x1ba: {  	[tilespmem:s15], [sflag:$0x2] =	stream.linear.gather [spmem:s20], $0x310, $0x38;
	[tilespmem:$0x15E00] =	vst v63  }
0x1bb: {  	_ =	swait.ge [sflag:s13], $0x310  }
0x1bc: {  	[sflag:s13] =	ssyncset.done $0x0  }
0x1bd: {  	[sflag:s13] =	ssyncadd.s32 $0xFFFFFCF0  }
0x1be: {  	v2 =	vld [tilespmem:$0x12600]  }
0x1bf: {  	v3 =	vld [tilespmem:$0x12980]  }
0x1c0: {  	v4 =	vld [tilespmem:$0x12610]  }
0x1c1: {  	v5 =	vld [tilespmem:$0x12990]  }
0x1c2: {  	v6 =	vld [tilespmem:$0x12620]  }
0x1c3: {  	v7 =	vld [tilespmem:$0x129A0]  }
0x1c4: {  	v8 =	vld [tilespmem:$0x12630]  }
0x1c5: {  	v9 =	vld [tilespmem:$0x129B0]  }
0x1c6: {  	v10 =	vld [tilespmem:$0x12640]  }
0x1c7: {  	v11 =	vld [tilespmem:$0x129C0]  }
0x1c8: {  	v12 =	vld [tilespmem:$0x12650]  }
0x1c9: {  	v13 =	vld [tilespmem:$0x129D0]  }
0x1ca: {  	v14 =	vld [tilespmem:$0x12660]  }
0x1cb: {  	v15 =	vld [tilespmem:$0x129E0]  }
0x1cc: {  	v16 =	vld [tilespmem:$0x12670]  }
0x1cd: {  	v17 =	vld [tilespmem:$0x129F0]  }
0x1ce: {  	v18 =	vld [tilespmem:$0x12680]  }
0x1cf: {  	v19 =	vld [tilespmem:$0x12A00]  }
0x1d0: {  	v20 =	vld [tilespmem:$0x12690]  }
0x1d1: {  	v21 =	vld [tilespmem:$0x12A10]  }
0x1d2: {  	v22 =	vld [tilespmem:$0x126A0]  }
0x1d3: {  	v23 =	vld [tilespmem:$0x12A20]  }
0x1d4: {  	v24 =	vld [tilespmem:$0x126B0]  }
0x1d5: {  	v25 =	vld [tilespmem:$0x12A30]  }
0x1d6: {  	v26 =	vld [tilespmem:$0x126C0]  }
0x1d7: {  	v27 =	vld [tilespmem:$0x12A40]  }
0x1d8: {  	v28 =	vld [tilespmem:$0x126D0]  }
0x1d9: {  	v29 =	vld [tilespmem:$0x12A50]  }
0x1da: {  	v30 =	vld [tilespmem:$0x126E0]  }
0x1db: {  	v31 =	vld [tilespmem:$0x12A60]  }
0x1dc: {  	v32 =	vld [tilespmem:$0x126F0]  }
0x1dd: {  	v33 =	vld [tilespmem:$0x12A70]  }
0x1de: {  	v34 =	vld [tilespmem:$0x12700]  }
0x1df: {  	v35 =	vld [tilespmem:$0x12A80]  }
0x1e0: {  	v36 =	vld [tilespmem:$0x12710]  }
0x1e1: {  	v37 =	vld [tilespmem:$0x12A90]  }
0x1e2: {  	v38 =	vld [tilespmem:$0x12720]  }
0x1e3: {  	v39 =	vld [tilespmem:$0x12AA0]  }
0x1e4: {  	v40 =	vld [tilespmem:$0x12730]  }
0x1e5: {  	v41 =	vld [tilespmem:$0x12AB0]  }
0x1e6: {  	v42 =	vld [tilespmem:$0x12740]  }
0x1e7: {  	v43 =	vld [tilespmem:$0x12AC0]  }
0x1e8: {  	v44 =	vld [tilespmem:$0x12750]  }
0x1e9: {  	v45 =	vld [tilespmem:$0x12AD0]  }
0x1ea: {  	v46 =	vld [tilespmem:$0x12760]  }
0x1eb: {  	v47 =	vld [tilespmem:$0x12AE0]  }
0x1ec: {  	v48 =	vld [tilespmem:$0x12770]  }
0x1ed: {  	v49 =	vld [tilespmem:$0x12AF0]  }
0x1ee: {  	v50 =	vld [tilespmem:$0x12780]  }
0x1ef: {  	v51 =	vld [tilespmem:$0x12B00]  }
0x1f0: {  	v52 =	vld [tilespmem:$0x12790]  }
0x1f1: {  	v53 =	vld [tilespmem:$0x12B10]  }
0x1f2: {  	v54 =	vld [tilespmem:$0x127A0]  }
0x1f3: {  	v55 =	vld [tilespmem:$0x12B20]  }
0x1f4: {  	v56 =	vld [tilespmem:$0x12B80];
	v2 =	vadd.f32 v3, v2  }
0x1f5: {  	v57 =	vld [tilespmem:$0x12810];
	v4 =	vadd.f32 v5, v4  }
0x1f6: {  	v59 =	vld [tilespmem:$0x12B90];
	[tilespmem:$0x12600] =	vst v2;
	v2 =	vadd.f32 v7, v6  }
0x1f7: {  	v60 =	vld [tilespmem:$0x12820];
	v63 =	vadd.f32 v9, v8;
	[tilespmem:$0x12610] =	vst v4  }
0x1f8: {  	v62 =	vld [tilespmem:$0x12BA0];
	[tilespmem:$0x12620] =	vst v2;
	v2 =	vadd.f32 v11, v10  }
0x1f9: {  	v3 =	vld [tilespmem:$0x127B0];
	v13 =	vadd.f32 v13, v12;
	[tilespmem:$0x12630] =	vst v63  }
0x1fa: {  	v5 =	vld [tilespmem:$0x12B30];
	[tilespmem:$0x12640] =	vst v2;
	v2 =	vadd.f32 v15, v14  }
0x1fb: {  	v8 =	vld [tilespmem:$0x127D0];
	v17 =	vadd.f32 v17, v16;
	[tilespmem:$0x12650] =	vst v13  }
0x1fc: {  	v9 =	vld [tilespmem:$0x12B50];
	[tilespmem:$0x12660] =	vst v2;
	v2 =	vadd.f32 v19, v18  }
0x1fd: {  	v12 =	vld [tilespmem:$0x127F0];
	v21 =	vadd.f32 v21, v20;
	[tilespmem:$0x12670] =	vst v17  }
0x1fe: {  	v61 =	vadd.f32 v33, v32;
	v33 =	vld [tilespmem:$0x12BB0];
	[tilespmem:$0x12680] =	vst v2;
	v2 =	vadd.f32 v23, v22  }
0x1ff: {  	v58 =	vadd.f32 v29, v28;
	v32 =	vadd.f32 v37, v36;
	v36 =	vld [tilespmem:$0x12BC0];
	[tilespmem:$0x12690] =	vst v21  }
0x200: {  	v37 =	vld [tilespmem:$0x12850];
	[tilespmem:$0x126A0] =	vst v2;
	v2 =	vadd.f32 v27, v26  }
0x201: {  	v6 =	vld [tilespmem:$0x127C0];
	[tilespmem:$0x126D0] =	vst v58  }
0x202: {  	v13 =	vld [tilespmem:$0x12B70];
	[tilespmem:$0x126C0] =	vst v2;
	v2 =	vadd.f32 v31, v30  }
0x203: {  	v7 =	vld [tilespmem:$0x12B40];
	[tilespmem:$0x126F0] =	vst v61;
	v3 =	vadd.f32 v5, v3  }
0x204: {  	v63 =	vld [tilespmem:$0x12830];
	[tilespmem:$0x126E0] =	vst v2;
	v2 =	vadd.f32 v35, v34  }
0x205: {  	v58 =	vld [tilespmem:$0x128E0];
	[tilespmem:$0x127B0] =	vst v3;
	v3 =	vadd.f32 v9, v8  }
0x206: {  	v61 =	vld [tilespmem:$0x12C70];
	[tilespmem:$0x12700] =	vst v2;
	v2 =	vadd.f32 v39, v38  }
0x207: {  	v10 =	vld [tilespmem:$0x127E0];
	[tilespmem:$0x127D0] =	vst v3;
	v3 =	vadd.f32 v13, v12  }
0x208: {  	v11 =	vld [tilespmem:$0x12B60];
	[tilespmem:$0x12720] =	vst v2;
	v2 =	vadd.f32 v43, v42  }
0x209: {  	v25 =	vadd.f32 v25, v24;
	v14 =	vld [tilespmem:$0x12800];
	[tilespmem:$0x127F0] =	vst v3  }
0x20a: {  	v3 =	vadd.f32 v59, v57;
	v57 =	vld [tilespmem:$0x12C50];
	[tilespmem:$0x12740] =	vst v2;
	v2 =	vadd.f32 v47, v46  }
0x20b: {  	[tilespmem:$0x126B0] =	vst v25;
	v59 =	vld [tilespmem:$0x12C60]  }
0x20c: {  	v34 =	vld [tilespmem:$0x12840];
	[tilespmem:$0x12760] =	vst v2;
	v2 =	vadd.f32 v51, v50  }
0x20d: {  	[tilespmem:$0x12710] =	vst v32;
	v35 =	vadd.f32 v41, v40;
	v40 =	vld [tilespmem:$0x12860]  }
0x20e: {  	v41 =	vadd.f32 v49, v48;
	v48 =	vld [tilespmem:$0x12890];
	[tilespmem:$0x12780] =	vst v2;
	v2 =	vadd.f32 v55, v54  }
0x20f: {  	[tilespmem:$0x12810] =	vst v3;
	v3 =	vadd.f32 v33, v63;
	v49 =	vld [tilespmem:$0x12C10]  }
0x210: {  	v39 =	vld [tilespmem:$0x12BD0];
	[tilespmem:$0x127A0] =	vst v2;
	v2 =	vadd.f32 v7, v6  }
0x211: {  	[tilespmem:$0x12830] =	vst v3;
	v38 =	vadd.f32 v45, v44;
	v45 =	vld [tilespmem:$0x12BF0]  }
0x212: {  	v44 =	vadd.f32 v53, v52;
	v52 =	vld [tilespmem:$0x128B0];
	[tilespmem:$0x127C0] =	vst v2;
	v2 =	vadd.f32 v11, v10  }
0x213: {  	[tilespmem:$0x12730] =	vst v35;
	v53 =	vld [tilespmem:$0x12C30]  }
0x214: {  	v42 =	vld [tilespmem:$0x12BE0];
	[tilespmem:$0x127E0] =	vst v2;
	v2 =	vadd.f32 v56, v14  }
0x215: {  	[tilespmem:$0x12770] =	vst v41;
	v43 =	vld [tilespmem:$0x12870]  }
0x216: {  	v46 =	vld [tilespmem:$0x12880];
	[tilespmem:$0x12800] =	vst v2;
	v2 =	vadd.f32 v62, v60  }
0x217: {  	[tilespmem:$0x12750] =	vst v38;
	v47 =	vld [tilespmem:$0x12C00]  }
0x218: {  	v50 =	vld [tilespmem:$0x128A0];
	[tilespmem:$0x12820] =	vst v2;
	v2 =	vadd.f32 v36, v34  }
0x219: {  	[tilespmem:$0x12790] =	vst v44;
	v3 =	vadd.f32 v39, v37;
	v51 =	vld [tilespmem:$0x12C20]  }
0x21a: {  	v54 =	vld [tilespmem:$0x128C0];
	[tilespmem:$0x12840] =	vst v2;
	v2 =	vadd.f32 v42, v40  }
0x21b: {  	[tilespmem:$0x12850] =	vst v3;
	v3 =	vadd.f32 v45, v43;
	v55 =	vld [tilespmem:$0x12C40]  }
0x21c: {  	v56 =	vld [tilespmem:$0x128D0];
	[tilespmem:$0x12860] =	vst v2;
	v2 =	vadd.f32 v47, v46  }
0x21d: {  	v63 =	vld [tilespmem:$0x12C80];
	[tilespmem:$0x12870] =	vst v3;
	v3 =	vadd.f32 v49, v48  }
0x21e: {  	v60 =	vld [tilespmem:$0x128F0];
	[tilespmem:$0x12880] =	vst v2;
	v2 =	vadd.f32 v51, v50  }
0x21f: {  	[tilespmem:$0x12890] =	vst v3;
	v3 =	vadd.f32 v53, v52;
	v62 =	vld [tilespmem:$0x12900]  }
0x220: {  	[tilespmem:$0x128A0] =	vst v2;
	v2 =	vadd.f32 v55, v54  }
0x221: {  	p0 =	sne.s32 s19, $0xB7C00;
	[tilespmem:$0x128B0] =	vst v3;
	v3 =	vadd.f32 v57, v56  }
.Ltmp5:
0x222: {  	[tilespmem:$0x128C0] =	vst v2;
	v2 =	vadd.f32 v59, v58;
	(pc) =	sbr.rel @p0 .LBB2_12-.Ltmp5, $4  }
0x223: {  	[tilespmem:$0x128D0] =	vst v3;
	v3 =	vadd.f32 v61, v60  }
0x224: {  	[tilespmem:$0x128E0] =	vst v2;
	v2 =	vadd.f32 v63, v62  }
0x225: {  	[tilespmem:$0x128F0] =	vst v3  }
0x226: {  	s19 =	sadd.s32 $0xC400, s19;
	[tilespmem:$0x12900] =	vst v2  }
0x227: {  	[hbm4b:s9+s2] =	stream.linear.scatter [tilespmem:s14], [sflag:$0x2], $0x310, $0x38;
	[tilespmem:$0x15E00] =	vst v63  }
0x228: {  	s18 =	sadd.s32 $0x1, s18  }
0x229: {  	p0 =	sne.s32 s18, s10  }
.Ltmp6:
0x22a: {  	_ =	swait.ge [sflag:s13], $0x310;
	(pc) =	sbr.rel @p0 .LBB2_1-.Ltmp6, $3  }
0x22b: {  	[sflag:s13] =	ssyncset.done $0x0  }
0x22c: {  	[sflag:s13] =	ssyncadd.s32 $0xFFFFFCF0  }
0x22d: {  	[bflag:$0x0] =	sbarrier.arrive $0xFFFF;
	_ =	sdelay $0x1  }
0x22e: {  	_ =	sfence.sel $0x180000  }
0x22f: {  	[bflag:$0x0] =	sbarrier.arrive $0xFFFF  }
0x230: {  	p0 =	sne.s32 s1, $0x0;
	_ =	strace $0x90000047  }
0x231: {  	s0 =	sadd.s32 @!p0 $0x100000, s0;
	[bflag:$0x2] =	sbarrier.arrive $0xFFFF  }
0x232: {  	[sflag:s0] =	ssyncadd.tile.s32 @!p0 $0x1;
	_ =	shalt  }
.Lfunc_end2:
_tile_overlayer_lowered:
.L_overlay_start_2:
0x233: {  	(tag) =	ssettag $0x2  }
0x234: {  	s0 =	rddreg [dreg:$0x0];
	s2 =	stileid.u32  }
0x235: {  	s1 =	rddreg [dreg:$0x1];
	p0 =	sne.s32 s2, $0x0  }
0x236: {  	s3 =	rddreg [dreg:$0x2];
	[bflag:$0x3] =	sbarrier.arrive $0xFFFF;
	s2 =	simm.s32 @!p0 $0x1C02  }
0x237: {  	[timem:s3], [sflag:s2] =	dma.local @!p0 [hbm:s0], s1  }
0x238: {  	s0 =	simm.s32 @!p0 $0x2  }
0x239: {  	_ =	swait.ge @!p0 [sflag:s0], s1  }
0x23a: {  	s1 =	ssub.s32 @!p0 $0x0, s1;
	[sflag:s0] =	ssyncset.done @!p0 $0x0  }
0x23b: {  	[sflag:s0] =	ssyncadd.s32 @!p0 s1  }
0x23c: {  	[bflag:$0x3] =	sbarrier.arrive $0xFFFF  }
0x23d: {  	_ =	shalt  }

</sc_bundles>
